<compile_context>
chip_gen: v7x
topology: tpu7x:2x2x1
jax: 0.10.2.dev20260603
libtpu: 0.0.44.dev20260713+nightly
codegen_flags: <defaults>
</compile_context>

<pallas_src>
import functools

import jax
import jax.numpy as jnp
from jax import lax
from jax.experimental import pallas as pl
from jax.experimental.pallas import tpu as pltpu
from jax.experimental.pallas import tpu_sc as plsc

N, L, D = 32, 1024, 256
B = N * L
LANES = 16
NUM_WORKERS = 32
B_PER_W = B // NUM_WORKERS
CHUNK = 128
N_CHUNKS = B_PER_W // CHUNK
REPS = 32


def _make_lookup():
  mesh = plsc.VectorSubcoreMesh(core_axis_name="c", subcore_axis_name="s")

  @functools.partial(
      pl.kernel,
      mesh=mesh,
      out_type=jax.ShapeDtypeStruct((B, D), jnp.float32),
      scratch_types=[
          pltpu.VMEM((B_PER_W,), jnp.int32),
          pltpu.VMEM((B_PER_W,), jnp.int32),
          pltpu.VMEM((CHUNK, D), jnp.float32),
          pltpu.VMEM((CHUNK, D), jnp.float32),
          pltpu.VMEM((CHUNK, D), jnp.float32),
          pltpu.SemaphoreType.DMA,
          pltpu.SemaphoreType.DMA,
          pltpu.SemaphoreType.DMA,
          pltpu.SemaphoreType.DMA,
          pltpu.SemaphoreType.DMA,
          pltpu.SemaphoreType.DMA,
      ],
  )
  def lookup(aa_hbm, mask_hbm, table_hbm, out_hbm, idx_v, mask_v, rows_a,
             rows_b, rows_c, sg_a, sg_b, sg_c, ss_a, ss_b, ss_c):
    wid = lax.axis_index("s") * 2 + lax.axis_index("c")
    base = wid * B_PER_W
    pltpu.sync_copy(aa_hbm.at[pl.ds(base, B_PER_W)], idx_v)
    pltpu.sync_copy(mask_hbm.at[pl.ds(base, B_PER_W)], mask_v)
    tab_base = wid * (8 * REPS)
    for j in range(B_PER_W // LANES):
      sl = pl.ds(j * LANES, LANES)
      a = idx_v[sl]
      m = mask_v[sl]
      idx_v[sl] = jnp.where(m == 0, jnp.int32(7), a) + (
          tab_base + (j % REPS) * 8
      )
    rows = (rows_a, rows_b, rows_c)
    sg = (sg_a, sg_b, sg_c)
    ss = (ss_a, ss_b, ss_c)
    nbuf = len(rows)
    g = [None] * N_CHUNKS
    s = [None] * N_CHUNKS
    for c in range(N_CHUNKS):
      b = c % nbuf
      if c >= nbuf:
        s[c - nbuf].wait()
      g[c] = pltpu.async_copy(
          table_hbm.at[idx_v.at[pl.ds(c * CHUNK, CHUNK)]], rows[b], sg[b]
      )
      if c >= 1:
        p = c - 1
        g[p].wait()
        s[p] = pltpu.async_copy(
            rows[p % nbuf], out_hbm.at[pl.ds(base + p * CHUNK, CHUNK)],
            ss[p % nbuf]
        )
    last = N_CHUNKS - 1
    g[last].wait()
    s[last] = pltpu.async_copy(
        rows[last % nbuf], out_hbm.at[pl.ds(base + last * CHUNK, CHUNK)],
        ss[last % nbuf]
    )
    for c in range(max(0, N_CHUNKS - nbuf), N_CHUNKS):
      s[c].wait()

  return lookup


_lookup = _make_lookup()


def kernel(aa, res_nb, chain_nb, pos_atoms, mask_atoms, fragment_type, emb_table):
  aa_flat = aa.reshape(B).astype(jnp.int32)
  mask_flat = mask_atoms[:, :, 0].reshape(B).astype(jnp.int32)
  table_ext = jnp.concatenate(
      [emb_table.astype(jnp.float32), jnp.zeros((1, D), jnp.float32)], axis=0
  )
  table_rep = jnp.tile(table_ext, (NUM_WORKERS * REPS, 1))
  out = _lookup(aa_flat, mask_flat, table_rep)
  return out.reshape(N, L, D)

# --- scband reference (transcript-rebuilt; emitter-appended) ---
"""Pipeline reference for scband-atom-embedding-61942018343634 (READ-ONLY COPY).

The authoritative reference and input builder live on the scoring server;
editing this copy changes nothing except your own understanding.
"""

import jax, jax.numpy as jnp
import numpy as np

N, L, A, D = 32, 1024, 15, 256
VOCAB = 7  # max_aaa_types + 1
MAX_NUM_ATOMS = 5  # hard-coded in module: self.max_num_atoms = 5


def setup_inputs(seed: int = 0) -> dict:
    key = jax.random.key(seed)
    k1, k2, k3, k4, k5, k6 = jax.random.split(key, 6)
    aa = jax.random.randint(k1, (N, L), 0, VOCAB, dtype=jnp.int64 if jax.config.jax_enable_x64 else jnp.int32)
    res_nb = jax.random.randint(k2, (N, L), 0, 1024)
    chain_nb = jax.random.randint(k3, (N, L), 0, 4)
    pos_atoms = jax.random.normal(k4, (N, L, A, 3), dtype=jnp.float32)
    mask_atoms = jnp.ones((N, L, A), dtype=bool)
    fragment_type = jax.random.randint(k5, (N, L), 0, 3)
    # learned parameter: token embedding table (max_aaa_types + 1, feat_dim)
    emb_table = jax.random.normal(k6, (VOCAB, D), dtype=jnp.float32) * 0.02
    return {
        "aa": aa,
        "res_nb": res_nb,
        "chain_nb": chain_nb,
        "pos_atoms": pos_atoms,
        "mask_atoms": mask_atoms,
        "fragment_type": fragment_type,
        "emb_table": emb_table,
    }


def reference(aa, res_nb, chain_nb, pos_atoms, mask_atoms, fragment_type, emb_table):
    # Visible forward prologue: truncate atoms to self.max_num_atoms (= 5)
    pos_atoms = pos_atoms[:, :, :MAX_NUM_ATOMS]
    mask_atoms = mask_atoms[:, :, :MAX_NUM_ATOMS]
    # Core embedding lookup: x = self.embedding(aa)  (SparseCore gather)
    x = jnp.take(emb_table, aa, axis=0)  # (N, L, D)
    # Residue validity mask derived from CA atom presence (atom index 0)
    mask_res = mask_atoms[:, :, 0].astype(x.dtype)  # (N, L)
    x = x * mask_res[..., None]
    return x

if __name__ == "__main__":
    import jax
    _d = setup_inputs()
    print(jax.jit(kernel)(*tuple(_d.values())))

</pallas_src>

<mosaic_0001>
#map = affine_map<(d0, d1) -> (0)>
#map1 = affine_map<(d0, d1) -> (0, 0)>
module attributes {stable_mosaic.version = 14 : i64} {
  func.func @lookup(%arg0: i32, %arg1: i32, %arg2: memref<32768xi32, #tpu.memory_space<hbm>>, %arg3: memref<32768xi32, #tpu.memory_space<hbm>>, %arg4: memref<8192x256xf32, #tpu.memory_space<hbm>>, %arg5: memref<32768x256xf32, #tpu.memory_space<hbm>>, %arg6: memref<1024xi32, #tpu.memory_space<vmem>>, %arg7: memref<1024xi32, #tpu.memory_space<vmem>>, %arg8: memref<128x256xf32, #tpu.memory_space<vmem>>, %arg9: memref<128x256xf32, #tpu.memory_space<vmem>>, %arg10: memref<128x256xf32, #tpu.memory_space<vmem>>, %arg11: memref<!tpu.dma_semaphore, #tpu.memory_space<semaphore_mem>>, %arg12: memref<!tpu.dma_semaphore, #tpu.memory_space<semaphore_mem>>, %arg13: memref<!tpu.dma_semaphore, #tpu.memory_space<semaphore_mem>>, %arg14: memref<!tpu.dma_semaphore, #tpu.memory_space<semaphore_mem>>, %arg15: memref<!tpu.dma_semaphore, #tpu.memory_space<semaphore_mem>>, %arg16: memref<!tpu.dma_semaphore, #tpu.memory_space<semaphore_mem>>) attributes {dimension_semantics = [#tpu.dimension_semantics<core_parallel>, #tpu.dimension_semantics<subcore_parallel>], iteration_bounds = array<i64: 2, 16>, scalar_prefetch = 0 : i64, scratch_operands = 11 : i64, tpu.core_type = #tpu.core_type<sc_vector_subcore>, window_params = [{transform_indices = #map}, {transform_indices = #map}, {transform_indices = #map1}, {transform_indices = #map1}]} {
    %mul3A = arith.constant 2 : i32
    %mul3A_0 = arith.muli %arg1, %mul3A : i32
    %add3A = arith.addi %mul3A_0, %arg0 : i32
    %mul3A_1 = arith.constant 1024 : i32
    %mul3A_2 = arith.muli %add3A, %mul3A_1 : i32
    "tpu.region"() ({
      %run_scoped3A = tpu.sem_alloc : memref<!tpu.dma_semaphore, #tpu.memory_space<semaphore_mem>>
      %dma_start3A_1437 = tpu.memref_slice %arg2[%mul3A_2] : memref<32768xi32, #tpu.memory_space<hbm>> -> memref<1024xi32, #tpu.memory_space<hbm>>
      %dma_start3A_1438 = tpu.memref_slice %arg2[%mul3A_2] : memref<32768xi32, #tpu.memory_space<hbm>> -> memref<1024xi32, #tpu.memory_space<hbm>>
      tpu.enqueue_dma source(%dma_start3A_1438 : memref<1024xi32, #tpu.memory_space<hbm>>) target(%arg6 : memref<1024xi32, #tpu.memory_space<vmem>>) target_semaphore(%run_scoped3A : memref<!tpu.dma_semaphore, #tpu.memory_space<semaphore_mem>>)
      %dma_wait3A_1439 = tpu.memref_slice %arg2[%mul3A_2] : memref<32768xi32, #tpu.memory_space<hbm>> -> memref<1024xi32, #tpu.memory_space<hbm>>
      %dma_wait3A_1440 = tpu.memref_slice %arg2[%mul3A_2] : memref<32768xi32, #tpu.memory_space<hbm>> -> memref<1024xi32, #tpu.memory_space<hbm>>
      tpu.wait_dma2 semaphore(%run_scoped3A : memref<!tpu.dma_semaphore, #tpu.memory_space<semaphore_mem>>) src(%dma_wait3A_1440 : memref<1024xi32, #tpu.memory_space<hbm>>) dst(%arg6 : memref<1024xi32, #tpu.memory_space<vmem>>)
      tpu.yield
    }) : () -> ()
    "tpu.region"() ({
      %run_scoped3A = tpu.sem_alloc : memref<!tpu.dma_semaphore, #tpu.memory_space<semaphore_mem>>
      %dma_start3A_1437 = tpu.memref_slice %arg3[%mul3A_2] : memref<32768xi32, #tpu.memory_space<hbm>> -> memref<1024xi32, #tpu.memory_space<hbm>>
      %dma_start3A_1438 = tpu.memref_slice %arg3[%mul3A_2] : memref<32768xi32, #tpu.memory_space<hbm>> -> memref<1024xi32, #tpu.memory_space<hbm>>
      tpu.enqueue_dma source(%dma_start3A_1438 : memref<1024xi32, #tpu.memory_space<hbm>>) target(%arg7 : memref<1024xi32, #tpu.memory_space<vmem>>) target_semaphore(%run_scoped3A : memref<!tpu.dma_semaphore, #tpu.memory_space<semaphore_mem>>)
      %dma_wait3A_1439 = tpu.memref_slice %arg3[%mul3A_2] : memref<32768xi32, #tpu.memory_space<hbm>> -> memref<1024xi32, #tpu.memory_space<hbm>>
      %dma_wait3A_1440 = tpu.memref_slice %arg3[%mul3A_2] : memref<32768xi32, #tpu.memory_space<hbm>> -> memref<1024xi32, #tpu.memory_space<hbm>>
      tpu.wait_dma2 semaphore(%run_scoped3A : memref<!tpu.dma_semaphore, #tpu.memory_space<semaphore_mem>>) src(%dma_wait3A_1440 : memref<1024xi32, #tpu.memory_space<hbm>>) dst(%arg7 : memref<1024xi32, #tpu.memory_space<vmem>>)
      tpu.yield
    }) : () -> ()
    %mul3A_3 = arith.constant 256 : i32
    %mul3A_4 = arith.muli %add3A, %mul3A_3 : i32
    %get3A = arith.constant 0 : index
    %get3A_5 = tpu.vector_load %arg6[%get3A] {strides = array<i32>} : memref<1024xi32, #tpu.memory_space<vmem>>, vector<16xi32>,
    %get3A_6 = vector.shape_cast %get3A_5 : vector<16xi32> to vector<16xi32>
    %get3A_7 = arith.constant 0 : index
    %get3A_8 = tpu.vector_load %arg7[%get3A_7] {strides = array<i32>} : memref<1024xi32, #tpu.memory_space<vmem>>, vector<16xi32>,
    %get3A_9 = vector.shape_cast %get3A_8 : vector<16xi32> to vector<16xi32>
    %eq3A = arith.constant 0 : i32
    %eq3A_10 = vector.broadcast %eq3A : i32 to vector<16xi32>
    %eq3A_11 = arith.cmpi eq, %get3A_9, %eq3A_10 : vector<16xi32>
    %jit3A = arith.constant 7 : i32
    %broadcast_in_dim3A = vector.broadcast %jit3A : i32 to vector<16xi32>
    %select_n3A = arith.select %eq3A_11, %broadcast_in_dim3A, %get3A_6 : vector<16xi1>, vector<16xi32>
    %add3A_12 = arith.constant 0 : i32
    %add3A_13 = arith.addi %mul3A_4, %add3A_12 : i32
    %add3A_14 = vector.broadcast %add3A_13 : i32 to vector<16xi32>
    %add3A_15 = arith.addi %select_n3A, %add3A_14 : vector<16xi32>
    %swap3A = arith.constant 0 : index
    %swap3A_16 = tpu.vector_load %arg6[%swap3A] {strides = array<i32>} : memref<1024xi32, #tpu.memory_space<vmem>>, vector<16xi32>,
    %swap3A_17 = vector.shape_cast %swap3A_16 : vector<16xi32> to vector<16xi32>
    %swap3A_18 = vector.shape_cast %add3A_15 : vector<16xi32> to vector<16xi32>
    tpu.vector_store %arg6[%swap3A], %swap3A_18 {strides = array<i32>} : memref<1024xi32, #tpu.memory_space<vmem>>, vector<16xi32>,
    %get3A_19 = arith.constant 16 : index
    %get3A_20 = tpu.vector_load %arg6[%get3A_19] {strides = array<i32>} : memref<1024xi32, #tpu.memory_space<vmem>>, vector<16xi32>,
    %get3A_21 = vector.shape_cast %get3A_20 : vector<16xi32> to vector<16xi32>
    %get3A_22 = arith.constant 16 : index
    %get3A_23 = tpu.vector_load %arg7[%get3A_22] {strides = array<i32>} : memref<1024xi32, #tpu.memory_space<vmem>>, vector<16xi32>,
    %get3A_24 = vector.shape_cast %get3A_23 : vector<16xi32> to vector<16xi32>
    %eq3A_25 = arith.constant 0 : i32
    %eq3A_26 = vector.broadcast %eq3A_25 : i32 to vector<16xi32>
    %eq3A_27 = arith.cmpi eq, %get3A_24, %eq3A_26 : vector<16xi32>
    %jit3A_28 = arith.constant 7 : i32
    %broadcast_in_dim3A_29 = vector.broadcast %jit3A_28 : i32 to vector<16xi32>
    %select_n3A_30 = arith.select %eq3A_27, %broadcast_in_dim3A_29, %get3A_21 : vector<16xi1>, vector<16xi32>
    %add3A_31 = arith.constant 8 : i32
    %add3A_32 = arith.addi %mul3A_4, %add3A_31 : i32
    %add3A_33 = vector.broadcast %add3A_32 : i32 to vector<16xi32>
    %add3A_34 = arith.addi %select_n3A_30, %add3A_33 : vector<16xi32>
    %swap3A_35 = arith.constant 16 : index
    %swap3A_36 = tpu.vector_load %arg6[%swap3A_35] {strides = array<i32>} : memref<1024xi32, #tpu.memory_space<vmem>>, vector<16xi32>,
    %swap3A_37 = vector.shape_cast %swap3A_36 : vector<16xi32> to vector<16xi32>
    %swap3A_38 = vector.shape_cast %add3A_34 : vector<16xi32> to vector<16xi32>
    tpu.vector_store %arg6[%swap3A_35], %swap3A_38 {strides = array<i32>} : memref<1024xi32, #tpu.memory_space<vmem>>, vector<16xi32>,
    %get3A_39 = arith.constant 32 : index
    %get3A_40 = tpu.vector_load %arg6[%get3A_39] {strides = array<i32>} : memref<1024xi32, #tpu.memory_space<vmem>>, vector<16xi32>,
    %get3A_41 = vector.shape_cast %get3A_40 : vector<16xi32> to vector<16xi32>
    %get3A_42 = arith.constant 32 : index
    %get3A_43 = tpu.vector_load %arg7[%get3A_42] {strides = array<i32>} : memref<1024xi32, #tpu.memory_space<vmem>>, vector<16xi32>,
    %get3A_44 = vector.shape_cast %get3A_43 : vector<16xi32> to vector<16xi32>
    %eq3A_45 = arith.constant 0 : i32
    %eq3A_46 = vector.broadcast %eq3A_45 : i32 to vector<16xi32>
    %eq3A_47 = arith.cmpi eq, %get3A_44, %eq3A_46 : vector<16xi32>
    %jit3A_48 = arith.constant 7 : i32
    %broadcast_in_dim3A_49 = vector.broadcast %jit3A_48 : i32 to vector<16xi32>
    %select_n3A_50 = arith.select %eq3A_47, %broadcast_in_dim3A_49, %get3A_41 : vector<16xi1>, vector<16xi32>
    %add3A_51 = arith.constant 16 : i32
    %add3A_52 = arith.addi %mul3A_4, %add3A_51 : i32
    %add3A_53 = vector.broadcast %add3A_52 : i32 to vector<16xi32>
    %add3A_54 = arith.addi %select_n3A_50, %add3A_53 : vector<16xi32>
    %swap3A_55 = arith.constant 32 : index
    %swap3A_56 = tpu.vector_load %arg6[%swap3A_55] {strides = array<i32>} : memref<1024xi32, #tpu.memory_space<vmem>>, vector<16xi32>,
    %swap3A_57 = vector.shape_cast %swap3A_56 : vector<16xi32> to vector<16xi32>
    %swap3A_58 = vector.shape_cast %add3A_54 : vector<16xi32> to vector<16xi32>
    tpu.vector_store %arg6[%swap3A_55], %swap3A_58 {strides = array<i32>} : memref<1024xi32, #tpu.memory_space<vmem>>, vector<16xi32>,
    %get3A_59 = arith.constant 48 : index
    %get3A_60 = tpu.vector_load %arg6[%get3A_59] {strides = array<i32>} : memref<1024xi32, #tpu.memory_space<vmem>>, vector<16xi32>,
    %get3A_61 = vector.shape_cast %get3A_60 : vector<16xi32> to vector<16xi32>
    %get3A_62 = arith.constant 48 : index
    %get3A_63 = tpu.vector_load %arg7[%get3A_62] {strides = array<i32>} : memref<1024xi32, #tpu.memory_space<vmem>>, vector<16xi32>,
    %get3A_64 = vector.shape_cast %get3A_63 : vector<16xi32> to vector<16xi32>
    %eq3A_65 = arith.constant 0 : i32
    %eq3A_66 = vector.broadcast %eq3A_65 : i32 to vector<16xi32>
    %eq3A_67 = arith.cmpi eq, %get3A_64, %eq3A_66 : vector<16xi32>
    %jit3A_68 = arith.constant 7 : i32
    %broadcast_in_dim3A_69 = vector.broadcast %jit3A_68 : i32 to vector<16xi32>
    %select_n3A_70 = arith.select %eq3A_67, %broadcast_in_dim3A_69, %get3A_61 : vector<16xi1>, vector<16xi32>
    %add3A_71 = arith.constant 24 : i32
    %add3A_72 = arith.addi %mul3A_4, %add3A_71 : i32
    %add3A_73 = vector.broadcast %add3A_72 : i32 to vector<16xi32>
    %add3A_74 = arith.addi %select_n3A_70, %add3A_73 : vector<16xi32>
    %swap3A_75 = arith.constant 48 : index
    %swap3A_76 = tpu.vector_load %arg6[%swap3A_75] {strides = array<i32>} : memref<1024xi32, #tpu.memory_space<vmem>>, vector<16xi32>,
    %swap3A_77 = vector.shape_cast %swap3A_76 : vector<16xi32> to vector<16xi32>
    %swap3A_78 = vector.shape_cast %add3A_74 : vector<16xi32> to vector<16xi32>
    tpu.vector_store %arg6[%swap3A_75], %swap3A_78 {strides = array<i32>} : memref<1024xi32, #tpu.memory_space<vmem>>, vector<16xi32>,
    %get3A_79 = arith.constant 64 : index
    %get3A_80 = tpu.vector_load %arg6[%get3A_79] {strides = array<i32>} : memref<1024xi32, #tpu.memory_space<vmem>>, vector<16xi32>,
    %get3A_81 = vector.shape_cast %get3A_80 : vector<16xi32> to vector<16xi32>
    %get3A_82 = arith.constant 64 : index
    %get3A_83 = tpu.vector_load %arg7[%get3A_82] {strides = array<i32>} : memref<1024xi32, #tpu.memory_space<vmem>>, vector<16xi32>,
    %get3A_84 = vector.shape_cast %get3A_83 : vector<16xi32> to vector<16xi32>
    %eq3A_85 = arith.constant 0 : i32
    %eq3A_86 = vector.broadcast %eq3A_85 : i32 to vector<16xi32>
    %eq3A_87 = arith.cmpi eq, %get3A_84, %eq3A_86 : vector<16xi32>
    %jit3A_88 = arith.constant 7 : i32
    %broadcast_in_dim3A_89 = vector.broadcast %jit3A_88 : i32 to vector<16xi32>
    %select_n3A_90 = arith.select %eq3A_87, %broadcast_in_dim3A_89, %get3A_81 : vector<16xi1>, vector<16xi32>
    %add3A_91 = arith.constant 32 : i32
    %add3A_92 = arith.addi %mul3A_4, %add3A_91 : i32
    %add3A_93 = vector.broadcast %add3A_92 : i32 to vector<16xi32>
    %add3A_94 = arith.addi %select_n3A_90, %add3A_93 : vector<16xi32>
    %swap3A_95 = arith.constant 64 : index
    %swap3A_96 = tpu.vector_load %arg6[%swap3A_95] {strides = array<i32>} : memref<1024xi32, #tpu.memory_space<vmem>>, vector<16xi32>,
    %swap3A_97 = vector.shape_cast %swap3A_96 : vector<16xi32> to vector<16xi32>
    %swap3A_98 = vector.shape_cast %add3A_94 : vector<16xi32> to vector<16xi32>
    tpu.vector_store %arg6[%swap3A_95], %swap3A_98 {strides = array<i32>} : memref<1024xi32, #tpu.memory_space<vmem>>, vector<16xi32>,
    %get3A_99 = arith.constant 80 : index
    %get3A_100 = tpu.vector_load %arg6[%get3A_99] {strides = array<i32>} : memref<1024xi32, #tpu.memory_space<vmem>>, vector<16xi32>,
    %get3A_101 = vector.shape_cast %get3A_100 : vector<16xi32> to vector<16xi32>
    %get3A_102 = arith.constant 80 : index
    %get3A_103 = tpu.vector_load %arg7[%get3A_102] {strides = array<i32>} : memref<1024xi32, #tpu.memory_space<vmem>>, vector<16xi32>,
    %get3A_104 = vector.shape_cast %get3A_103 : vector<16xi32> to vector<16xi32>
    %eq3A_105 = arith.constant 0 : i32
    %eq3A_106 = vector.broadcast %eq3A_105 : i32 to vector<16xi32>
    %eq3A_107 = arith.cmpi eq, %get3A_104, %eq3A_106 : vector<16xi32>
    %jit3A_108 = arith.constant 7 : i32
    %broadcast_in_dim3A_109 = vector.broadcast %jit3A_108 : i32 to vector<16xi32>
    %select_n3A_110 = arith.select %eq3A_107, %broadcast_in_dim3A_109, %get3A_101 : vector<16xi1>, vector<16xi32>
    %add3A_111 = arith.constant 40 : i32
    %add3A_112 = arith.addi %mul3A_4, %add3A_111 : i32
    %add3A_113 = vector.broadcast %add3A_112 : i32 to vector<16xi32>
    %add3A_114 = arith.addi %select_n3A_110, %add3A_113 : vector<16xi32>
    %swap3A_115 = arith.constant 80 : index
    %swap3A_116 = tpu.vector_load %arg6[%swap3A_115] {strides = array<i32>} : memref<1024xi32, #tpu.memory_space<vmem>>, vector<16xi32>,
    %swap3A_117 = vector.shape_cast %swap3A_116 : vector<16xi32> to vector<16xi32>
    %swap3A_118 = vector.shape_cast %add3A_114 : vector<16xi32> to vector<16xi32>
    tpu.vector_store %arg6[%swap3A_115], %swap3A_118 {strides = array<i32>} : memref<1024xi32, #tpu.memory_space<vmem>>, vector<16xi32>,
    %get3A_119 = arith.constant 96 : index
    %get3A_120 = tpu.vector_load %arg6[%get3A_119] {strides = array<i32>} : memref<1024xi32, #tpu.memory_space<vmem>>, vector<16xi32>,
    %get3A_121 = vector.shape_cast %get3A_120 : vector<16xi32> to vector<16xi32>
    %get3A_122 = arith.constant 96 : index
    %get3A_123 = tpu.vector_load %arg7[%get3A_122] {strides = array<i32>} : memref<1024xi32, #tpu.memory_space<vmem>>, vector<16xi32>,
    %get3A_124 = vector.shape_cast %get3A_123 : vector<16xi32> to vector<16xi32>
    %eq3A_125 = arith.constant 0 : i32
    %eq3A_126 = vector.broadcast %eq3A_125 : i32 to vector<16xi32>
    %eq3A_127 = arith.cmpi eq, %get3A_124, %eq3A_126 : vector<16xi32>
    %jit3A_128 = arith.constant 7 : i32
    %broadcast_in_dim3A_129 = vector.broadcast %jit3A_128 : i32 to vector<16xi32>
    %select_n3A_130 = arith.select %eq3A_127, %broadcast_in_dim3A_129, %get3A_121 : vector<16xi1>, vector<16xi32>
    %add3A_131 = arith.constant 48 : i32
    %add3A_132 = arith.addi %mul3A_4, %add3A_131 : i32
    %add3A_133 = vector.broadcast %add3A_132 : i32 to vector<16xi32>
    %add3A_134 = arith.addi %select_n3A_130, %add3A_133 : vector<16xi32>
    %swap3A_135 = arith.constant 96 : index
    %swap3A_136 = tpu.vector_load %arg6[%swap3A_135] {strides = array<i32>} : memref<1024xi32, #tpu.memory_space<vmem>>, vector<16xi32>,
    %swap3A_137 = vector.shape_cast %swap3A_136 : vector<16xi32> to vector<16xi32>
    %swap3A_138 = vector.shape_cast %add3A_134 : vector<16xi32> to vector<16xi32>
    tpu.vector_store %arg6[%swap3A_135], %swap3A_138 {strides = array<i32>} : memref<1024xi32, #tpu.memory_space<vmem>>, vector<16xi32>,
    %get3A_139 = arith.constant 112 : index
    %get3A_140 = tpu.vector_load %arg6[%get3A_139] {strides = array<i32>} : memref<1024xi32, #tpu.memory_space<vmem>>, vector<16xi32>,
    %get3A_141 = vector.shape_cast %get3A_140 : vector<16xi32> to vector<16xi32>
    %get3A_142 = arith.constant 112 : index
    %get3A_143 = tpu.vector_load %arg7[%get3A_142] {strides = array<i32>} : memref<1024xi32, #tpu.memory_space<vmem>>, vector<16xi32>,
    %get3A_144 = vector.shape_cast %get3A_143 : vector<16xi32> to vector<16xi32>
    %eq3A_145 = arith.constant 0 : i32
    %eq3A_146 = vector.broadcast %eq3A_145 : i32 to vector<16xi32>
    %eq3A_147 = arith.cmpi eq, %get3A_144, %eq3A_146 : vector<16xi32>
    %jit3A_148 = arith.constant 7 : i32
    %broadcast_in_dim3A_149 = vector.broadcast %jit3A_148 : i32 to vector<16xi32>
    %select_n3A_150 = arith.select %eq3A_147, %broadcast_in_dim3A_149, %get3A_141 : vector<16xi1>, vector<16xi32>
    %add3A_151 = arith.constant 56 : i32
    %add3A_152 = arith.addi %mul3A_4, %add3A_151 : i32
    %add3A_153 = vector.broadcast %add3A_152 : i32 to vector<16xi32>
    %add3A_154 = arith.addi %select_n3A_150, %add3A_153 : vector<16xi32>
    %swap3A_155 = arith.constant 112 : index
    %swap3A_156 = tpu.vector_load %arg6[%swap3A_155] {strides = array<i32>} : memref<1024xi32, #tpu.memory_space<vmem>>, vector<16xi32>,
    %swap3A_157 = vector.shape_cast %swap3A_156 : vector<16xi32> to vector<16xi32>
    %swap3A_158 = vector.shape_cast %add3A_154 : vector<16xi32> to vector<16xi32>
    tpu.vector_store %arg6[%swap3A_155], %swap3A_158 {strides = array<i32>} : memref<1024xi32, #tpu.memory_space<vmem>>, vector<16xi32>,
    %get3A_159 = arith.constant 128 : index
    %get3A_160 = tpu.vector_load %arg6[%get3A_159] {strides = array<i32>} : memref<1024xi32, #tpu.memory_space<vmem>>, vector<16xi32>,
    %get3A_161 = vector.shape_cast %get3A_160 : vector<16xi32> to vector<16xi32>
    %get3A_162 = arith.constant 128 : index
    %get3A_163 = tpu.vector_load %arg7[%get3A_162] {strides = array<i32>} : memref<1024xi32, #tpu.memory_space<vmem>>, vector<16xi32>,
    %get3A_164 = vector.shape_cast %get3A_163 : vector<16xi32> to vector<16xi32>
    %eq3A_165 = arith.constant 0 : i32
    %eq3A_166 = vector.broadcast %eq3A_165 : i32 to vector<16xi32>
    %eq3A_167 = arith.cmpi eq, %get3A_164, %eq3A_166 : vector<16xi32>
    %jit3A_168 = arith.constant 7 : i32
    %broadcast_in_dim3A_169 = vector.broadcast %jit3A_168 : i32 to vector<16xi32>
    %select_n3A_170 = arith.select %eq3A_167, %broadcast_in_dim3A_169, %get3A_161 : vector<16xi1>, vector<16xi32>
    %add3A_171 = arith.constant 64 : i32
    %add3A_172 = arith.addi %mul3A_4, %add3A_171 : i32
    %add3A_173 = vector.broadcast %add3A_172 : i32 to vector<16xi32>
    %add3A_174 = arith.addi %select_n3A_170, %add3A_173 : vector<16xi32>
    %swap3A_175 = arith.constant 128 : index
    %swap3A_176 = tpu.vector_load %arg6[%swap3A_175] {strides = array<i32>} : memref<1024xi32, #tpu.memory_space<vmem>>, vector<16xi32>,
    %swap3A_177 = vector.shape_cast %swap3A_176 : vector<16xi32> to vector<16xi32>
    %swap3A_178 = vector.shape_cast %add3A_174 : vector<16xi32> to vector<16xi32>
    tpu.vector_store %arg6[%swap3A_175], %swap3A_178 {strides = array<i32>} : memref<1024xi32, #tpu.memory_space<vmem>>, vector<16xi32>,
    %get3A_179 = arith.constant 144 : index
    %get3A_180 = tpu.vector_load %arg6[%get3A_179] {strides = array<i32>} : memref<1024xi32, #tpu.memory_space<vmem>>, vector<16xi32>,
    %get3A_181 = vector.shape_cast %get3A_180 : vector<16xi32> to vector<16xi32>
    %get3A_182 = arith.constant 144 : index
    %get3A_183 = tpu.vector_load %arg7[%get3A_182] {strides = array<i32>} : memref<1024xi32, #tpu.memory_space<vmem>>, vector<16xi32>,
    %get3A_184 = vector.shape_cast %get3A_183 : vector<16xi32> to vector<16xi32>
    %eq3A_185 = arith.constant 0 : i32
    %eq3A_186 = vector.broadcast %eq3A_185 : i32 to vector<16xi32>
    %eq3A_187 = arith.cmpi eq, %get3A_184, %eq3A_186 : vector<16xi32>
    %jit3A_188 = arith.constant 7 : i32
    %broadcast_in_dim3A_189 = vector.broadcast %jit3A_188 : i32 to vector<16xi32>
    %select_n3A_190 = arith.select %eq3A_187, %broadcast_in_dim3A_189, %get3A_181 : vector<16xi1>, vector<16xi32>
    %add3A_191 = arith.constant 72 : i32
    %add3A_192 = arith.addi %mul3A_4, %add3A_191 : i32
    %add3A_193 = vector.broadcast %add3A_192 : i32 to vector<16xi32>
    %add3A_194 = arith.addi %select_n3A_190, %add3A_193 : vector<16xi32>
    %swap3A_195 = arith.constant 144 : index
    %swap3A_196 = tpu.vector_load %arg6[%swap3A_195] {strides = array<i32>} : memref<1024xi32, #tpu.memory_space<vmem>>, vector<16xi32>,
    %swap3A_197 = vector.shape_cast %swap3A_196 : vector<16xi32> to vector<16xi32>
    %swap3A_198 = vector.shape_cast %add3A_194 : vector<16xi32> to vector<16xi32>
    tpu.vector_store %arg6[%swap3A_195], %swap3A_198 {strides = array<i32>} : memref<1024xi32, #tpu.memory_space<vmem>>, vector<16xi32>,
    %get3A_199 = arith.constant 160 : index
    %get3A_200 = tpu.vector_load %arg6[%get3A_199] {strides = array<i32>} : memref<1024xi32, #tpu.memory_space<vmem>>, vector<16xi32>,
    %get3A_201 = vector.shape_cast %get3A_200 : vector<16xi32> to vector<16xi32>
    %get3A_202 = arith.constant 160 : index
    %get3A_203 = tpu.vector_load %arg7[%get3A_202] {strides = array<i32>} : memref<1024xi32, #tpu.memory_space<vmem>>, vector<16xi32>,
    %get3A_204 = vector.shape_cast %get3A_203 : vector<16xi32> to vector<16xi32>
    %eq3A_205 = arith.constant 0 : i32
    %eq3A_206 = vector.broadcast %eq3A_205 : i32 to vector<16xi32>
    %eq3A_207 = arith.cmpi eq, %get3A_204, %eq3A_206 : vector<16xi32>
    %jit3A_208 = arith.constant 7 : i32
    %broadcast_in_dim3A_209 = vector.broadcast %jit3A_208 : i32 to vector<16xi32>
    %select_n3A_210 = arith.select %eq3A_207, %broadcast_in_dim3A_209, %get3A_201 : vector<16xi1>, vector<16xi32>
    %add3A_211 = arith.constant 80 : i32
    %add3A_212 = arith.addi %mul3A_4, %add3A_211 : i32
    %add3A_213 = vector.broadcast %add3A_212 : i32 to vector<16xi32>
    %add3A_214 = arith.addi %select_n3A_210, %add3A_213 : vector<16xi32>
    %swap3A_215 = arith.constant 160 : index
    %swap3A_216 = tpu.vector_load %arg6[%swap3A_215] {strides = array<i32>} : memref<1024xi32, #tpu.memory_space<vmem>>, vector<16xi32>,
    %swap3A_217 = vector.shape_cast %swap3A_216 : vector<16xi32> to vector<16xi32>
    %swap3A_218 = vector.shape_cast %add3A_214 : vector<16xi32> to vector<16xi32>
    tpu.vector_store %arg6[%swap3A_215], %swap3A_218 {strides = array<i32>} : memref<1024xi32, #tpu.memory_space<vmem>>, vector<16xi32>,
    %get3A_219 = arith.constant 176 : index
    %get3A_220 = tpu.vector_load %arg6[%get3A_219] {strides = array<i32>} : memref<1024xi32, #tpu.memory_space<vmem>>, vector<16xi32>,
    %get3A_221 = vector.shape_cast %get3A_220 : vector<16xi32> to vector<16xi32>
    %get3A_222 = arith.constant 176 : index
    %get3A_223 = tpu.vector_load %arg7[%get3A_222] {strides = array<i32>} : memref<1024xi32, #tpu.memory_space<vmem>>, vector<16xi32>,
    %get3A_224 = vector.shape_cast %get3A_223 : vector<16xi32> to vector<16xi32>
    %eq3A_225 = arith.constant 0 : i32
    %eq3A_226 = vector.broadcast %eq3A_225 : i32 to vector<16xi32>
    %eq3A_227 = arith.cmpi eq, %get3A_224, %eq3A_226 : vector<16xi32>
    %jit3A_228 = arith.constant 7 : i32
    %broadcast_in_dim3A_229 = vector.broadcast %jit3A_228 : i32 to vector<16xi32>
    %select_n3A_230 = arith.select %eq3A_227, %broadcast_in_dim3A_229, %get3A_221 : vector<16xi1>, vector<16xi32>
    %add3A_231 = arith.constant 88 : i32
    %add3A_232 = arith.addi %mul3A_4, %add3A_231 : i32
    %add3A_233 = vector.broadcast %add3A_232 : i32 to vector<16xi32>
    %add3A_234 = arith.addi %select_n3A_230, %add3A_233 : vector<16xi32>
    %swap3A_235 = arith.constant 176 : index
    %swap3A_236 = tpu.vector_load %arg6[%swap3A_235] {strides = array<i32>} : memref<1024xi32, #tpu.memory_space<vmem>>, vector<16xi32>,
    %swap3A_237 = vector.shape_cast %swap3A_236 : vector<16xi32> to vector<16xi32>
    %swap3A_238 = vector.shape_cast %add3A_234 : vector<16xi32> to vector<16xi32>
    tpu.vector_store %arg6[%swap3A_235], %swap3A_238 {strides = array<i32>} : memref<1024xi32, #tpu.memory_space<vmem>>, vector<16xi32>,
    %get3A_239 = arith.constant 192 : index
    %get3A_240 = tpu.vector_load %arg6[%get3A_239] {strides = array<i32>} : memref<1024xi32, #tpu.memory_space<vmem>>, vector<16xi32>,
    %get3A_241 = vector.shape_cast %get3A_240 : vector<16xi32> to vector<16xi32>
    %get3A_242 = arith.constant 192 : index
    %get3A_243 = tpu.vector_load %arg7[%get3A_242] {strides = array<i32>} : memref<1024xi32, #tpu.memory_space<vmem>>, vector<16xi32>,
    %get3A_244 = vector.shape_cast %get3A_243 : vector<16xi32> to vector<16xi32>
    %eq3A_245 = arith.constant 0 : i32
    %eq3A_246 = vector.broadcast %eq3A_245 : i32 to vector<16xi32>
    %eq3A_247 = arith.cmpi eq, %get3A_244, %eq3A_246 : vector<16xi32>
    %jit3A_248 = arith.constant 7 : i32
    %broadcast_in_dim3A_249 = vector.broadcast %jit3A_248 : i32 to vector<16xi32>
    %select_n3A_250 = arith.select %eq3A_247, %broadcast_in_dim3A_249, %get3A_241 : vector<16xi1>, vector<16xi32>
    %add3A_251 = arith.constant 96 : i32
    %add3A_252 = arith.addi %mul3A_4, %add3A_251 : i32
    %add3A_253 = vector.broadcast %add3A_252 : i32 to vector<16xi32>
    %add3A_254 = arith.addi %select_n3A_250, %add3A_253 : vector<16xi32>
    %swap3A_255 = arith.constant 192 : index
    %swap3A_256 = tpu.vector_load %arg6[%swap3A_255] {strides = array<i32>} : memref<1024xi32, #tpu.memory_space<vmem>>, vector<16xi32>,
    %swap3A_257 = vector.shape_cast %swap3A_256 : vector<16xi32> to vector<16xi32>
    %swap3A_258 = vector.shape_cast %add3A_254 : vector<16xi32> to vector<16xi32>
    tpu.vector_store %arg6[%swap3A_255], %swap3A_258 {strides = array<i32>} : memref<1024xi32, #tpu.memory_space<vmem>>, vector<16xi32>,
    %get3A_259 = arith.constant 208 : index
    %get3A_260 = tpu.vector_load %arg6[%get3A_259] {strides = array<i32>} : memref<1024xi32, #tpu.memory_space<vmem>>, vector<16xi32>,
    %get3A_261 = vector.shape_cast %get3A_260 : vector<16xi32> to vector<16xi32>
    %get3A_262 = arith.constant 208 : index
    %get3A_263 = tpu.vector_load %arg7[%get3A_262] {strides = array<i32>} : memref<1024xi32, #tpu.memory_space<vmem>>, vector<16xi32>,
    %get3A_264 = vector.shape_cast %get3A_263 : vector<16xi32> to vector<16xi32>
    %eq3A_265 = arith.constant 0 : i32
    %eq3A_266 = vector.broadcast %eq3A_265 : i32 to vector<16xi32>
    %eq3A_267 = arith.cmpi eq, %get3A_264, %eq3A_266 : vector<16xi32>
    %jit3A_268 = arith.constant 7 : i32
    %broadcast_in_dim3A_269 = vector.broadcast %jit3A_268 : i32 to vector<16xi32>
    %select_n3A_270 = arith.select %eq3A_267, %broadcast_in_dim3A_269, %get3A_261 : vector<16xi1>, vector<16xi32>
    %add3A_271 = arith.constant 104 : i32
    %add3A_272 = arith.addi %mul3A_4, %add3A_271 : i32
    %add3A_273 = vector.broadcast %add3A_272 : i32 to vector<16xi32>
    %add3A_274 = arith.addi %select_n3A_270, %add3A_273 : vector<16xi32>
    %swap3A_275 = arith.constant 208 : index
    %swap3A_276 = tpu.vector_load %arg6[%swap3A_275] {strides = array<i32>} : memref<1024xi32, #tpu.memory_space<vmem>>, vector<16xi32>,
    %swap3A_277 = vector.shape_cast %swap3A_276 : vector<16xi32> to vector<16xi32>
    %swap3A_278 = vector.shape_cast %add3A_274 : vector<16xi32> to vector<16xi32>
    tpu.vector_store %arg6[%swap3A_275], %swap3A_278 {strides = array<i32>} : memref<1024xi32, #tpu.memory_space<vmem>>, vector<16xi32>,
    %get3A_279 = arith.constant 224 : index
    %get3A_280 = tpu.vector_load %arg6[%get3A_279] {strides = array<i32>} : memref<1024xi32, #tpu.memory_space<vmem>>, vector<16xi32>,
    %get3A_281 = vector.shape_cast %get3A_280 : vector<16xi32> to vector<16xi32>
    %get3A_282 = arith.constant 224 : index
    %get3A_283 = tpu.vector_load %arg7[%get3A_282] {strides = array<i32>} : memref<1024xi32, #tpu.memory_space<vmem>>, vector<16xi32>,
    %get3A_284 = vector.shape_cast %get3A_283 : vector<16xi32> to vector<16xi32>
    %eq3A_285 = arith.constant 0 : i32
    %eq3A_286 = vector.broadcast %eq3A_285 : i32 to vector<16xi32>
    %eq3A_287 = arith.cmpi eq, %get3A_284, %eq3A_286 : vector<16xi32>
    %jit3A_288 = arith.constant 7 : i32
    %broadcast_in_dim3A_289 = vector.broadcast %jit3A_288 : i32 to vector<16xi32>
    %select_n3A_290 = arith.select %eq3A_287, %broadcast_in_dim3A_289, %get3A_281 : vector<16xi1>, vector<16xi32>
    %add3A_291 = arith.constant 112 : i32
    %add3A_292 = arith.addi %mul3A_4, %add3A_291 : i32
    %add3A_293 = vector.broadcast %add3A_292 : i32 to vector<16xi32>
    %add3A_294 = arith.addi %select_n3A_290, %add3A_293 : vector<16xi32>
    %swap3A_295 = arith.constant 224 : index
    %swap3A_296 = tpu.vector_load %arg6[%swap3A_295] {strides = array<i32>} : memref<1024xi32, #tpu.memory_space<vmem>>, vector<16xi32>,
    %swap3A_297 = vector.shape_cast %swap3A_296 : vector<16xi32> to vector<16xi32>
    %swap3A_298 = vector.shape_cast %add3A_294 : vector<16xi32> to vector<16xi32>
    tpu.vector_store %arg6[%swap3A_295], %swap3A_298 {strides = array<i32>} : memref<1024xi32, #tpu.memory_space<vmem>>, vector<16xi32>,
    %get3A_299 = arith.constant 240 : index
    %get3A_300 = tpu.vector_load %arg6[%get3A_299] {strides = array<i32>} : memref<1024xi32, #tpu.memory_space<vmem>>, vector<16xi32>,
    %get3A_301 = vector.shape_cast %get3A_300 : vector<16xi32> to vector<16xi32>
    %get3A_302 = arith.constant 240 : index
    %get3A_303 = tpu.vector_load %arg7[%get3A_302] {strides = array<i32>} : memref<1024xi32, #tpu.memory_space<vmem>>, vector<16xi32>,
    %get3A_304 = vector.shape_cast %get3A_303 : vector<16xi32> to vector<16xi32>
    %eq3A_305 = arith.constant 0 : i32
    %eq3A_306 = vector.broadcast %eq3A_305 : i32 to vector<16xi32>
    %eq3A_307 = arith.cmpi eq, %get3A_304, %eq3A_306 : vector<16xi32>
    %jit3A_308 = arith.constant 7 : i32
    %broadcast_in_dim3A_309 = vector.broadcast %jit3A_308 : i32 to vector<16xi32>
    %select_n3A_310 = arith.select %eq3A_307, %broadcast_in_dim3A_309, %get3A_301 : vector<16xi1>, vector<16xi32>
    %add3A_311 = arith.constant 120 : i32
    %add3A_312 = arith.addi %mul3A_4, %add3A_311 : i32
    %add3A_313 = vector.broadcast %add3A_312 : i32 to vector<16xi32>
    %add3A_314 = arith.addi %select_n3A_310, %add3A_313 : vector<16xi32>
    %swap3A_315 = arith.constant 240 : index
    %swap3A_316 = tpu.vector_load %arg6[%swap3A_315] {strides = array<i32>} : memref<1024xi32, #tpu.memory_space<vmem>>, vector<16xi32>,
    %swap3A_317 = vector.shape_cast %swap3A_316 : vector<16xi32> to vector<16xi32>
    %swap3A_318 = vector.shape_cast %add3A_314 : vector<16xi32> to vector<16xi32>
    tpu.vector_store %arg6[%swap3A_315], %swap3A_318 {strides = array<i32>} : memref<1024xi32, #tpu.memory_space<vmem>>, vector<16xi32>,
    %get3A_319 = arith.constant 256 : index
    %get3A_320 = tpu.vector_load %arg6[%get3A_319] {strides = array<i32>} : memref<1024xi32, #tpu.memory_space<vmem>>, vector<16xi32>,
    %get3A_321 = vector.shape_cast %get3A_320 : vector<16xi32> to vector<16xi32>
    %get3A_322 = arith.constant 256 : index
    %get3A_323 = tpu.vector_load %arg7[%get3A_322] {strides = array<i32>} : memref<1024xi32, #tpu.memory_space<vmem>>, vector<16xi32>,
    %get3A_324 = vector.shape_cast %get3A_323 : vector<16xi32> to vector<16xi32>
    %eq3A_325 = arith.constant 0 : i32
    %eq3A_326 = vector.broadcast %eq3A_325 : i32 to vector<16xi32>
    %eq3A_327 = arith.cmpi eq, %get3A_324, %eq3A_326 : vector<16xi32>
    %jit3A_328 = arith.constant 7 : i32
    %broadcast_in_dim3A_329 = vector.broadcast %jit3A_328 : i32 to vector<16xi32>
    %select_n3A_330 = arith.select %eq3A_327, %broadcast_in_dim3A_329, %get3A_321 : vector<16xi1>, vector<16xi32>
    %add3A_331 = arith.constant 128 : i32
    %add3A_332 = arith.addi %mul3A_4, %add3A_331 : i32
    %add3A_333 = vector.broadcast %add3A_332 : i32 to vector<16xi32>
    %add3A_334 = arith.addi %select_n3A_330, %add3A_333 : vector<16xi32>
    %swap3A_335 = arith.constant 256 : index
    %swap3A_336 = tpu.vector_load %arg6[%swap3A_335] {strides = array<i32>} : memref<1024xi32, #tpu.memory_space<vmem>>, vector<16xi32>,
    %swap3A_337 = vector.shape_cast %swap3A_336 : vector<16xi32> to vector<16xi32>
    %swap3A_338 = vector.shape_cast %add3A_334 : vector<16xi32> to vector<16xi32>
    tpu.vector_store %arg6[%swap3A_335], %swap3A_338 {strides = array<i32>} : memref<1024xi32, #tpu.memory_space<vmem>>, vector<16xi32>,
    %get3A_339 = arith.constant 272 : index
    %get3A_340 = tpu.vector_load %arg6[%get3A_339] {strides = array<i32>} : memref<1024xi32, #tpu.memory_space<vmem>>, vector<16xi32>,
    %get3A_341 = vector.shape_cast %get3A_340 : vector<16xi32> to vector<16xi32>
    %get3A_342 = arith.constant 272 : index
    %get3A_343 = tpu.vector_load %arg7[%get3A_342] {strides = array<i32>} : memref<1024xi32, #tpu.memory_space<vmem>>, vector<16xi32>,
    %get3A_344 = vector.shape_cast %get3A_343 : vector<16xi32> to vector<16xi32>
    %eq3A_345 = arith.constant 0 : i32
    %eq3A_346 = vector.broadcast %eq3A_345 : i32 to vector<16xi32>
    %eq3A_347 = arith.cmpi eq, %get3A_344, %eq3A_346 : vector<16xi32>
    %jit3A_348 = arith.constant 7 : i32
    %broadcast_in_dim3A_349 = vector.broadcast %jit3A_348 : i32 to vector<16xi32>
    %select_n3A_350 = arith.select %eq3A_347, %broadcast_in_dim3A_349, %get3A_341 : vector<16xi1>, vector<16xi32>
    %add3A_351 = arith.constant 136 : i32
    %add3A_352 = arith.addi %mul3A_4, %add3A_351 : i32
    %add3A_353 = vector.broadcast %add3A_352 : i32 to vector<16xi32>
    %add3A_354 = arith.addi %select_n3A_350, %add3A_353 : vector<16xi32>
    %swap3A_355 = arith.constant 272 : index
    %swap3A_356 = tpu.vector_load %arg6[%swap3A_355] {strides = array<i32>} : memref<1024xi32, #tpu.memory_space<vmem>>, vector<16xi32>,
    %swap3A_357 = vector.shape_cast %swap3A_356 : vector<16xi32> to vector<16xi32>
    %swap3A_358 = vector.shape_cast %add3A_354 : vector<16xi32> to vector<16xi32>
    tpu.vector_store %arg6[%swap3A_355], %swap3A_358 {strides = array<i32>} : memref<1024xi32, #tpu.memory_space<vmem>>, vector<16xi32>,
    %get3A_359 = arith.constant 288 : index
    %get3A_360 = tpu.vector_load %arg6[%get3A_359] {strides = array<i32>} : memref<1024xi32, #tpu.memory_space<vmem>>, vector<16xi32>,
    %get3A_361 = vector.shape_cast %get3A_360 : vector<16xi32> to vector<16xi32>
    %get3A_362 = arith.constant 288 : index
    %get3A_363 = tpu.vector_load %arg7[%get3A_362] {strides = array<i32>} : memref<1024xi32, #tpu.memory_space<vmem>>, vector<16xi32>,
    %get3A_364 = vector.shape_cast %get3A_363 : vector<16xi32> to vector<16xi32>
    %eq3A_365 = arith.constant 0 : i32
    %eq3A_366 = vector.broadcast %eq3A_365 : i32 to vector<16xi32>
    %eq3A_367 = arith.cmpi eq, %get3A_364, %eq3A_366 : vector<16xi32>
    %jit3A_368 = arith.constant 7 : i32
    %broadcast_in_dim3A_369 = vector.broadcast %jit3A_368 : i32 to vector<16xi32>
    %select_n3A_370 = arith.select %eq3A_367, %broadcast_in_dim3A_369, %get3A_361 : vector<16xi1>, vector<16xi32>
    %add3A_371 = arith.constant 144 : i32
    %add3A_372 = arith.addi %mul3A_4, %add3A_371 : i32
    %add3A_373 = vector.broadcast %add3A_372 : i32 to vector<16xi32>
    %add3A_374 = arith.addi %select_n3A_370, %add3A_373 : vector<16xi32>
    %swap3A_375 = arith.constant 288 : index
    %swap3A_376 = tpu.vector_load %arg6[%swap3A_375] {strides = array<i32>} : memref<1024xi32, #tpu.memory_space<vmem>>, vector<16xi32>,
    %swap3A_377 = vector.shape_cast %swap3A_376 : vector<16xi32> to vector<16xi32>
    %swap3A_378 = vector.shape_cast %add3A_374 : vector<16xi32> to vector<16xi32>
    tpu.vector_store %arg6[%swap3A_375], %swap3A_378 {strides = array<i32>} : memref<1024xi32, #tpu.memory_space<vmem>>, vector<16xi32>,
    %get3A_379 = arith.constant 304 : index
    %get3A_380 = tpu.vector_load %arg6[%get3A_379] {strides = array<i32>} : memref<1024xi32, #tpu.memory_space<vmem>>, vector<16xi32>,
    %get3A_381 = vector.shape_cast %get3A_380 : vector<16xi32> to vector<16xi32>
    %get3A_382 = arith.constant 304 : index
    %get3A_383 = tpu.vector_load %arg7[%get3A_382] {strides = array<i32>} : memref<1024xi32, #tpu.memory_space<vmem>>, vector<16xi32>,
    %get3A_384 = vector.shape_cast %get3A_383 : vector<16xi32> to vector<16xi32>
    %eq3A_385 = arith.constant 0 : i32
    %eq3A_386 = vector.broadcast %eq3A_385 : i32 to vector<16xi32>
    %eq3A_387 = arith.cmpi eq, %get3A_384, %eq3A_386 : vector<16xi32>
    %jit3A_388 = arith.constant 7 : i32
    %broadcast_in_dim3A_389 = vector.broadcast %jit3A_388 : i32 to vector<16xi32>
    %select_n3A_390 = arith.select %eq3A_387, %broadcast_in_dim3A_389, %get3A_381 : vector<16xi1>, vector<16xi32>
    %add3A_391 = arith.constant 152 : i32
    %add3A_392 = arith.addi %mul3A_4, %add3A_391 : i32
    %add3A_393 = vector.broadcast %add3A_392 : i32 to vector<16xi32>
    %add3A_394 = arith.addi %select_n3A_390, %add3A_393 : vector<16xi32>
    %swap3A_395 = arith.constant 304 : index
    %swap3A_396 = tpu.vector_load %arg6[%swap3A_395] {strides = array<i32>} : memref<1024xi32, #tpu.memory_space<vmem>>, vector<16xi32>,
    %swap3A_397 = vector.shape_cast %swap3A_396 : vector<16xi32> to vector<16xi32>
    %swap3A_398 = vector.shape_cast %add3A_394 : vector<16xi32> to vector<16xi32>
    tpu.vector_store %arg6[%swap3A_395], %swap3A_398 {strides = array<i32>} : memref<1024xi32, #tpu.memory_space<vmem>>, vector<16xi32>,
    %get3A_399 = arith.constant 320 : index
    %get3A_400 = tpu.vector_load %arg6[%get3A_399] {strides = array<i32>} : memref<1024xi32, #tpu.memory_space<vmem>>, vector<16xi32>,
    %get3A_401 = vector.shape_cast %get3A_400 : vector<16xi32> to vector<16xi32>
    %get3A_402 = arith.constant 320 : index
    %get3A_403 = tpu.vector_load %arg7[%get3A_402] {strides = array<i32>} : memref<1024xi32, #tpu.memory_space<vmem>>, vector<16xi32>,
    %get3A_404 = vector.shape_cast %get3A_403 : vector<16xi32> to vector<16xi32>
    %eq3A_405 = arith.constant 0 : i32
    %eq3A_406 = vector.broadcast %eq3A_405 : i32 to vector<16xi32>
    %eq3A_407 = arith.cmpi eq, %get3A_404, %eq3A_406 : vector<16xi32>
    %jit3A_408 = arith.constant 7 : i32
    %broadcast_in_dim3A_409 = vector.broadcast %jit3A_408 : i32 to vector<16xi32>
    %select_n3A_410 = arith.select %eq3A_407, %broadcast_in_dim3A_409, %get3A_401 : vector<16xi1>, vector<16xi32>
    %add3A_411 = arith.constant 160 : i32
    %add3A_412 = arith.addi %mul3A_4, %add3A_411 : i32
    %add3A_413 = vector.broadcast %add3A_412 : i32 to vector<16xi32>
    %add3A_414 = arith.addi %select_n3A_410, %add3A_413 : vector<16xi32>
    %swap3A_415 = arith.constant 320 : index
    %swap3A_416 = tpu.vector_load %arg6[%swap3A_415] {strides = array<i32>} : memref<1024xi32, #tpu.memory_space<vmem>>, vector<16xi32>,
    %swap3A_417 = vector.shape_cast %swap3A_416 : vector<16xi32> to vector<16xi32>
    %swap3A_418 = vector.shape_cast %add3A_414 : vector<16xi32> to vector<16xi32>
    tpu.vector_store %arg6[%swap3A_415], %swap3A_418 {strides = array<i32>} : memref<1024xi32, #tpu.memory_space<vmem>>, vector<16xi32>,
    %get3A_419 = arith.constant 336 : index
    %get3A_420 = tpu.vector_load %arg6[%get3A_419] {strides = array<i32>} : memref<1024xi32, #tpu.memory_space<vmem>>, vector<16xi32>,
    %get3A_421 = vector.shape_cast %get3A_420 : vector<16xi32> to vector<16xi32>
    %get3A_422 = arith.constant 336 : index
    %get3A_423 = tpu.vector_load %arg7[%get3A_422] {strides = array<i32>} : memref<1024xi32, #tpu.memory_space<vmem>>, vector<16xi32>,
    %get3A_424 = vector.shape_cast %get3A_423 : vector<16xi32> to vector<16xi32>
    %eq3A_425 = arith.constant 0 : i32
    %eq3A_426 = vector.broadcast %eq3A_425 : i32 to vector<16xi32>
    %eq3A_427 = arith.cmpi eq, %get3A_424, %eq3A_426 : vector<16xi32>
    %jit3A_428 = arith.constant 7 : i32
    %broadcast_in_dim3A_429 = vector.broadcast %jit3A_428 : i32 to vector<16xi32>
    %select_n3A_430 = arith.select %eq3A_427, %broadcast_in_dim3A_429, %get3A_421 : vector<16xi1>, vector<16xi32>
    %add3A_431 = arith.constant 168 : i32
    %add3A_432 = arith.addi %mul3A_4, %add3A_431 : i32
    %add3A_433 = vector.broadcast %add3A_432 : i32 to vector<16xi32>
    %add3A_434 = arith.addi %select_n3A_430, %add3A_433 : vector<16xi32>
    %swap3A_435 = arith.constant 336 : index
    %swap3A_436 = tpu.vector_load %arg6[%swap3A_435] {strides = array<i32>} : memref<1024xi32, #tpu.memory_space<vmem>>, vector<16xi32>,
    %swap3A_437 = vector.shape_cast %swap3A_436 : vector<16xi32> to vector<16xi32>
    %swap3A_438 = vector.shape_cast %add3A_434 : vector<16xi32> to vector<16xi32>
    tpu.vector_store %arg6[%swap3A_435], %swap3A_438 {strides = array<i32>} : memref<1024xi32, #tpu.memory_space<vmem>>, vector<16xi32>,
    %get3A_439 = arith.constant 352 : index
    %get3A_440 = tpu.vector_load %arg6[%get3A_439] {strides = array<i32>} : memref<1024xi32, #tpu.memory_space<vmem>>, vector<16xi32>,
    %get3A_441 = vector.shape_cast %get3A_440 : vector<16xi32> to vector<16xi32>
    %get3A_442 = arith.constant 352 : index
    %get3A_443 = tpu.vector_load %arg7[%get3A_442] {strides = array<i32>} : memref<1024xi32, #tpu.memory_space<vmem>>, vector<16xi32>,
    %get3A_444 = vector.shape_cast %get3A_443 : vector<16xi32> to vector<16xi32>
    %eq3A_445 = arith.constant 0 : i32
    %eq3A_446 = vector.broadcast %eq3A_445 : i32 to vector<16xi32>
    %eq3A_447 = arith.cmpi eq, %get3A_444, %eq3A_446 : vector<16xi32>
    %jit3A_448 = arith.constant 7 : i32
    %broadcast_in_dim3A_449 = vector.broadcast %jit3A_448 : i32 to vector<16xi32>
    %select_n3A_450 = arith.select %eq3A_447, %broadcast_in_dim3A_449, %get3A_441 : vector<16xi1>, vector<16xi32>
    %add3A_451 = arith.constant 176 : i32
    %add3A_452 = arith.addi %mul3A_4, %add3A_451 : i32
    %add3A_453 = vector.broadcast %add3A_452 : i32 to vector<16xi32>
    %add3A_454 = arith.addi %select_n3A_450, %add3A_453 : vector<16xi32>
    %swap3A_455 = arith.constant 352 : index
    %swap3A_456 = tpu.vector_load %arg6[%swap3A_455] {strides = array<i32>} : memref<1024xi32, #tpu.memory_space<vmem>>, vector<16xi32>,
    %swap3A_457 = vector.shape_cast %swap3A_456 : vector<16xi32> to vector<16xi32>
    %swap3A_458 = vector.shape_cast %add3A_454 : vector<16xi32> to vector<16xi32>
    tpu.vector_store %arg6[%swap3A_455], %swap3A_458 {strides = array<i32>} : memref<1024xi32, #tpu.memory_space<vmem>>, vector<16xi32>,
    %get3A_459 = arith.constant 368 : index
    %get3A_460 = tpu.vector_load %arg6[%get3A_459] {strides = array<i32>} : memref<1024xi32, #tpu.memory_space<vmem>>, vector<16xi32>,
    %get3A_461 = vector.shape_cast %get3A_460 : vector<16xi32> to vector<16xi32>
    %get3A_462 = arith.constant 368 : index
    %get3A_463 = tpu.vector_load %arg7[%get3A_462] {strides = array<i32>} : memref<1024xi32, #tpu.memory_space<vmem>>, vector<16xi32>,
    %get3A_464 = vector.shape_cast %get3A_463 : vector<16xi32> to vector<16xi32>
    %eq3A_465 = arith.constant 0 : i32
    %eq3A_466 = vector.broadcast %eq3A_465 : i32 to vector<16xi32>
    %eq3A_467 = arith.cmpi eq, %get3A_464, %eq3A_466 : vector<16xi32>
    %jit3A_468 = arith.constant 7 : i32
    %broadcast_in_dim3A_469 = vector.broadcast %jit3A_468 : i32 to vector<16xi32>
    %select_n3A_470 = arith.select %eq3A_467, %broadcast_in_dim3A_469, %get3A_461 : vector<16xi1>, vector<16xi32>
    %add3A_471 = arith.constant 184 : i32
    %add3A_472 = arith.addi %mul3A_4, %add3A_471 : i32
    %add3A_473 = vector.broadcast %add3A_472 : i32 to vector<16xi32>
    %add3A_474 = arith.addi %select_n3A_470, %add3A_473 : vector<16xi32>
    %swap3A_475 = arith.constant 368 : index
    %swap3A_476 = tpu.vector_load %arg6[%swap3A_475] {strides = array<i32>} : memref<1024xi32, #tpu.memory_space<vmem>>, vector<16xi32>,
    %swap3A_477 = vector.shape_cast %swap3A_476 : vector<16xi32> to vector<16xi32>
    %swap3A_478 = vector.shape_cast %add3A_474 : vector<16xi32> to vector<16xi32>
    tpu.vector_store %arg6[%swap3A_475], %swap3A_478 {strides = array<i32>} : memref<1024xi32, #tpu.memory_space<vmem>>, vector<16xi32>,
    %get3A_479 = arith.constant 384 : index
    %get3A_480 = tpu.vector_load %arg6[%get3A_479] {strides = array<i32>} : memref<1024xi32, #tpu.memory_space<vmem>>, vector<16xi32>,
    %get3A_481 = vector.shape_cast %get3A_480 : vector<16xi32> to vector<16xi32>
    %get3A_482 = arith.constant 384 : index
    %get3A_483 = tpu.vector_load %arg7[%get3A_482] {strides = array<i32>} : memref<1024xi32, #tpu.memory_space<vmem>>, vector<16xi32>,
    %get3A_484 = vector.shape_cast %get3A_483 : vector<16xi32> to vector<16xi32>
    %eq3A_485 = arith.constant 0 : i32
    %eq3A_486 = vector.broadcast %eq3A_485 : i32 to vector<16xi32>
    %eq3A_487 = arith.cmpi eq, %get3A_484, %eq3A_486 : vector<16xi32>
    %jit3A_488 = arith.constant 7 : i32
    %broadcast_in_dim3A_489 = vector.broadcast %jit3A_488 : i32 to vector<16xi32>
    %select_n3A_490 = arith.select %eq3A_487, %broadcast_in_dim3A_489, %get3A_481 : vector<16xi1>, vector<16xi32>
    %add3A_491 = arith.constant 192 : i32
    %add3A_492 = arith.addi %mul3A_4, %add3A_491 : i32
    %add3A_493 = vector.broadcast %add3A_492 : i32 to vector<16xi32>
    %add3A_494 = arith.addi %select_n3A_490, %add3A_493 : vector<16xi32>
    %swap3A_495 = arith.constant 384 : index
    %swap3A_496 = tpu.vector_load %arg6[%swap3A_495] {strides = array<i32>} : memref<1024xi32, #tpu.memory_space<vmem>>, vector<16xi32>,
    %swap3A_497 = vector.shape_cast %swap3A_496 : vector<16xi32> to vector<16xi32>
    %swap3A_498 = vector.shape_cast %add3A_494 : vector<16xi32> to vector<16xi32>
    tpu.vector_store %arg6[%swap3A_495], %swap3A_498 {strides = array<i32>} : memref<1024xi32, #tpu.memory_space<vmem>>, vector<16xi32>,
    %get3A_499 = arith.constant 400 : index
    %get3A_500 = tpu.vector_load %arg6[%get3A_499] {strides = array<i32>} : memref<1024xi32, #tpu.memory_space<vmem>>, vector<16xi32>,
    %get3A_501 = vector.shape_cast %get3A_500 : vector<16xi32> to vector<16xi32>
    %get3A_502 = arith.constant 400 : index
    %get3A_503 = tpu.vector_load %arg7[%get3A_502] {strides = array<i32>} : memref<1024xi32, #tpu.memory_space<vmem>>, vector<16xi32>,
    %get3A_504 = vector.shape_cast %get3A_503 : vector<16xi32> to vector<16xi32>
    %eq3A_505 = arith.constant 0 : i32
    %eq3A_506 = vector.broadcast %eq3A_505 : i32 to vector<16xi32>
    %eq3A_507 = arith.cmpi eq, %get3A_504, %eq3A_506 : vector<16xi32>
    %jit3A_508 = arith.constant 7 : i32
    %broadcast_in_dim3A_509 = vector.broadcast %jit3A_508 : i32 to vector<16xi32>
    %select_n3A_510 = arith.select %eq3A_507, %broadcast_in_dim3A_509, %get3A_501 : vector<16xi1>, vector<16xi32>
    %add3A_511 = arith.constant 200 : i32
    %add3A_512 = arith.addi %mul3A_4, %add3A_511 : i32
    %add3A_513 = vector.broadcast %add3A_512 : i32 to vector<16xi32>
    %add3A_514 = arith.addi %select_n3A_510, %add3A_513 : vector<16xi32>
    %swap3A_515 = arith.constant 400 : index
    %swap3A_516 = tpu.vector_load %arg6[%swap3A_515] {strides = array<i32>} : memref<1024xi32, #tpu.memory_space<vmem>>, vector<16xi32>,
    %swap3A_517 = vector.shape_cast %swap3A_516 : vector<16xi32> to vector<16xi32>
    %swap3A_518 = vector.shape_cast %add3A_514 : vector<16xi32> to vector<16xi32>
    tpu.vector_store %arg6[%swap3A_515], %swap3A_518 {strides = array<i32>} : memref<1024xi32, #tpu.memory_space<vmem>>, vector<16xi32>,
    %get3A_519 = arith.constant 416 : index
    %get3A_520 = tpu.vector_load %arg6[%get3A_519] {strides = array<i32>} : memref<1024xi32, #tpu.memory_space<vmem>>, vector<16xi32>,
    %get3A_521 = vector.shape_cast %get3A_520 : vector<16xi32> to vector<16xi32>
    %get3A_522 = arith.constant 416 : index
    %get3A_523 = tpu.vector_load %arg7[%get3A_522] {strides = array<i32>} : memref<1024xi32, #tpu.memory_space<vmem>>, vector<16xi32>,
    %get3A_524 = vector.shape_cast %get3A_523 : vector<16xi32> to vector<16xi32>
    %eq3A_525 = arith.constant 0 : i32
    %eq3A_526 = vector.broadcast %eq3A_525 : i32 to vector<16xi32>
    %eq3A_527 = arith.cmpi eq, %get3A_524, %eq3A_526 : vector<16xi32>
    %jit3A_528 = arith.constant 7 : i32
    %broadcast_in_dim3A_529 = vector.broadcast %jit3A_528 : i32 to vector<16xi32>
    %select_n3A_530 = arith.select %eq3A_527, %broadcast_in_dim3A_529, %get3A_521 : vector<16xi1>, vector<16xi32>
    %add3A_531 = arith.constant 208 : i32
    %add3A_532 = arith.addi %mul3A_4, %add3A_531 : i32
    %add3A_533 = vector.broadcast %add3A_532 : i32 to vector<16xi32>
    %add3A_534 = arith.addi %select_n3A_530, %add3A_533 : vector<16xi32>
    %swap3A_535 = arith.constant 416 : index
    %swap3A_536 = tpu.vector_load %arg6[%swap3A_535] {strides = array<i32>} : memref<1024xi32, #tpu.memory_space<vmem>>, vector<16xi32>,
    %swap3A_537 = vector.shape_cast %swap3A_536 : vector<16xi32> to vector<16xi32>
    %swap3A_538 = vector.shape_cast %add3A_534 : vector<16xi32> to vector<16xi32>
    tpu.vector_store %arg6[%swap3A_535], %swap3A_538 {strides = array<i32>} : memref<1024xi32, #tpu.memory_space<vmem>>, vector<16xi32>,
    %get3A_539 = arith.constant 432 : index
    %get3A_540 = tpu.vector_load %arg6[%get3A_539] {strides = array<i32>} : memref<1024xi32, #tpu.memory_space<vmem>>, vector<16xi32>,
    %get3A_541 = vector.shape_cast %get3A_540 : vector<16xi32> to vector<16xi32>
    %get3A_542 = arith.constant 432 : index
    %get3A_543 = tpu.vector_load %arg7[%get3A_542] {strides = array<i32>} : memref<1024xi32, #tpu.memory_space<vmem>>, vector<16xi32>,
    %get3A_544 = vector.shape_cast %get3A_543 : vector<16xi32> to vector<16xi32>
    %eq3A_545 = arith.constant 0 : i32
    %eq3A_546 = vector.broadcast %eq3A_545 : i32 to vector<16xi32>
    %eq3A_547 = arith.cmpi eq, %get3A_544, %eq3A_546 : vector<16xi32>
    %jit3A_548 = arith.constant 7 : i32
    %broadcast_in_dim3A_549 = vector.broadcast %jit3A_548 : i32 to vector<16xi32>
    %select_n3A_550 = arith.select %eq3A_547, %broadcast_in_dim3A_549, %get3A_541 : vector<16xi1>, vector<16xi32>
    %add3A_551 = arith.constant 216 : i32
    %add3A_552 = arith.addi %mul3A_4, %add3A_551 : i32
    %add3A_553 = vector.broadcast %add3A_552 : i32 to vector<16xi32>
    %add3A_554 = arith.addi %select_n3A_550, %add3A_553 : vector<16xi32>
    %swap3A_555 = arith.constant 432 : index
    %swap3A_556 = tpu.vector_load %arg6[%swap3A_555] {strides = array<i32>} : memref<1024xi32, #tpu.memory_space<vmem>>, vector<16xi32>,
    %swap3A_557 = vector.shape_cast %swap3A_556 : vector<16xi32> to vector<16xi32>
    %swap3A_558 = vector.shape_cast %add3A_554 : vector<16xi32> to vector<16xi32>
    tpu.vector_store %arg6[%swap3A_555], %swap3A_558 {strides = array<i32>} : memref<1024xi32, #tpu.memory_space<vmem>>, vector<16xi32>,
    %get3A_559 = arith.constant 448 : index
    %get3A_560 = tpu.vector_load %arg6[%get3A_559] {strides = array<i32>} : memref<1024xi32, #tpu.memory_space<vmem>>, vector<16xi32>,
    %get3A_561 = vector.shape_cast %get3A_560 : vector<16xi32> to vector<16xi32>
    %get3A_562 = arith.constant 448 : index
    %get3A_563 = tpu.vector_load %arg7[%get3A_562] {strides = array<i32>} : memref<1024xi32, #tpu.memory_space<vmem>>, vector<16xi32>,
    %get3A_564 = vector.shape_cast %get3A_563 : vector<16xi32> to vector<16xi32>
    %eq3A_565 = arith.constant 0 : i32
    %eq3A_566 = vector.broadcast %eq3A_565 : i32 to vector<16xi32>
    %eq3A_567 = arith.cmpi eq, %get3A_564, %eq3A_566 : vector<16xi32>
    %jit3A_568 = arith.constant 7 : i32
    %broadcast_in_dim3A_569 = vector.broadcast %jit3A_568 : i32 to vector<16xi32>
    %select_n3A_570 = arith.select %eq3A_567, %broadcast_in_dim3A_569, %get3A_561 : vector<16xi1>, vector<16xi32>
    %add3A_571 = arith.constant 224 : i32
    %add3A_572 = arith.addi %mul3A_4, %add3A_571 : i32
    %add3A_573 = vector.broadcast %add3A_572 : i32 to vector<16xi32>
    %add3A_574 = arith.addi %select_n3A_570, %add3A_573 : vector<16xi32>
    %swap3A_575 = arith.constant 448 : index
    %swap3A_576 = tpu.vector_load %arg6[%swap3A_575] {strides = array<i32>} : memref<1024xi32, #tpu.memory_space<vmem>>, vector<16xi32>,
    %swap3A_577 = vector.shape_cast %swap3A_576 : vector<16xi32> to vector<16xi32>
    %swap3A_578 = vector.shape_cast %add3A_574 : vector<16xi32> to vector<16xi32>
    tpu.vector_store %arg6[%swap3A_575], %swap3A_578 {strides = array<i32>} : memref<1024xi32, #tpu.memory_space<vmem>>, vector<16xi32>,
    %get3A_579 = arith.constant 464 : index
    %get3A_580 = tpu.vector_load %arg6[%get3A_579] {strides = array<i32>} : memref<1024xi32, #tpu.memory_space<vmem>>, vector<16xi32>,
    %get3A_581 = vector.shape_cast %get3A_580 : vector<16xi32> to vector<16xi32>
    %get3A_582 = arith.constant 464 : index
    %get3A_583 = tpu.vector_load %arg7[%get3A_582] {strides = array<i32>} : memref<1024xi32, #tpu.memory_space<vmem>>, vector<16xi32>,
    %get3A_584 = vector.shape_cast %get3A_583 : vector<16xi32> to vector<16xi32>
    %eq3A_585 = arith.constant 0 : i32
    %eq3A_586 = vector.broadcast %eq3A_585 : i32 to vector<16xi32>
    %eq3A_587 = arith.cmpi eq, %get3A_584, %eq3A_586 : vector<16xi32>
    %jit3A_588 = arith.constant 7 : i32
    %broadcast_in_dim3A_589 = vector.broadcast %jit3A_588 : i32 to vector<16xi32>
    %select_n3A_590 = arith.select %eq3A_587, %broadcast_in_dim3A_589, %get3A_581 : vector<16xi1>, vector<16xi32>
    %add3A_591 = arith.constant 232 : i32
    %add3A_592 = arith.addi %mul3A_4, %add3A_591 : i32
    %add3A_593 = vector.broadcast %add3A_592 : i32 to vector<16xi32>
    %add3A_594 = arith.addi %select_n3A_590, %add3A_593 : vector<16xi32>
    %swap3A_595 = arith.constant 464 : index
    %swap3A_596 = tpu.vector_load %arg6[%swap3A_595] {strides = array<i32>} : memref<1024xi32, #tpu.memory_space<vmem>>, vector<16xi32>,
    %swap3A_597 = vector.shape_cast %swap3A_596 : vector<16xi32> to vector<16xi32>
    %swap3A_598 = vector.shape_cast %add3A_594 : vector<16xi32> to vector<16xi32>
    tpu.vector_store %arg6[%swap3A_595], %swap3A_598 {strides = array<i32>} : memref<1024xi32, #tpu.memory_space<vmem>>, vector<16xi32>,
    %get3A_599 = arith.constant 480 : index
    %get3A_600 = tpu.vector_load %arg6[%get3A_599] {strides = array<i32>} : memref<1024xi32, #tpu.memory_space<vmem>>, vector<16xi32>,
    %get3A_601 = vector.shape_cast %get3A_600 : vector<16xi32> to vector<16xi32>
    %get3A_602 = arith.constant 480 : index
    %get3A_603 = tpu.vector_load %arg7[%get3A_602] {strides = array<i32>} : memref<1024xi32, #tpu.memory_space<vmem>>, vector<16xi32>,
    %get3A_604 = vector.shape_cast %get3A_603 : vector<16xi32> to vector<16xi32>
    %eq3A_605 = arith.constant 0 : i32
    %eq3A_606 = vector.broadcast %eq3A_605 : i32 to vector<16xi32>
    %eq3A_607 = arith.cmpi eq, %get3A_604, %eq3A_606 : vector<16xi32>
    %jit3A_608 = arith.constant 7 : i32
    %broadcast_in_dim3A_609 = vector.broadcast %jit3A_608 : i32 to vector<16xi32>
    %select_n3A_610 = arith.select %eq3A_607, %broadcast_in_dim3A_609, %get3A_601 : vector<16xi1>, vector<16xi32>
    %add3A_611 = arith.constant 240 : i32
    %add3A_612 = arith.addi %mul3A_4, %add3A_611 : i32
    %add3A_613 = vector.broadcast %add3A_612 : i32 to vector<16xi32>
    %add3A_614 = arith.addi %select_n3A_610, %add3A_613 : vector<16xi32>
    %swap3A_615 = arith.constant 480 : index
    %swap3A_616 = tpu.vector_load %arg6[%swap3A_615] {strides = array<i32>} : memref<1024xi32, #tpu.memory_space<vmem>>, vector<16xi32>,
    %swap3A_617 = vector.shape_cast %swap3A_616 : vector<16xi32> to vector<16xi32>
    %swap3A_618 = vector.shape_cast %add3A_614 : vector<16xi32> to vector<16xi32>
    tpu.vector_store %arg6[%swap3A_615], %swap3A_618 {strides = array<i32>} : memref<1024xi32, #tpu.memory_space<vmem>>, vector<16xi32>,
    %get3A_619 = arith.constant 496 : index
    %get3A_620 = tpu.vector_load %arg6[%get3A_619] {strides = array<i32>} : memref<1024xi32, #tpu.memory_space<vmem>>, vector<16xi32>,
    %get3A_621 = vector.shape_cast %get3A_620 : vector<16xi32> to vector<16xi32>
    %get3A_622 = arith.constant 496 : index
    %get3A_623 = tpu.vector_load %arg7[%get3A_622] {strides = array<i32>} : memref<1024xi32, #tpu.memory_space<vmem>>, vector<16xi32>,
    %get3A_624 = vector.shape_cast %get3A_623 : vector<16xi32> to vector<16xi32>
    %eq3A_625 = arith.constant 0 : i32
    %eq3A_626 = vector.broadcast %eq3A_625 : i32 to vector<16xi32>
    %eq3A_627 = arith.cmpi eq, %get3A_624, %eq3A_626 : vector<16xi32>
    %jit3A_628 = arith.constant 7 : i32
    %broadcast_in_dim3A_629 = vector.broadcast %jit3A_628 : i32 to vector<16xi32>
    %select_n3A_630 = arith.select %eq3A_627, %broadcast_in_dim3A_629, %get3A_621 : vector<16xi1>, vector<16xi32>
    %add3A_631 = arith.constant 248 : i32
    %add3A_632 = arith.addi %mul3A_4, %add3A_631 : i32
    %add3A_633 = vector.broadcast %add3A_632 : i32 to vector<16xi32>
    %add3A_634 = arith.addi %select_n3A_630, %add3A_633 : vector<16xi32>
    %swap3A_635 = arith.constant 496 : index
    %swap3A_636 = tpu.vector_load %arg6[%swap3A_635] {strides = array<i32>} : memref<1024xi32, #tpu.memory_space<vmem>>, vector<16xi32>,
    %swap3A_637 = vector.shape_cast %swap3A_636 : vector<16xi32> to vector<16xi32>
    %swap3A_638 = vector.shape_cast %add3A_634 : vector<16xi32> to vector<16xi32>
    tpu.vector_store %arg6[%swap3A_635], %swap3A_638 {strides = array<i32>} : memref<1024xi32, #tpu.memory_space<vmem>>, vector<16xi32>,
    %get3A_639 = arith.constant 512 : index
    %get3A_640 = tpu.vector_load %arg6[%get3A_639] {strides = array<i32>} : memref<1024xi32, #tpu.memory_space<vmem>>, vector<16xi32>,
    %get3A_641 = vector.shape_cast %get3A_640 : vector<16xi32> to vector<16xi32>
    %get3A_642 = arith.constant 512 : index
    %get3A_643 = tpu.vector_load %arg7[%get3A_642] {strides = array<i32>} : memref<1024xi32, #tpu.memory_space<vmem>>, vector<16xi32>,
    %get3A_644 = vector.shape_cast %get3A_643 : vector<16xi32> to vector<16xi32>
    %eq3A_645 = arith.constant 0 : i32
    %eq3A_646 = vector.broadcast %eq3A_645 : i32 to vector<16xi32>
    %eq3A_647 = arith.cmpi eq, %get3A_644, %eq3A_646 : vector<16xi32>
    %jit3A_648 = arith.constant 7 : i32
    %broadcast_in_dim3A_649 = vector.broadcast %jit3A_648 : i32 to vector<16xi32>
    %select_n3A_650 = arith.select %eq3A_647, %broadcast_in_dim3A_649, %get3A_641 : vector<16xi1>, vector<16xi32>
    %add3A_651 = arith.constant 0 : i32
    %add3A_652 = arith.addi %mul3A_4, %add3A_651 : i32
    %add3A_653 = vector.broadcast %add3A_652 : i32 to vector<16xi32>
    %add3A_654 = arith.addi %select_n3A_650, %add3A_653 : vector<16xi32>
    %swap3A_655 = arith.constant 512 : index
    %swap3A_656 = tpu.vector_load %arg6[%swap3A_655] {strides = array<i32>} : memref<1024xi32, #tpu.memory_space<vmem>>, vector<16xi32>,
    %swap3A_657 = vector.shape_cast %swap3A_656 : vector<16xi32> to vector<16xi32>
    %swap3A_658 = vector.shape_cast %add3A_654 : vector<16xi32> to vector<16xi32>
    tpu.vector_store %arg6[%swap3A_655], %swap3A_658 {strides = array<i32>} : memref<1024xi32, #tpu.memory_space<vmem>>, vector<16xi32>,
    %get3A_659 = arith.constant 528 : index
    %get3A_660 = tpu.vector_load %arg6[%get3A_659] {strides = array<i32>} : memref<1024xi32, #tpu.memory_space<vmem>>, vector<16xi32>,
    %get3A_661 = vector.shape_cast %get3A_660 : vector<16xi32> to vector<16xi32>
    %get3A_662 = arith.constant 528 : index
    %get3A_663 = tpu.vector_load %arg7[%get3A_662] {strides = array<i32>} : memref<1024xi32, #tpu.memory_space<vmem>>, vector<16xi32>,
    %get3A_664 = vector.shape_cast %get3A_663 : vector<16xi32> to vector<16xi32>
    %eq3A_665 = arith.constant 0 : i32
    %eq3A_666 = vector.broadcast %eq3A_665 : i32 to vector<16xi32>
    %eq3A_667 = arith.cmpi eq, %get3A_664, %eq3A_666 : vector<16xi32>
    %jit3A_668 = arith.constant 7 : i32
    %broadcast_in_dim3A_669 = vector.broadcast %jit3A_668 : i32 to vector<16xi32>
    %select_n3A_670 = arith.select %eq3A_667, %broadcast_in_dim3A_669, %get3A_661 : vector<16xi1>, vector<16xi32>
    %add3A_671 = arith.constant 8 : i32
    %add3A_672 = arith.addi %mul3A_4, %add3A_671 : i32
    %add3A_673 = vector.broadcast %add3A_672 : i32 to vector<16xi32>
    %add3A_674 = arith.addi %select_n3A_670, %add3A_673 : vector<16xi32>
    %swap3A_675 = arith.constant 528 : index
    %swap3A_676 = tpu.vector_load %arg6[%swap3A_675] {strides = array<i32>} : memref<1024xi32, #tpu.memory_space<vmem>>, vector<16xi32>,
    %swap3A_677 = vector.shape_cast %swap3A_676 : vector<16xi32> to vector<16xi32>
    %swap3A_678 = vector.shape_cast %add3A_674 : vector<16xi32> to vector<16xi32>
    tpu.vector_store %arg6[%swap3A_675], %swap3A_678 {strides = array<i32>} : memref<1024xi32, #tpu.memory_space<vmem>>, vector<16xi32>,
    %get3A_679 = arith.constant 544 : index
    %get3A_680 = tpu.vector_load %arg6[%get3A_679] {strides = array<i32>} : memref<1024xi32, #tpu.memory_space<vmem>>, vector<16xi32>,
    %get3A_681 = vector.shape_cast %get3A_680 : vector<16xi32> to vector<16xi32>
    %get3A_682 = arith.constant 544 : index
    %get3A_683 = tpu.vector_load %arg7[%get3A_682] {strides = array<i32>} : memref<1024xi32, #tpu.memory_space<vmem>>, vector<16xi32>,
    %get3A_684 = vector.shape_cast %get3A_683 : vector<16xi32> to vector<16xi32>
    %eq3A_685 = arith.constant 0 : i32
    %eq3A_686 = vector.broadcast %eq3A_685 : i32 to vector<16xi32>
    %eq3A_687 = arith.cmpi eq, %get3A_684, %eq3A_686 : vector<16xi32>
    %jit3A_688 = arith.constant 7 : i32
    %broadcast_in_dim3A_689 = vector.broadcast %jit3A_688 : i32 to vector<16xi32>
    %select_n3A_690 = arith.select %eq3A_687, %broadcast_in_dim3A_689, %get3A_681 : vector<16xi1>, vector<16xi32>
    %add3A_691 = arith.constant 16 : i32
    %add3A_692 = arith.addi %mul3A_4, %add3A_691 : i32
    %add3A_693 = vector.broadcast %add3A_692 : i32 to vector<16xi32>
    %add3A_694 = arith.addi %select_n3A_690, %add3A_693 : vector<16xi32>
    %swap3A_695 = arith.constant 544 : index
    %swap3A_696 = tpu.vector_load %arg6[%swap3A_695] {strides = array<i32>} : memref<1024xi32, #tpu.memory_space<vmem>>, vector<16xi32>,
    %swap3A_697 = vector.shape_cast %swap3A_696 : vector<16xi32> to vector<16xi32>
    %swap3A_698 = vector.shape_cast %add3A_694 : vector<16xi32> to vector<16xi32>
    tpu.vector_store %arg6[%swap3A_695], %swap3A_698 {strides = array<i32>} : memref<1024xi32, #tpu.memory_space<vmem>>, vector<16xi32>,
    %get3A_699 = arith.constant 560 : index
    %get3A_700 = tpu.vector_load %arg6[%get3A_699] {strides = array<i32>} : memref<1024xi32, #tpu.memory_space<vmem>>, vector<16xi32>,
    %get3A_701 = vector.shape_cast %get3A_700 : vector<16xi32> to vector<16xi32>
    %get3A_702 = arith.constant 560 : index
    %get3A_703 = tpu.vector_load %arg7[%get3A_702] {strides = array<i32>} : memref<1024xi32, #tpu.memory_space<vmem>>, vector<16xi32>,
    %get3A_704 = vector.shape_cast %get3A_703 : vector<16xi32> to vector<16xi32>
    %eq3A_705 = arith.constant 0 : i32
    %eq3A_706 = vector.broadcast %eq3A_705 : i32 to vector<16xi32>
    %eq3A_707 = arith.cmpi eq, %get3A_704, %eq3A_706 : vector<16xi32>
    %jit3A_708 = arith.constant 7 : i32
    %broadcast_in_dim3A_709 = vector.broadcast %jit3A_708 : i32 to vector<16xi32>
    %select_n3A_710 = arith.select %eq3A_707, %broadcast_in_dim3A_709, %get3A_701 : vector<16xi1>, vector<16xi32>
    %add3A_711 = arith.constant 24 : i32
    %add3A_712 = arith.addi %mul3A_4, %add3A_711 : i32
    %add3A_713 = vector.broadcast %add3A_712 : i32 to vector<16xi32>
    %add3A_714 = arith.addi %select_n3A_710, %add3A_713 : vector<16xi32>
    %swap3A_715 = arith.constant 560 : index
    %swap3A_716 = tpu.vector_load %arg6[%swap3A_715] {strides = array<i32>} : memref<1024xi32, #tpu.memory_space<vmem>>, vector<16xi32>,
    %swap3A_717 = vector.shape_cast %swap3A_716 : vector<16xi32> to vector<16xi32>
    %swap3A_718 = vector.shape_cast %add3A_714 : vector<16xi32> to vector<16xi32>
    tpu.vector_store %arg6[%swap3A_715], %swap3A_718 {strides = array<i32>} : memref<1024xi32, #tpu.memory_space<vmem>>, vector<16xi32>,
    %get3A_719 = arith.constant 576 : index
    %get3A_720 = tpu.vector_load %arg6[%get3A_719] {strides = array<i32>} : memref<1024xi32, #tpu.memory_space<vmem>>, vector<16xi32>,
    %get3A_721 = vector.shape_cast %get3A_720 : vector<16xi32> to vector<16xi32>
    %get3A_722 = arith.constant 576 : index
    %get3A_723 = tpu.vector_load %arg7[%get3A_722] {strides = array<i32>} : memref<1024xi32, #tpu.memory_space<vmem>>, vector<16xi32>,
    %get3A_724 = vector.shape_cast %get3A_723 : vector<16xi32> to vector<16xi32>
    %eq3A_725 = arith.constant 0 : i32
    %eq3A_726 = vector.broadcast %eq3A_725 : i32 to vector<16xi32>
    %eq3A_727 = arith.cmpi eq, %get3A_724, %eq3A_726 : vector<16xi32>
    %jit3A_728 = arith.constant 7 : i32
    %broadcast_in_dim3A_729 = vector.broadcast %jit3A_728 : i32 to vector<16xi32>
    %select_n3A_730 = arith.select %eq3A_727, %broadcast_in_dim3A_729, %get3A_721 : vector<16xi1>, vector<16xi32>
    %add3A_731 = arith.constant 32 : i32
    %add3A_732 = arith.addi %mul3A_4, %add3A_731 : i32
    %add3A_733 = vector.broadcast %add3A_732 : i32 to vector<16xi32>
    %add3A_734 = arith.addi %select_n3A_730, %add3A_733 : vector<16xi32>
    %swap3A_735 = arith.constant 576 : index
    %swap3A_736 = tpu.vector_load %arg6[%swap3A_735] {strides = array<i32>} : memref<1024xi32, #tpu.memory_space<vmem>>, vector<16xi32>,
    %swap3A_737 = vector.shape_cast %swap3A_736 : vector<16xi32> to vector<16xi32>
    %swap3A_738 = vector.shape_cast %add3A_734 : vector<16xi32> to vector<16xi32>
    tpu.vector_store %arg6[%swap3A_735], %swap3A_738 {strides = array<i32>} : memref<1024xi32, #tpu.memory_space<vmem>>, vector<16xi32>,
    %get3A_739 = arith.constant 592 : index
    %get3A_740 = tpu.vector_load %arg6[%get3A_739] {strides = array<i32>} : memref<1024xi32, #tpu.memory_space<vmem>>, vector<16xi32>,
    %get3A_741 = vector.shape_cast %get3A_740 : vector<16xi32> to vector<16xi32>
    %get3A_742 = arith.constant 592 : index
    %get3A_743 = tpu.vector_load %arg7[%get3A_742] {strides = array<i32>} : memref<1024xi32, #tpu.memory_space<vmem>>, vector<16xi32>,
    %get3A_744 = vector.shape_cast %get3A_743 : vector<16xi32> to vector<16xi32>
    %eq3A_745 = arith.constant 0 : i32
    %eq3A_746 = vector.broadcast %eq3A_745 : i32 to vector<16xi32>
    %eq3A_747 = arith.cmpi eq, %get3A_744, %eq3A_746 : vector<16xi32>
    %jit3A_748 = arith.constant 7 : i32
    %broadcast_in_dim3A_749 = vector.broadcast %jit3A_748 : i32 to vector<16xi32>
    %select_n3A_750 = arith.select %eq3A_747, %broadcast_in_dim3A_749, %get3A_741 : vector<16xi1>, vector<16xi32>
    %add3A_751 = arith.constant 40 : i32
    %add3A_752 = arith.addi %mul3A_4, %add3A_751 : i32
    %add3A_753 = vector.broadcast %add3A_752 : i32 to vector<16xi32>
    %add3A_754 = arith.addi %select_n3A_750, %add3A_753 : vector<16xi32>
    %swap3A_755 = arith.constant 592 : index
    %swap3A_756 = tpu.vector_load %arg6[%swap3A_755] {strides = array<i32>} : memref<1024xi32, #tpu.memory_space<vmem>>, vector<16xi32>,
    %swap3A_757 = vector.shape_cast %swap3A_756 : vector<16xi32> to vector<16xi32>
    %swap3A_758 = vector.shape_cast %add3A_754 : vector<16xi32> to vector<16xi32>
    tpu.vector_store %arg6[%swap3A_755], %swap3A_758 {strides = array<i32>} : memref<1024xi32, #tpu.memory_space<vmem>>, vector<16xi32>,
    %get3A_759 = arith.constant 608 : index
    %get3A_760 = tpu.vector_load %arg6[%get3A_759] {strides = array<i32>} : memref<1024xi32, #tpu.memory_space<vmem>>, vector<16xi32>,
    %get3A_761 = vector.shape_cast %get3A_760 : vector<16xi32> to vector<16xi32>
    %get3A_762 = arith.constant 608 : index
    %get3A_763 = tpu.vector_load %arg7[%get3A_762] {strides = array<i32>} : memref<1024xi32, #tpu.memory_space<vmem>>, vector<16xi32>,
    %get3A_764 = vector.shape_cast %get3A_763 : vector<16xi32> to vector<16xi32>
    %eq3A_765 = arith.constant 0 : i32
    %eq3A_766 = vector.broadcast %eq3A_765 : i32 to vector<16xi32>
    %eq3A_767 = arith.cmpi eq, %get3A_764, %eq3A_766 : vector<16xi32>
    %jit3A_768 = arith.constant 7 : i32
    %broadcast_in_dim3A_769 = vector.broadcast %jit3A_768 : i32 to vector<16xi32>
    %select_n3A_770 = arith.select %eq3A_767, %broadcast_in_dim3A_769, %get3A_761 : vector<16xi1>, vector<16xi32>
    %add3A_771 = arith.constant 48 : i32
    %add3A_772 = arith.addi %mul3A_4, %add3A_771 : i32
    %add3A_773 = vector.broadcast %add3A_772 : i32 to vector<16xi32>
    %add3A_774 = arith.addi %select_n3A_770, %add3A_773 : vector<16xi32>
    %swap3A_775 = arith.constant 608 : index
    %swap3A_776 = tpu.vector_load %arg6[%swap3A_775] {strides = array<i32>} : memref<1024xi32, #tpu.memory_space<vmem>>, vector<16xi32>,
    %swap3A_777 = vector.shape_cast %swap3A_776 : vector<16xi32> to vector<16xi32>
    %swap3A_778 = vector.shape_cast %add3A_774 : vector<16xi32> to vector<16xi32>
    tpu.vector_store %arg6[%swap3A_775], %swap3A_778 {strides = array<i32>} : memref<1024xi32, #tpu.memory_space<vmem>>, vector<16xi32>,
    %get3A_779 = arith.constant 624 : index
    %get3A_780 = tpu.vector_load %arg6[%get3A_779] {strides = array<i32>} : memref<1024xi32, #tpu.memory_space<vmem>>, vector<16xi32>,
    %get3A_781 = vector.shape_cast %get3A_780 : vector<16xi32> to vector<16xi32>
    %get3A_782 = arith.constant 624 : index
    %get3A_783 = tpu.vector_load %arg7[%get3A_782] {strides = array<i32>} : memref<1024xi32, #tpu.memory_space<vmem>>, vector<16xi32>,
    %get3A_784 = vector.shape_cast %get3A_783 : vector<16xi32> to vector<16xi32>
    %eq3A_785 = arith.constant 0 : i32
    %eq3A_786 = vector.broadcast %eq3A_785 : i32 to vector<16xi32>
    %eq3A_787 = arith.cmpi eq, %get3A_784, %eq3A_786 : vector<16xi32>
    %jit3A_788 = arith.constant 7 : i32
    %broadcast_in_dim3A_789 = vector.broadcast %jit3A_788 : i32 to vector<16xi32>
    %select_n3A_790 = arith.select %eq3A_787, %broadcast_in_dim3A_789, %get3A_781 : vector<16xi1>, vector<16xi32>
    %add3A_791 = arith.constant 56 : i32
    %add3A_792 = arith.addi %mul3A_4, %add3A_791 : i32
    %add3A_793 = vector.broadcast %add3A_792 : i32 to vector<16xi32>
    %add3A_794 = arith.addi %select_n3A_790, %add3A_793 : vector<16xi32>
    %swap3A_795 = arith.constant 624 : index
    %swap3A_796 = tpu.vector_load %arg6[%swap3A_795] {strides = array<i32>} : memref<1024xi32, #tpu.memory_space<vmem>>, vector<16xi32>,
    %swap3A_797 = vector.shape_cast %swap3A_796 : vector<16xi32> to vector<16xi32>
    %swap3A_798 = vector.shape_cast %add3A_794 : vector<16xi32> to vector<16xi32>
    tpu.vector_store %arg6[%swap3A_795], %swap3A_798 {strides = array<i32>} : memref<1024xi32, #tpu.memory_space<vmem>>, vector<16xi32>,
    %get3A_799 = arith.constant 640 : index
    %get3A_800 = tpu.vector_load %arg6[%get3A_799] {strides = array<i32>} : memref<1024xi32, #tpu.memory_space<vmem>>, vector<16xi32>,
    %get3A_801 = vector.shape_cast %get3A_800 : vector<16xi32> to vector<16xi32>
    %get3A_802 = arith.constant 640 : index
    %get3A_803 = tpu.vector_load %arg7[%get3A_802] {strides = array<i32>} : memref<1024xi32, #tpu.memory_space<vmem>>, vector<16xi32>,
    %get3A_804 = vector.shape_cast %get3A_803 : vector<16xi32> to vector<16xi32>
    %eq3A_805 = arith.constant 0 : i32
    %eq3A_806 = vector.broadcast %eq3A_805 : i32 to vector<16xi32>
    %eq3A_807 = arith.cmpi eq, %get3A_804, %eq3A_806 : vector<16xi32>
    %jit3A_808 = arith.constant 7 : i32
    %broadcast_in_dim3A_809 = vector.broadcast %jit3A_808 : i32 to vector<16xi32>
    %select_n3A_810 = arith.select %eq3A_807, %broadcast_in_dim3A_809, %get3A_801 : vector<16xi1>, vector<16xi32>
    %add3A_811 = arith.constant 64 : i32
    %add3A_812 = arith.addi %mul3A_4, %add3A_811 : i32
    %add3A_813 = vector.broadcast %add3A_812 : i32 to vector<16xi32>
    %add3A_814 = arith.addi %select_n3A_810, %add3A_813 : vector<16xi32>
    %swap3A_815 = arith.constant 640 : index
    %swap3A_816 = tpu.vector_load %arg6[%swap3A_815] {strides = array<i32>} : memref<1024xi32, #tpu.memory_space<vmem>>, vector<16xi32>,
    %swap3A_817 = vector.shape_cast %swap3A_816 : vector<16xi32> to vector<16xi32>
    %swap3A_818 = vector.shape_cast %add3A_814 : vector<16xi32> to vector<16xi32>
    tpu.vector_store %arg6[%swap3A_815], %swap3A_818 {strides = array<i32>} : memref<1024xi32, #tpu.memory_space<vmem>>, vector<16xi32>,
    %get3A_819 = arith.constant 656 : index
    %get3A_820 = tpu.vector_load %arg6[%get3A_819] {strides = array<i32>} : memref<1024xi32, #tpu.memory_space<vmem>>, vector<16xi32>,
    %get3A_821 = vector.shape_cast %get3A_820 : vector<16xi32> to vector<16xi32>
    %get3A_822 = arith.constant 656 : index
    %get3A_823 = tpu.vector_load %arg7[%get3A_822] {strides = array<i32>} : memref<1024xi32, #tpu.memory_space<vmem>>, vector<16xi32>,
    %get3A_824 = vector.shape_cast %get3A_823 : vector<16xi32> to vector<16xi32>
    %eq3A_825 = arith.constant 0 : i32
    %eq3A_826 = vector.broadcast %eq3A_825 : i32 to vector<16xi32>
    %eq3A_827 = arith.cmpi eq, %get3A_824, %eq3A_826 : vector<16xi32>
    %jit3A_828 = arith.constant 7 : i32
    %broadcast_in_dim3A_829 = vector.broadcast %jit3A_828 : i32 to vector<16xi32>
    %select_n3A_830 = arith.select %eq3A_827, %broadcast_in_dim3A_829, %get3A_821 : vector<16xi1>, vector<16xi32>
    %add3A_831 = arith.constant 72 : i32
    %add3A_832 = arith.addi %mul3A_4, %add3A_831 : i32
    %add3A_833 = vector.broadcast %add3A_832 : i32 to vector<16xi32>
    %add3A_834 = arith.addi %select_n3A_830, %add3A_833 : vector<16xi32>
    %swap3A_835 = arith.constant 656 : index
    %swap3A_836 = tpu.vector_load %arg6[%swap3A_835] {strides = array<i32>} : memref<1024xi32, #tpu.memory_space<vmem>>, vector<16xi32>,
    %swap3A_837 = vector.shape_cast %swap3A_836 : vector<16xi32> to vector<16xi32>
    %swap3A_838 = vector.shape_cast %add3A_834 : vector<16xi32> to vector<16xi32>
    tpu.vector_store %arg6[%swap3A_835], %swap3A_838 {strides = array<i32>} : memref<1024xi32, #tpu.memory_space<vmem>>, vector<16xi32>,
    %get3A_839 = arith.constant 672 : index
    %get3A_840 = tpu.vector_load %arg6[%get3A_839] {strides = array<i32>} : memref<1024xi32, #tpu.memory_space<vmem>>, vector<16xi32>,
    %get3A_841 = vector.shape_cast %get3A_840 : vector<16xi32> to vector<16xi32>
    %get3A_842 = arith.constant 672 : index
    %get3A_843 = tpu.vector_load %arg7[%get3A_842] {strides = array<i32>} : memref<1024xi32, #tpu.memory_space<vmem>>, vector<16xi32>,
    %get3A_844 = vector.shape_cast %get3A_843 : vector<16xi32> to vector<16xi32>
    %eq3A_845 = arith.constant 0 : i32
    %eq3A_846 = vector.broadcast %eq3A_845 : i32 to vector<16xi32>
    %eq3A_847 = arith.cmpi eq, %get3A_844, %eq3A_846 : vector<16xi32>
    %jit3A_848 = arith.constant 7 : i32
    %broadcast_in_dim3A_849 = vector.broadcast %jit3A_848 : i32 to vector<16xi32>
    %select_n3A_850 = arith.select %eq3A_847, %broadcast_in_dim3A_849, %get3A_841 : vector<16xi1>, vector<16xi32>
    %add3A_851 = arith.constant 80 : i32
    %add3A_852 = arith.addi %mul3A_4, %add3A_851 : i32
    %add3A_853 = vector.broadcast %add3A_852 : i32 to vector<16xi32>
    %add3A_854 = arith.addi %select_n3A_850, %add3A_853 : vector<16xi32>
    %swap3A_855 = arith.constant 672 : index
    %swap3A_856 = tpu.vector_load %arg6[%swap3A_855] {strides = array<i32>} : memref<1024xi32, #tpu.memory_space<vmem>>, vector<16xi32>,
    %swap3A_857 = vector.shape_cast %swap3A_856 : vector<16xi32> to vector<16xi32>
    %swap3A_858 = vector.shape_cast %add3A_854 : vector<16xi32> to vector<16xi32>
    tpu.vector_store %arg6[%swap3A_855], %swap3A_858 {strides = array<i32>} : memref<1024xi32, #tpu.memory_space<vmem>>, vector<16xi32>,
    %get3A_859 = arith.constant 688 : index
    %get3A_860 = tpu.vector_load %arg6[%get3A_859] {strides = array<i32>} : memref<1024xi32, #tpu.memory_space<vmem>>, vector<16xi32>,
    %get3A_861 = vector.shape_cast %get3A_860 : vector<16xi32> to vector<16xi32>
    %get3A_862 = arith.constant 688 : index
    %get3A_863 = tpu.vector_load %arg7[%get3A_862] {strides = array<i32>} : memref<1024xi32, #tpu.memory_space<vmem>>, vector<16xi32>,
    %get3A_864 = vector.shape_cast %get3A_863 : vector<16xi32> to vector<16xi32>
    %eq3A_865 = arith.constant 0 : i32
    %eq3A_866 = vector.broadcast %eq3A_865 : i32 to vector<16xi32>
    %eq3A_867 = arith.cmpi eq, %get3A_864, %eq3A_866 : vector<16xi32>
    %jit3A_868 = arith.constant 7 : i32
    %broadcast_in_dim3A_869 = vector.broadcast %jit3A_868 : i32 to vector<16xi32>
    %select_n3A_870 = arith.select %eq3A_867, %broadcast_in_dim3A_869, %get3A_861 : vector<16xi1>, vector<16xi32>
    %add3A_871 = arith.constant 88 : i32
    %add3A_872 = arith.addi %mul3A_4, %add3A_871 : i32
    %add3A_873 = vector.broadcast %add3A_872 : i32 to vector<16xi32>
    %add3A_874 = arith.addi %select_n3A_870, %add3A_873 : vector<16xi32>
    %swap3A_875 = arith.constant 688 : index
    %swap3A_876 = tpu.vector_load %arg6[%swap3A_875] {strides = array<i32>} : memref<1024xi32, #tpu.memory_space<vmem>>, vector<16xi32>,
    %swap3A_877 = vector.shape_cast %swap3A_876 : vector<16xi32> to vector<16xi32>
    %swap3A_878 = vector.shape_cast %add3A_874 : vector<16xi32> to vector<16xi32>
    tpu.vector_store %arg6[%swap3A_875], %swap3A_878 {strides = array<i32>} : memref<1024xi32, #tpu.memory_space<vmem>>, vector<16xi32>,
    %get3A_879 = arith.constant 704 : index
    %get3A_880 = tpu.vector_load %arg6[%get3A_879] {strides = array<i32>} : memref<1024xi32, #tpu.memory_space<vmem>>, vector<16xi32>,
    %get3A_881 = vector.shape_cast %get3A_880 : vector<16xi32> to vector<16xi32>
    %get3A_882 = arith.constant 704 : index
    %get3A_883 = tpu.vector_load %arg7[%get3A_882] {strides = array<i32>} : memref<1024xi32, #tpu.memory_space<vmem>>, vector<16xi32>,
    %get3A_884 = vector.shape_cast %get3A_883 : vector<16xi32> to vector<16xi32>
    %eq3A_885 = arith.constant 0 : i32
    %eq3A_886 = vector.broadcast %eq3A_885 : i32 to vector<16xi32>
    %eq3A_887 = arith.cmpi eq, %get3A_884, %eq3A_886 : vector<16xi32>
    %jit3A_888 = arith.constant 7 : i32
    %broadcast_in_dim3A_889 = vector.broadcast %jit3A_888 : i32 to vector<16xi32>
    %select_n3A_890 = arith.select %eq3A_887, %broadcast_in_dim3A_889, %get3A_881 : vector<16xi1>, vector<16xi32>
    %add3A_891 = arith.constant 96 : i32
    %add3A_892 = arith.addi %mul3A_4, %add3A_891 : i32
    %add3A_893 = vector.broadcast %add3A_892 : i32 to vector<16xi32>
    %add3A_894 = arith.addi %select_n3A_890, %add3A_893 : vector<16xi32>
    %swap3A_895 = arith.constant 704 : index
    %swap3A_896 = tpu.vector_load %arg6[%swap3A_895] {strides = array<i32>} : memref<1024xi32, #tpu.memory_space<vmem>>, vector<16xi32>,
    %swap3A_897 = vector.shape_cast %swap3A_896 : vector<16xi32> to vector<16xi32>
    %swap3A_898 = vector.shape_cast %add3A_894 : vector<16xi32> to vector<16xi32>
    tpu.vector_store %arg6[%swap3A_895], %swap3A_898 {strides = array<i32>} : memref<1024xi32, #tpu.memory_space<vmem>>, vector<16xi32>,
    %get3A_899 = arith.constant 720 : index
    %get3A_900 = tpu.vector_load %arg6[%get3A_899] {strides = array<i32>} : memref<1024xi32, #tpu.memory_space<vmem>>, vector<16xi32>,
    %get3A_901 = vector.shape_cast %get3A_900 : vector<16xi32> to vector<16xi32>
    %get3A_902 = arith.constant 720 : index
    %get3A_903 = tpu.vector_load %arg7[%get3A_902] {strides = array<i32>} : memref<1024xi32, #tpu.memory_space<vmem>>, vector<16xi32>,
    %get3A_904 = vector.shape_cast %get3A_903 : vector<16xi32> to vector<16xi32>
    %eq3A_905 = arith.constant 0 : i32
    %eq3A_906 = vector.broadcast %eq3A_905 : i32 to vector<16xi32>
    %eq3A_907 = arith.cmpi eq, %get3A_904, %eq3A_906 : vector<16xi32>
    %jit3A_908 = arith.constant 7 : i32
    %broadcast_in_dim3A_909 = vector.broadcast %jit3A_908 : i32 to vector<16xi32>
    %select_n3A_910 = arith.select %eq3A_907, %broadcast_in_dim3A_909, %get3A_901 : vector<16xi1>, vector<16xi32>
    %add3A_911 = arith.constant 104 : i32
    %add3A_912 = arith.addi %mul3A_4, %add3A_911 : i32
    %add3A_913 = vector.broadcast %add3A_912 : i32 to vector<16xi32>
    %add3A_914 = arith.addi %select_n3A_910, %add3A_913 : vector<16xi32>
    %swap3A_915 = arith.constant 720 : index
    %swap3A_916 = tpu.vector_load %arg6[%swap3A_915] {strides = array<i32>} : memref<1024xi32, #tpu.memory_space<vmem>>, vector<16xi32>,
    %swap3A_917 = vector.shape_cast %swap3A_916 : vector<16xi32> to vector<16xi32>
    %swap3A_918 = vector.shape_cast %add3A_914 : vector<16xi32> to vector<16xi32>
    tpu.vector_store %arg6[%swap3A_915], %swap3A_918 {strides = array<i32>} : memref<1024xi32, #tpu.memory_space<vmem>>, vector<16xi32>,
    %get3A_919 = arith.constant 736 : index
    %get3A_920 = tpu.vector_load %arg6[%get3A_919] {strides = array<i32>} : memref<1024xi32, #tpu.memory_space<vmem>>, vector<16xi32>,
    %get3A_921 = vector.shape_cast %get3A_920 : vector<16xi32> to vector<16xi32>
    %get3A_922 = arith.constant 736 : index
    %get3A_923 = tpu.vector_load %arg7[%get3A_922] {strides = array<i32>} : memref<1024xi32, #tpu.memory_space<vmem>>, vector<16xi32>,
    %get3A_924 = vector.shape_cast %get3A_923 : vector<16xi32> to vector<16xi32>
    %eq3A_925 = arith.constant 0 : i32
    %eq3A_926 = vector.broadcast %eq3A_925 : i32 to vector<16xi32>
    %eq3A_927 = arith.cmpi eq, %get3A_924, %eq3A_926 : vector<16xi32>
    %jit3A_928 = arith.constant 7 : i32
    %broadcast_in_dim3A_929 = vector.broadcast %jit3A_928 : i32 to vector<16xi32>
    %select_n3A_930 = arith.select %eq3A_927, %broadcast_in_dim3A_929, %get3A_921 : vector<16xi1>, vector<16xi32>
    %add3A_931 = arith.constant 112 : i32
    %add3A_932 = arith.addi %mul3A_4, %add3A_931 : i32
    %add3A_933 = vector.broadcast %add3A_932 : i32 to vector<16xi32>
    %add3A_934 = arith.addi %select_n3A_930, %add3A_933 : vector<16xi32>
    %swap3A_935 = arith.constant 736 : index
    %swap3A_936 = tpu.vector_load %arg6[%swap3A_935] {strides = array<i32>} : memref<1024xi32, #tpu.memory_space<vmem>>, vector<16xi32>,
    %swap3A_937 = vector.shape_cast %swap3A_936 : vector<16xi32> to vector<16xi32>
    %swap3A_938 = vector.shape_cast %add3A_934 : vector<16xi32> to vector<16xi32>
    tpu.vector_store %arg6[%swap3A_935], %swap3A_938 {strides = array<i32>} : memref<1024xi32, #tpu.memory_space<vmem>>, vector<16xi32>,
    %get3A_939 = arith.constant 752 : index
    %get3A_940 = tpu.vector_load %arg6[%get3A_939] {strides = array<i32>} : memref<1024xi32, #tpu.memory_space<vmem>>, vector<16xi32>,
    %get3A_941 = vector.shape_cast %get3A_940 : vector<16xi32> to vector<16xi32>
    %get3A_942 = arith.constant 752 : index
    %get3A_943 = tpu.vector_load %arg7[%get3A_942] {strides = array<i32>} : memref<1024xi32, #tpu.memory_space<vmem>>, vector<16xi32>,
    %get3A_944 = vector.shape_cast %get3A_943 : vector<16xi32> to vector<16xi32>
    %eq3A_945 = arith.constant 0 : i32
    %eq3A_946 = vector.broadcast %eq3A_945 : i32 to vector<16xi32>
    %eq3A_947 = arith.cmpi eq, %get3A_944, %eq3A_946 : vector<16xi32>
    %jit3A_948 = arith.constant 7 : i32
    %broadcast_in_dim3A_949 = vector.broadcast %jit3A_948 : i32 to vector<16xi32>
    %select_n3A_950 = arith.select %eq3A_947, %broadcast_in_dim3A_949, %get3A_941 : vector<16xi1>, vector<16xi32>
    %add3A_951 = arith.constant 120 : i32
    %add3A_952 = arith.addi %mul3A_4, %add3A_951 : i32
    %add3A_953 = vector.broadcast %add3A_952 : i32 to vector<16xi32>
    %add3A_954 = arith.addi %select_n3A_950, %add3A_953 : vector<16xi32>
    %swap3A_955 = arith.constant 752 : index
    %swap3A_956 = tpu.vector_load %arg6[%swap3A_955] {strides = array<i32>} : memref<1024xi32, #tpu.memory_space<vmem>>, vector<16xi32>,
    %swap3A_957 = vector.shape_cast %swap3A_956 : vector<16xi32> to vector<16xi32>
    %swap3A_958 = vector.shape_cast %add3A_954 : vector<16xi32> to vector<16xi32>
    tpu.vector_store %arg6[%swap3A_955], %swap3A_958 {strides = array<i32>} : memref<1024xi32, #tpu.memory_space<vmem>>, vector<16xi32>,
    %get3A_959 = arith.constant 768 : index
    %get3A_960 = tpu.vector_load %arg6[%get3A_959] {strides = array<i32>} : memref<1024xi32, #tpu.memory_space<vmem>>, vector<16xi32>,
    %get3A_961 = vector.shape_cast %get3A_960 : vector<16xi32> to vector<16xi32>
    %get3A_962 = arith.constant 768 : index
    %get3A_963 = tpu.vector_load %arg7[%get3A_962] {strides = array<i32>} : memref<1024xi32, #tpu.memory_space<vmem>>, vector<16xi32>,
    %get3A_964 = vector.shape_cast %get3A_963 : vector<16xi32> to vector<16xi32>
    %eq3A_965 = arith.constant 0 : i32
    %eq3A_966 = vector.broadcast %eq3A_965 : i32 to vector<16xi32>
    %eq3A_967 = arith.cmpi eq, %get3A_964, %eq3A_966 : vector<16xi32>
    %jit3A_968 = arith.constant 7 : i32
    %broadcast_in_dim3A_969 = vector.broadcast %jit3A_968 : i32 to vector<16xi32>
    %select_n3A_970 = arith.select %eq3A_967, %broadcast_in_dim3A_969, %get3A_961 : vector<16xi1>, vector<16xi32>
    %add3A_971 = arith.constant 128 : i32
    %add3A_972 = arith.addi %mul3A_4, %add3A_971 : i32
    %add3A_973 = vector.broadcast %add3A_972 : i32 to vector<16xi32>
    %add3A_974 = arith.addi %select_n3A_970, %add3A_973 : vector<16xi32>
    %swap3A_975 = arith.constant 768 : index
    %swap3A_976 = tpu.vector_load %arg6[%swap3A_975] {strides = array<i32>} : memref<1024xi32, #tpu.memory_space<vmem>>, vector<16xi32>,
    %swap3A_977 = vector.shape_cast %swap3A_976 : vector<16xi32> to vector<16xi32>
    %swap3A_978 = vector.shape_cast %add3A_974 : vector<16xi32> to vector<16xi32>
    tpu.vector_store %arg6[%swap3A_975], %swap3A_978 {strides = array<i32>} : memref<1024xi32, #tpu.memory_space<vmem>>, vector<16xi32>,
    %get3A_979 = arith.constant 784 : index
    %get3A_980 = tpu.vector_load %arg6[%get3A_979] {strides = array<i32>} : memref<1024xi32, #tpu.memory_space<vmem>>, vector<16xi32>,
    %get3A_981 = vector.shape_cast %get3A_980 : vector<16xi32> to vector<16xi32>
    %get3A_982 = arith.constant 784 : index
    %get3A_983 = tpu.vector_load %arg7[%get3A_982] {strides = array<i32>} : memref<1024xi32, #tpu.memory_space<vmem>>, vector<16xi32>,
    %get3A_984 = vector.shape_cast %get3A_983 : vector<16xi32> to vector<16xi32>
    %eq3A_985 = arith.constant 0 : i32
    %eq3A_986 = vector.broadcast %eq3A_985 : i32 to vector<16xi32>
    %eq3A_987 = arith.cmpi eq, %get3A_984, %eq3A_986 : vector<16xi32>
    %jit3A_988 = arith.constant 7 : i32
    %broadcast_in_dim3A_989 = vector.broadcast %jit3A_988 : i32 to vector<16xi32>
    %select_n3A_990 = arith.select %eq3A_987, %broadcast_in_dim3A_989, %get3A_981 : vector<16xi1>, vector<16xi32>
    %add3A_991 = arith.constant 136 : i32
    %add3A_992 = arith.addi %mul3A_4, %add3A_991 : i32
    %add3A_993 = vector.broadcast %add3A_992 : i32 to vector<16xi32>
    %add3A_994 = arith.addi %select_n3A_990, %add3A_993 : vector<16xi32>
    %swap3A_995 = arith.constant 784 : index
    %swap3A_996 = tpu.vector_load %arg6[%swap3A_995] {strides = array<i32>} : memref<1024xi32, #tpu.memory_space<vmem>>, vector<16xi32>,
    %swap3A_997 = vector.shape_cast %swap3A_996 : vector<16xi32> to vector<16xi32>
    %swap3A_998 = vector.shape_cast %add3A_994 : vector<16xi32> to vector<16xi32>
    tpu.vector_store %arg6[%swap3A_995], %swap3A_998 {strides = array<i32>} : memref<1024xi32, #tpu.memory_space<vmem>>, vector<16xi32>,
    %get3A_999 = arith.constant 800 : index
    %get3A_1000 = tpu.vector_load %arg6[%get3A_999] {strides = array<i32>} : memref<1024xi32, #tpu.memory_space<vmem>>, vector<16xi32>,
    %get3A_1001 = vector.shape_cast %get3A_1000 : vector<16xi32> to vector<16xi32>
    %get3A_1002 = arith.constant 800 : index
    %get3A_1003 = tpu.vector_load %arg7[%get3A_1002] {strides = array<i32>} : memref<1024xi32, #tpu.memory_space<vmem>>, vector<16xi32>,
    %get3A_1004 = vector.shape_cast %get3A_1003 : vector<16xi32> to vector<16xi32>
    %eq3A_1005 = arith.constant 0 : i32
    %eq3A_1006 = vector.broadcast %eq3A_1005 : i32 to vector<16xi32>
    %eq3A_1007 = arith.cmpi eq, %get3A_1004, %eq3A_1006 : vector<16xi32>
    %jit3A_1008 = arith.constant 7 : i32
    %broadcast_in_dim3A_1009 = vector.broadcast %jit3A_1008 : i32 to vector<16xi32>
    %select_n3A_1010 = arith.select %eq3A_1007, %broadcast_in_dim3A_1009, %get3A_1001 : vector<16xi1>, vector<16xi32>
    %add3A_1011 = arith.constant 144 : i32
    %add3A_1012 = arith.addi %mul3A_4, %add3A_1011 : i32
    %add3A_1013 = vector.broadcast %add3A_1012 : i32 to vector<16xi32>
    %add3A_1014 = arith.addi %select_n3A_1010, %add3A_1013 : vector<16xi32>
    %swap3A_1015 = arith.constant 800 : index
    %swap3A_1016 = tpu.vector_load %arg6[%swap3A_1015] {strides = array<i32>} : memref<1024xi32, #tpu.memory_space<vmem>>, vector<16xi32>,
    %swap3A_1017 = vector.shape_cast %swap3A_1016 : vector<16xi32> to vector<16xi32>
    %swap3A_1018 = vector.shape_cast %add3A_1014 : vector<16xi32> to vector<16xi32>
    tpu.vector_store %arg6[%swap3A_1015], %swap3A_1018 {strides = array<i32>} : memref<1024xi32, #tpu.memory_space<vmem>>, vector<16xi32>,
    %get3A_1019 = arith.constant 816 : index
    %get3A_1020 = tpu.vector_load %arg6[%get3A_1019] {strides = array<i32>} : memref<1024xi32, #tpu.memory_space<vmem>>, vector<16xi32>,
    %get3A_1021 = vector.shape_cast %get3A_1020 : vector<16xi32> to vector<16xi32>
    %get3A_1022 = arith.constant 816 : index
    %get3A_1023 = tpu.vector_load %arg7[%get3A_1022] {strides = array<i32>} : memref<1024xi32, #tpu.memory_space<vmem>>, vector<16xi32>,
    %get3A_1024 = vector.shape_cast %get3A_1023 : vector<16xi32> to vector<16xi32>
    %eq3A_1025 = arith.constant 0 : i32
    %eq3A_1026 = vector.broadcast %eq3A_1025 : i32 to vector<16xi32>
    %eq3A_1027 = arith.cmpi eq, %get3A_1024, %eq3A_1026 : vector<16xi32>
    %jit3A_1028 = arith.constant 7 : i32
    %broadcast_in_dim3A_1029 = vector.broadcast %jit3A_1028 : i32 to vector<16xi32>
    %select_n3A_1030 = arith.select %eq3A_1027, %broadcast_in_dim3A_1029, %get3A_1021 : vector<16xi1>, vector<16xi32>
    %add3A_1031 = arith.constant 152 : i32
    %add3A_1032 = arith.addi %mul3A_4, %add3A_1031 : i32
    %add3A_1033 = vector.broadcast %add3A_1032 : i32 to vector<16xi32>
    %add3A_1034 = arith.addi %select_n3A_1030, %add3A_1033 : vector<16xi32>
    %swap3A_1035 = arith.constant 816 : index
    %swap3A_1036 = tpu.vector_load %arg6[%swap3A_1035] {strides = array<i32>} : memref<1024xi32, #tpu.memory_space<vmem>>, vector<16xi32>,
    %swap3A_1037 = vector.shape_cast %swap3A_1036 : vector<16xi32> to vector<16xi32>
    %swap3A_1038 = vector.shape_cast %add3A_1034 : vector<16xi32> to vector<16xi32>
    tpu.vector_store %arg6[%swap3A_1035], %swap3A_1038 {strides = array<i32>} : memref<1024xi32, #tpu.memory_space<vmem>>, vector<16xi32>,
    %get3A_1039 = arith.constant 832 : index
    %get3A_1040 = tpu.vector_load %arg6[%get3A_1039] {strides = array<i32>} : memref<1024xi32, #tpu.memory_space<vmem>>, vector<16xi32>,
    %get3A_1041 = vector.shape_cast %get3A_1040 : vector<16xi32> to vector<16xi32>
    %get3A_1042 = arith.constant 832 : index
    %get3A_1043 = tpu.vector_load %arg7[%get3A_1042] {strides = array<i32>} : memref<1024xi32, #tpu.memory_space<vmem>>, vector<16xi32>,
    %get3A_1044 = vector.shape_cast %get3A_1043 : vector<16xi32> to vector<16xi32>
    %eq3A_1045 = arith.constant 0 : i32
    %eq3A_1046 = vector.broadcast %eq3A_1045 : i32 to vector<16xi32>
    %eq3A_1047 = arith.cmpi eq, %get3A_1044, %eq3A_1046 : vector<16xi32>
    %jit3A_1048 = arith.constant 7 : i32
    %broadcast_in_dim3A_1049 = vector.broadcast %jit3A_1048 : i32 to vector<16xi32>
    %select_n3A_1050 = arith.select %eq3A_1047, %broadcast_in_dim3A_1049, %get3A_1041 : vector<16xi1>, vector<16xi32>
    %add3A_1051 = arith.constant 160 : i32
    %add3A_1052 = arith.addi %mul3A_4, %add3A_1051 : i32
    %add3A_1053 = vector.broadcast %add3A_1052 : i32 to vector<16xi32>
    %add3A_1054 = arith.addi %select_n3A_1050, %add3A_1053 : vector<16xi32>
    %swap3A_1055 = arith.constant 832 : index
    %swap3A_1056 = tpu.vector_load %arg6[%swap3A_1055] {strides = array<i32>} : memref<1024xi32, #tpu.memory_space<vmem>>, vector<16xi32>,
    %swap3A_1057 = vector.shape_cast %swap3A_1056 : vector<16xi32> to vector<16xi32>
    %swap3A_1058 = vector.shape_cast %add3A_1054 : vector<16xi32> to vector<16xi32>
    tpu.vector_store %arg6[%swap3A_1055], %swap3A_1058 {strides = array<i32>} : memref<1024xi32, #tpu.memory_space<vmem>>, vector<16xi32>,
    %get3A_1059 = arith.constant 848 : index
    %get3A_1060 = tpu.vector_load %arg6[%get3A_1059] {strides = array<i32>} : memref<1024xi32, #tpu.memory_space<vmem>>, vector<16xi32>,
    %get3A_1061 = vector.shape_cast %get3A_1060 : vector<16xi32> to vector<16xi32>
    %get3A_1062 = arith.constant 848 : index
    %get3A_1063 = tpu.vector_load %arg7[%get3A_1062] {strides = array<i32>} : memref<1024xi32, #tpu.memory_space<vmem>>, vector<16xi32>,
    %get3A_1064 = vector.shape_cast %get3A_1063 : vector<16xi32> to vector<16xi32>
    %eq3A_1065 = arith.constant 0 : i32
    %eq3A_1066 = vector.broadcast %eq3A_1065 : i32 to vector<16xi32>
    %eq3A_1067 = arith.cmpi eq, %get3A_1064, %eq3A_1066 : vector<16xi32>
    %jit3A_1068 = arith.constant 7 : i32
    %broadcast_in_dim3A_1069 = vector.broadcast %jit3A_1068 : i32 to vector<16xi32>
    %select_n3A_1070 = arith.select %eq3A_1067, %broadcast_in_dim3A_1069, %get3A_1061 : vector<16xi1>, vector<16xi32>
    %add3A_1071 = arith.constant 168 : i32
    %add3A_1072 = arith.addi %mul3A_4, %add3A_1071 : i32
    %add3A_1073 = vector.broadcast %add3A_1072 : i32 to vector<16xi32>
    %add3A_1074 = arith.addi %select_n3A_1070, %add3A_1073 : vector<16xi32>
    %swap3A_1075 = arith.constant 848 : index
    %swap3A_1076 = tpu.vector_load %arg6[%swap3A_1075] {strides = array<i32>} : memref<1024xi32, #tpu.memory_space<vmem>>, vector<16xi32>,
    %swap3A_1077 = vector.shape_cast %swap3A_1076 : vector<16xi32> to vector<16xi32>
    %swap3A_1078 = vector.shape_cast %add3A_1074 : vector<16xi32> to vector<16xi32>
    tpu.vector_store %arg6[%swap3A_1075], %swap3A_1078 {strides = array<i32>} : memref<1024xi32, #tpu.memory_space<vmem>>, vector<16xi32>,
    %get3A_1079 = arith.constant 864 : index
    %get3A_1080 = tpu.vector_load %arg6[%get3A_1079] {strides = array<i32>} : memref<1024xi32, #tpu.memory_space<vmem>>, vector<16xi32>,
    %get3A_1081 = vector.shape_cast %get3A_1080 : vector<16xi32> to vector<16xi32>
    %get3A_1082 = arith.constant 864 : index
    %get3A_1083 = tpu.vector_load %arg7[%get3A_1082] {strides = array<i32>} : memref<1024xi32, #tpu.memory_space<vmem>>, vector<16xi32>,
    %get3A_1084 = vector.shape_cast %get3A_1083 : vector<16xi32> to vector<16xi32>
    %eq3A_1085 = arith.constant 0 : i32
    %eq3A_1086 = vector.broadcast %eq3A_1085 : i32 to vector<16xi32>
    %eq3A_1087 = arith.cmpi eq, %get3A_1084, %eq3A_1086 : vector<16xi32>
    %jit3A_1088 = arith.constant 7 : i32
    %broadcast_in_dim3A_1089 = vector.broadcast %jit3A_1088 : i32 to vector<16xi32>
    %select_n3A_1090 = arith.select %eq3A_1087, %broadcast_in_dim3A_1089, %get3A_1081 : vector<16xi1>, vector<16xi32>
    %add3A_1091 = arith.constant 176 : i32
    %add3A_1092 = arith.addi %mul3A_4, %add3A_1091 : i32
    %add3A_1093 = vector.broadcast %add3A_1092 : i32 to vector<16xi32>
    %add3A_1094 = arith.addi %select_n3A_1090, %add3A_1093 : vector<16xi32>
    %swap3A_1095 = arith.constant 864 : index
    %swap3A_1096 = tpu.vector_load %arg6[%swap3A_1095] {strides = array<i32>} : memref<1024xi32, #tpu.memory_space<vmem>>, vector<16xi32>,
    %swap3A_1097 = vector.shape_cast %swap3A_1096 : vector<16xi32> to vector<16xi32>
    %swap3A_1098 = vector.shape_cast %add3A_1094 : vector<16xi32> to vector<16xi32>
    tpu.vector_store %arg6[%swap3A_1095], %swap3A_1098 {strides = array<i32>} : memref<1024xi32, #tpu.memory_space<vmem>>, vector<16xi32>,
    %get3A_1099 = arith.constant 880 : index
    %get3A_1100 = tpu.vector_load %arg6[%get3A_1099] {strides = array<i32>} : memref<1024xi32, #tpu.memory_space<vmem>>, vector<16xi32>,
    %get3A_1101 = vector.shape_cast %get3A_1100 : vector<16xi32> to vector<16xi32>
    %get3A_1102 = arith.constant 880 : index
    %get3A_1103 = tpu.vector_load %arg7[%get3A_1102] {strides = array<i32>} : memref<1024xi32, #tpu.memory_space<vmem>>, vector<16xi32>,
    %get3A_1104 = vector.shape_cast %get3A_1103 : vector<16xi32> to vector<16xi32>
    %eq3A_1105 = arith.constant 0 : i32
    %eq3A_1106 = vector.broadcast %eq3A_1105 : i32 to vector<16xi32>
    %eq3A_1107 = arith.cmpi eq, %get3A_1104, %eq3A_1106 : vector<16xi32>
    %jit3A_1108 = arith.constant 7 : i32
    %broadcast_in_dim3A_1109 = vector.broadcast %jit3A_1108 : i32 to vector<16xi32>
    %select_n3A_1110 = arith.select %eq3A_1107, %broadcast_in_dim3A_1109, %get3A_1101 : vector<16xi1>, vector<16xi32>
    %add3A_1111 = arith.constant 184 : i32
    %add3A_1112 = arith.addi %mul3A_4, %add3A_1111 : i32
    %add3A_1113 = vector.broadcast %add3A_1112 : i32 to vector<16xi32>
    %add3A_1114 = arith.addi %select_n3A_1110, %add3A_1113 : vector<16xi32>
    %swap3A_1115 = arith.constant 880 : index
    %swap3A_1116 = tpu.vector_load %arg6[%swap3A_1115] {strides = array<i32>} : memref<1024xi32, #tpu.memory_space<vmem>>, vector<16xi32>,
    %swap3A_1117 = vector.shape_cast %swap3A_1116 : vector<16xi32> to vector<16xi32>
    %swap3A_1118 = vector.shape_cast %add3A_1114 : vector<16xi32> to vector<16xi32>
    tpu.vector_store %arg6[%swap3A_1115], %swap3A_1118 {strides = array<i32>} : memref<1024xi32, #tpu.memory_space<vmem>>, vector<16xi32>,
    %get3A_1119 = arith.constant 896 : index
    %get3A_1120 = tpu.vector_load %arg6[%get3A_1119] {strides = array<i32>} : memref<1024xi32, #tpu.memory_space<vmem>>, vector<16xi32>,
    %get3A_1121 = vector.shape_cast %get3A_1120 : vector<16xi32> to vector<16xi32>
    %get3A_1122 = arith.constant 896 : index
    %get3A_1123 = tpu.vector_load %arg7[%get3A_1122] {strides = array<i32>} : memref<1024xi32, #tpu.memory_space<vmem>>, vector<16xi32>,
    %get3A_1124 = vector.shape_cast %get3A_1123 : vector<16xi32> to vector<16xi32>
    %eq3A_1125 = arith.constant 0 : i32
    %eq3A_1126 = vector.broadcast %eq3A_1125 : i32 to vector<16xi32>
    %eq3A_1127 = arith.cmpi eq, %get3A_1124, %eq3A_1126 : vector<16xi32>
    %jit3A_1128 = arith.constant 7 : i32
    %broadcast_in_dim3A_1129 = vector.broadcast %jit3A_1128 : i32 to vector<16xi32>
    %select_n3A_1130 = arith.select %eq3A_1127, %broadcast_in_dim3A_1129, %get3A_1121 : vector<16xi1>, vector<16xi32>
    %add3A_1131 = arith.constant 192 : i32
    %add3A_1132 = arith.addi %mul3A_4, %add3A_1131 : i32
    %add3A_1133 = vector.broadcast %add3A_1132 : i32 to vector<16xi32>
    %add3A_1134 = arith.addi %select_n3A_1130, %add3A_1133 : vector<16xi32>
    %swap3A_1135 = arith.constant 896 : index
    %swap3A_1136 = tpu.vector_load %arg6[%swap3A_1135] {strides = array<i32>} : memref<1024xi32, #tpu.memory_space<vmem>>, vector<16xi32>,
    %swap3A_1137 = vector.shape_cast %swap3A_1136 : vector<16xi32> to vector<16xi32>
    %swap3A_1138 = vector.shape_cast %add3A_1134 : vector<16xi32> to vector<16xi32>
    tpu.vector_store %arg6[%swap3A_1135], %swap3A_1138 {strides = array<i32>} : memref<1024xi32, #tpu.memory_space<vmem>>, vector<16xi32>,
    %get3A_1139 = arith.constant 912 : index
    %get3A_1140 = tpu.vector_load %arg6[%get3A_1139] {strides = array<i32>} : memref<1024xi32, #tpu.memory_space<vmem>>, vector<16xi32>,
    %get3A_1141 = vector.shape_cast %get3A_1140 : vector<16xi32> to vector<16xi32>
    %get3A_1142 = arith.constant 912 : index
    %get3A_1143 = tpu.vector_load %arg7[%get3A_1142] {strides = array<i32>} : memref<1024xi32, #tpu.memory_space<vmem>>, vector<16xi32>,
    %get3A_1144 = vector.shape_cast %get3A_1143 : vector<16xi32> to vector<16xi32>
    %eq3A_1145 = arith.constant 0 : i32
    %eq3A_1146 = vector.broadcast %eq3A_1145 : i32 to vector<16xi32>
    %eq3A_1147 = arith.cmpi eq, %get3A_1144, %eq3A_1146 : vector<16xi32>
    %jit3A_1148 = arith.constant 7 : i32
    %broadcast_in_dim3A_1149 = vector.broadcast %jit3A_1148 : i32 to vector<16xi32>
    %select_n3A_1150 = arith.select %eq3A_1147, %broadcast_in_dim3A_1149, %get3A_1141 : vector<16xi1>, vector<16xi32>
    %add3A_1151 = arith.constant 200 : i32
    %add3A_1152 = arith.addi %mul3A_4, %add3A_1151 : i32
    %add3A_1153 = vector.broadcast %add3A_1152 : i32 to vector<16xi32>
    %add3A_1154 = arith.addi %select_n3A_1150, %add3A_1153 : vector<16xi32>
    %swap3A_1155 = arith.constant 912 : index
    %swap3A_1156 = tpu.vector_load %arg6[%swap3A_1155] {strides = array<i32>} : memref<1024xi32, #tpu.memory_space<vmem>>, vector<16xi32>,
    %swap3A_1157 = vector.shape_cast %swap3A_1156 : vector<16xi32> to vector<16xi32>
    %swap3A_1158 = vector.shape_cast %add3A_1154 : vector<16xi32> to vector<16xi32>
    tpu.vector_store %arg6[%swap3A_1155], %swap3A_1158 {strides = array<i32>} : memref<1024xi32, #tpu.memory_space<vmem>>, vector<16xi32>,
    %get3A_1159 = arith.constant 928 : index
    %get3A_1160 = tpu.vector_load %arg6[%get3A_1159] {strides = array<i32>} : memref<1024xi32, #tpu.memory_space<vmem>>, vector<16xi32>,
    %get3A_1161 = vector.shape_cast %get3A_1160 : vector<16xi32> to vector<16xi32>
    %get3A_1162 = arith.constant 928 : index
    %get3A_1163 = tpu.vector_load %arg7[%get3A_1162] {strides = array<i32>} : memref<1024xi32, #tpu.memory_space<vmem>>, vector<16xi32>,
    %get3A_1164 = vector.shape_cast %get3A_1163 : vector<16xi32> to vector<16xi32>
    %eq3A_1165 = arith.constant 0 : i32
    %eq3A_1166 = vector.broadcast %eq3A_1165 : i32 to vector<16xi32>
    %eq3A_1167 = arith.cmpi eq, %get3A_1164, %eq3A_1166 : vector<16xi32>
    %jit3A_1168 = arith.constant 7 : i32
    %broadcast_in_dim3A_1169 = vector.broadcast %jit3A_1168 : i32 to vector<16xi32>
    %select_n3A_1170 = arith.select %eq3A_1167, %broadcast_in_dim3A_1169, %get3A_1161 : vector<16xi1>, vector<16xi32>
    %add3A_1171 = arith.constant 208 : i32
    %add3A_1172 = arith.addi %mul3A_4, %add3A_1171 : i32
    %add3A_1173 = vector.broadcast %add3A_1172 : i32 to vector<16xi32>
    %add3A_1174 = arith.addi %select_n3A_1170, %add3A_1173 : vector<16xi32>
    %swap3A_1175 = arith.constant 928 : index
    %swap3A_1176 = tpu.vector_load %arg6[%swap3A_1175] {strides = array<i32>} : memref<1024xi32, #tpu.memory_space<vmem>>, vector<16xi32>,
    %swap3A_1177 = vector.shape_cast %swap3A_1176 : vector<16xi32> to vector<16xi32>
    %swap3A_1178 = vector.shape_cast %add3A_1174 : vector<16xi32> to vector<16xi32>
    tpu.vector_store %arg6[%swap3A_1175], %swap3A_1178 {strides = array<i32>} : memref<1024xi32, #tpu.memory_space<vmem>>, vector<16xi32>,
    %get3A_1179 = arith.constant 944 : index
    %get3A_1180 = tpu.vector_load %arg6[%get3A_1179] {strides = array<i32>} : memref<1024xi32, #tpu.memory_space<vmem>>, vector<16xi32>,
    %get3A_1181 = vector.shape_cast %get3A_1180 : vector<16xi32> to vector<16xi32>
    %get3A_1182 = arith.constant 944 : index
    %get3A_1183 = tpu.vector_load %arg7[%get3A_1182] {strides = array<i32>} : memref<1024xi32, #tpu.memory_space<vmem>>, vector<16xi32>,
    %get3A_1184 = vector.shape_cast %get3A_1183 : vector<16xi32> to vector<16xi32>
    %eq3A_1185 = arith.constant 0 : i32
    %eq3A_1186 = vector.broadcast %eq3A_1185 : i32 to vector<16xi32>
    %eq3A_1187 = arith.cmpi eq, %get3A_1184, %eq3A_1186 : vector<16xi32>
    %jit3A_1188 = arith.constant 7 : i32
    %broadcast_in_dim3A_1189 = vector.broadcast %jit3A_1188 : i32 to vector<16xi32>
    %select_n3A_1190 = arith.select %eq3A_1187, %broadcast_in_dim3A_1189, %get3A_1181 : vector<16xi1>, vector<16xi32>
    %add3A_1191 = arith.constant 216 : i32
    %add3A_1192 = arith.addi %mul3A_4, %add3A_1191 : i32
    %add3A_1193 = vector.broadcast %add3A_1192 : i32 to vector<16xi32>
    %add3A_1194 = arith.addi %select_n3A_1190, %add3A_1193 : vector<16xi32>
    %swap3A_1195 = arith.constant 944 : index
    %swap3A_1196 = tpu.vector_load %arg6[%swap3A_1195] {strides = array<i32>} : memref<1024xi32, #tpu.memory_space<vmem>>, vector<16xi32>,
    %swap3A_1197 = vector.shape_cast %swap3A_1196 : vector<16xi32> to vector<16xi32>
    %swap3A_1198 = vector.shape_cast %add3A_1194 : vector<16xi32> to vector<16xi32>
    tpu.vector_store %arg6[%swap3A_1195], %swap3A_1198 {strides = array<i32>} : memref<1024xi32, #tpu.memory_space<vmem>>, vector<16xi32>,
    %get3A_1199 = arith.constant 960 : index
    %get3A_1200 = tpu.vector_load %arg6[%get3A_1199] {strides = array<i32>} : memref<1024xi32, #tpu.memory_space<vmem>>, vector<16xi32>,
    %get3A_1201 = vector.shape_cast %get3A_1200 : vector<16xi32> to vector<16xi32>
    %get3A_1202 = arith.constant 960 : index
    %get3A_1203 = tpu.vector_load %arg7[%get3A_1202] {strides = array<i32>} : memref<1024xi32, #tpu.memory_space<vmem>>, vector<16xi32>,
    %get3A_1204 = vector.shape_cast %get3A_1203 : vector<16xi32> to vector<16xi32>
    %eq3A_1205 = arith.constant 0 : i32
    %eq3A_1206 = vector.broadcast %eq3A_1205 : i32 to vector<16xi32>
    %eq3A_1207 = arith.cmpi eq, %get3A_1204, %eq3A_1206 : vector<16xi32>
    %jit3A_1208 = arith.constant 7 : i32
    %broadcast_in_dim3A_1209 = vector.broadcast %jit3A_1208 : i32 to vector<16xi32>
    %select_n3A_1210 = arith.select %eq3A_1207, %broadcast_in_dim3A_1209, %get3A_1201 : vector<16xi1>, vector<16xi32>
    %add3A_1211 = arith.constant 224 : i32
    %add3A_1212 = arith.addi %mul3A_4, %add3A_1211 : i32
    %add3A_1213 = vector.broadcast %add3A_1212 : i32 to vector<16xi32>
    %add3A_1214 = arith.addi %select_n3A_1210, %add3A_1213 : vector<16xi32>
    %swap3A_1215 = arith.constant 960 : index
    %swap3A_1216 = tpu.vector_load %arg6[%swap3A_1215] {strides = array<i32>} : memref<1024xi32, #tpu.memory_space<vmem>>, vector<16xi32>,
    %swap3A_1217 = vector.shape_cast %swap3A_1216 : vector<16xi32> to vector<16xi32>
    %swap3A_1218 = vector.shape_cast %add3A_1214 : vector<16xi32> to vector<16xi32>
    tpu.vector_store %arg6[%swap3A_1215], %swap3A_1218 {strides = array<i32>} : memref<1024xi32, #tpu.memory_space<vmem>>, vector<16xi32>,
    %get3A_1219 = arith.constant 976 : index
    %get3A_1220 = tpu.vector_load %arg6[%get3A_1219] {strides = array<i32>} : memref<1024xi32, #tpu.memory_space<vmem>>, vector<16xi32>,
    %get3A_1221 = vector.shape_cast %get3A_1220 : vector<16xi32> to vector<16xi32>
    %get3A_1222 = arith.constant 976 : index
    %get3A_1223 = tpu.vector_load %arg7[%get3A_1222] {strides = array<i32>} : memref<1024xi32, #tpu.memory_space<vmem>>, vector<16xi32>,
    %get3A_1224 = vector.shape_cast %get3A_1223 : vector<16xi32> to vector<16xi32>
    %eq3A_1225 = arith.constant 0 : i32
    %eq3A_1226 = vector.broadcast %eq3A_1225 : i32 to vector<16xi32>
    %eq3A_1227 = arith.cmpi eq, %get3A_1224, %eq3A_1226 : vector<16xi32>
    %jit3A_1228 = arith.constant 7 : i32
    %broadcast_in_dim3A_1229 = vector.broadcast %jit3A_1228 : i32 to vector<16xi32>
    %select_n3A_1230 = arith.select %eq3A_1227, %broadcast_in_dim3A_1229, %get3A_1221 : vector<16xi1>, vector<16xi32>
    %add3A_1231 = arith.constant 232 : i32
    %add3A_1232 = arith.addi %mul3A_4, %add3A_1231 : i32
    %add3A_1233 = vector.broadcast %add3A_1232 : i32 to vector<16xi32>
    %add3A_1234 = arith.addi %select_n3A_1230, %add3A_1233 : vector<16xi32>
    %swap3A_1235 = arith.constant 976 : index
    %swap3A_1236 = tpu.vector_load %arg6[%swap3A_1235] {strides = array<i32>} : memref<1024xi32, #tpu.memory_space<vmem>>, vector<16xi32>,
    %swap3A_1237 = vector.shape_cast %swap3A_1236 : vector<16xi32> to vector<16xi32>
    %swap3A_1238 = vector.shape_cast %add3A_1234 : vector<16xi32> to vector<16xi32>
    tpu.vector_store %arg6[%swap3A_1235], %swap3A_1238 {strides = array<i32>} : memref<1024xi32, #tpu.memory_space<vmem>>, vector<16xi32>,
    %get3A_1239 = arith.constant 992 : index
    %get3A_1240 = tpu.vector_load %arg6[%get3A_1239] {strides = array<i32>} : memref<1024xi32, #tpu.memory_space<vmem>>, vector<16xi32>,
    %get3A_1241 = vector.shape_cast %get3A_1240 : vector<16xi32> to vector<16xi32>
    %get3A_1242 = arith.constant 992 : index
    %get3A_1243 = tpu.vector_load %arg7[%get3A_1242] {strides = array<i32>} : memref<1024xi32, #tpu.memory_space<vmem>>, vector<16xi32>,
    %get3A_1244 = vector.shape_cast %get3A_1243 : vector<16xi32> to vector<16xi32>
    %eq3A_1245 = arith.constant 0 : i32
    %eq3A_1246 = vector.broadcast %eq3A_1245 : i32 to vector<16xi32>
    %eq3A_1247 = arith.cmpi eq, %get3A_1244, %eq3A_1246 : vector<16xi32>
    %jit3A_1248 = arith.constant 7 : i32
    %broadcast_in_dim3A_1249 = vector.broadcast %jit3A_1248 : i32 to vector<16xi32>
    %select_n3A_1250 = arith.select %eq3A_1247, %broadcast_in_dim3A_1249, %get3A_1241 : vector<16xi1>, vector<16xi32>
    %add3A_1251 = arith.constant 240 : i32
    %add3A_1252 = arith.addi %mul3A_4, %add3A_1251 : i32
    %add3A_1253 = vector.broadcast %add3A_1252 : i32 to vector<16xi32>
    %add3A_1254 = arith.addi %select_n3A_1250, %add3A_1253 : vector<16xi32>
    %swap3A_1255 = arith.constant 992 : index
    %swap3A_1256 = tpu.vector_load %arg6[%swap3A_1255] {strides = array<i32>} : memref<1024xi32, #tpu.memory_space<vmem>>, vector<16xi32>,
    %swap3A_1257 = vector.shape_cast %swap3A_1256 : vector<16xi32> to vector<16xi32>
    %swap3A_1258 = vector.shape_cast %add3A_1254 : vector<16xi32> to vector<16xi32>
    tpu.vector_store %arg6[%swap3A_1255], %swap3A_1258 {strides = array<i32>} : memref<1024xi32, #tpu.memory_space<vmem>>, vector<16xi32>,
    %get3A_1259 = arith.constant 1008 : index
    %get3A_1260 = tpu.vector_load %arg6[%get3A_1259] {strides = array<i32>} : memref<1024xi32, #tpu.memory_space<vmem>>, vector<16xi32>,
    %get3A_1261 = vector.shape_cast %get3A_1260 : vector<16xi32> to vector<16xi32>
    %get3A_1262 = arith.constant 1008 : index
    %get3A_1263 = tpu.vector_load %arg7[%get3A_1262] {strides = array<i32>} : memref<1024xi32, #tpu.memory_space<vmem>>, vector<16xi32>,
    %get3A_1264 = vector.shape_cast %get3A_1263 : vector<16xi32> to vector<16xi32>
    %eq3A_1265 = arith.constant 0 : i32
    %eq3A_1266 = vector.broadcast %eq3A_1265 : i32 to vector<16xi32>
    %eq3A_1267 = arith.cmpi eq, %get3A_1264, %eq3A_1266 : vector<16xi32>
    %jit3A_1268 = arith.constant 7 : i32
    %broadcast_in_dim3A_1269 = vector.broadcast %jit3A_1268 : i32 to vector<16xi32>
    %select_n3A_1270 = arith.select %eq3A_1267, %broadcast_in_dim3A_1269, %get3A_1261 : vector<16xi1>, vector<16xi32>
    %add3A_1271 = arith.constant 248 : i32
    %add3A_1272 = arith.addi %mul3A_4, %add3A_1271 : i32
    %add3A_1273 = vector.broadcast %add3A_1272 : i32 to vector<16xi32>
    %add3A_1274 = arith.addi %select_n3A_1270, %add3A_1273 : vector<16xi32>
    %swap3A_1275 = arith.constant 1008 : index
    %swap3A_1276 = tpu.vector_load %arg6[%swap3A_1275] {strides = array<i32>} : memref<1024xi32, #tpu.memory_space<vmem>>, vector<16xi32>,
    %swap3A_1277 = vector.shape_cast %swap3A_1276 : vector<16xi32> to vector<16xi32>
    %swap3A_1278 = vector.shape_cast %add3A_1274 : vector<16xi32> to vector<16xi32>
    tpu.vector_store %arg6[%swap3A_1275], %swap3A_1278 {strides = array<i32>} : memref<1024xi32, #tpu.memory_space<vmem>>, vector<16xi32>,
    %dma_start3A = arith.constant 0 : i32
    %dma_start3A_1279 = tpu.memref_slice %arg6[%dma_start3A] : memref<1024xi32, #tpu.memory_space<vmem>> -> memref<128xi32, #tpu.memory_space<vmem>>
    %dma_start3A_1280 = arith.constant 0 : i32
    %dma_start3A_1281 = arith.constant 0 : i32
    %dma_start3A_1282 = tpu.memref_slice %arg4[%dma_start3A_1280, %dma_start3A_1281] : memref<8192x256xf32, #tpu.memory_space<hbm>> -> memref<8192x256xf32, #tpu.memory_space<hbm>>
    tpu.enqueue_indirect_dma source(%dma_start3A_1282 : memref<8192x256xf32, #tpu.memory_space<hbm>>) target(%arg8 : memref<128x256xf32, #tpu.memory_space<vmem>>) offsets(%dma_start3A_1279 : memref<128xi32, #tpu.memory_space<vmem>>) semaphore(%arg11 : memref<!tpu.dma_semaphore, #tpu.memory_space<semaphore_mem>>)
    %dma_start3A_1283 = arith.constant 128 : i32
    %dma_start3A_1284 = tpu.memref_slice %arg6[%dma_start3A_1283] : memref<1024xi32, #tpu.memory_space<vmem>> -> memref<128xi32, #tpu.memory_space<vmem>>
    %dma_start3A_1285 = arith.constant 0 : i32
    %dma_start3A_1286 = arith.constant 0 : i32
    %dma_start3A_1287 = tpu.memref_slice %arg4[%dma_start3A_1285, %dma_start3A_1286] : memref<8192x256xf32, #tpu.memory_space<hbm>> -> memref<8192x256xf32, #tpu.memory_space<hbm>>
    tpu.enqueue_indirect_dma source(%dma_start3A_1287 : memref<8192x256xf32, #tpu.memory_space<hbm>>) target(%arg9 : memref<128x256xf32, #tpu.memory_space<vmem>>) offsets(%dma_start3A_1284 : memref<128xi32, #tpu.memory_space<vmem>>) semaphore(%arg12 : memref<!tpu.dma_semaphore, #tpu.memory_space<semaphore_mem>>)
    %dma_wait3A = arith.constant 0 : i32
    %dma_wait3A_1288 = tpu.memref_slice %arg6[%dma_wait3A] : memref<1024xi32, #tpu.memory_space<vmem>> -> memref<128xi32, #tpu.memory_space<vmem>>
    %dma_wait3A_1289 = arith.constant 0 : i32
    %dma_wait3A_1290 = arith.constant 0 : i32
    %dma_wait3A_1291 = tpu.memref_slice %arg4[%dma_wait3A_1289, %dma_wait3A_1290] : memref<8192x256xf32, #tpu.memory_space<hbm>> -> memref<8192x256xf32, #tpu.memory_space<hbm>>
    tpu.wait_indirect_dma semaphore(%arg11 : memref<!tpu.dma_semaphore, #tpu.memory_space<semaphore_mem>>) src(%dma_wait3A_1291 : memref<8192x256xf32, #tpu.memory_space<hbm>>) dst(%arg8 : memref<128x256xf32, #tpu.memory_space<vmem>>)
    %add3A_1292 = arith.constant 0 : i32
    %add3A_1293 = arith.addi %mul3A_2, %add3A_1292 : i32
    %dma_start3A_1294 = arith.constant 0 : i32
    %dma_start3A_1295 = tpu.memref_slice %arg5[%add3A_1293, %dma_start3A_1294] : memref<32768x256xf32, #tpu.memory_space<hbm>> -> memref<128x256xf32, #tpu.memory_space<hbm>>
    %dma_start3A_1296 = arith.constant 0 : i32
    %dma_start3A_1297 = tpu.memref_slice %arg5[%add3A_1293, %dma_start3A_1296] : memref<32768x256xf32, #tpu.memory_space<hbm>> -> memref<128x256xf32, #tpu.memory_space<hbm>>
    tpu.enqueue_dma source(%arg8 : memref<128x256xf32, #tpu.memory_space<vmem>>) target(%dma_start3A_1297 : memref<128x256xf32, #tpu.memory_space<hbm>>) target_semaphore(%arg14 : memref<!tpu.dma_semaphore, #tpu.memory_space<semaphore_mem>>)
    %dma_start3A_1298 = arith.constant 256 : i32
    %dma_start3A_1299 = tpu.memref_slice %arg6[%dma_start3A_1298] : memref<1024xi32, #tpu.memory_space<vmem>> -> memref<128xi32, #tpu.memory_space<vmem>>
    %dma_start3A_1300 = arith.constant 0 : i32
    %dma_start3A_1301 = arith.constant 0 : i32
    %dma_start3A_1302 = tpu.memref_slice %arg4[%dma_start3A_1300, %dma_start3A_1301] : memref<8192x256xf32, #tpu.memory_space<hbm>> -> memref<8192x256xf32, #tpu.memory_space<hbm>>
    tpu.enqueue_indirect_dma source(%dma_start3A_1302 : memref<8192x256xf32, #tpu.memory_space<hbm>>) target(%arg10 : memref<128x256xf32, #tpu.memory_space<vmem>>) offsets(%dma_start3A_1299 : memref<128xi32, #tpu.memory_space<vmem>>) semaphore(%arg13 : memref<!tpu.dma_semaphore, #tpu.memory_space<semaphore_mem>>)
    %dma_wait3A_1303 = arith.constant 128 : i32
    %dma_wait3A_1304 = tpu.memref_slice %arg6[%dma_wait3A_1303] : memref<1024xi32, #tpu.memory_space<vmem>> -> memref<128xi32, #tpu.memory_space<vmem>>
    %dma_wait3A_1305 = arith.constant 0 : i32
    %dma_wait3A_1306 = arith.constant 0 : i32
    %dma_wait3A_1307 = tpu.memref_slice %arg4[%dma_wait3A_1305, %dma_wait3A_1306] : memref<8192x256xf32, #tpu.memory_space<hbm>> -> memref<8192x256xf32, #tpu.memory_space<hbm>>
    tpu.wait_indirect_dma semaphore(%arg12 : memref<!tpu.dma_semaphore, #tpu.memory_space<semaphore_mem>>) src(%dma_wait3A_1307 : memref<8192x256xf32, #tpu.memory_space<hbm>>) dst(%arg9 : memref<128x256xf32, #tpu.memory_space<vmem>>)
    %add3A_1308 = arith.constant 128 : i32
    %add3A_1309 = arith.addi %mul3A_2, %add3A_1308 : i32
    %dma_start3A_1310 = arith.constant 0 : i32
    %dma_start3A_1311 = tpu.memref_slice %arg5[%add3A_1309, %dma_start3A_1310] : memref<32768x256xf32, #tpu.memory_space<hbm>> -> memref<128x256xf32, #tpu.memory_space<hbm>>
    %dma_start3A_1312 = arith.constant 0 : i32
    %dma_start3A_1313 = tpu.memref_slice %arg5[%add3A_1309, %dma_start3A_1312] : memref<32768x256xf32, #tpu.memory_space<hbm>> -> memref<128x256xf32, #tpu.memory_space<hbm>>
    tpu.enqueue_dma source(%arg9 : memref<128x256xf32, #tpu.memory_space<vmem>>) target(%dma_start3A_1313 : memref<128x256xf32, #tpu.memory_space<hbm>>) target_semaphore(%arg15 : memref<!tpu.dma_semaphore, #tpu.memory_space<semaphore_mem>>)
    %dma_wait3A_1314 = arith.constant 0 : i32
    %dma_wait3A_1315 = tpu.memref_slice %arg5[%add3A_1293, %dma_wait3A_1314] : memref<32768x256xf32, #tpu.memory_space<hbm>> -> memref<128x256xf32, #tpu.memory_space<hbm>>
    %dma_wait3A_1316 = arith.constant 0 : i32
    %dma_wait3A_1317 = tpu.memref_slice %arg5[%add3A_1293, %dma_wait3A_1316] : memref<32768x256xf32, #tpu.memory_space<hbm>> -> memref<128x256xf32, #tpu.memory_space<hbm>>
    tpu.wait_dma2 semaphore(%arg14 : memref<!tpu.dma_semaphore, #tpu.memory_space<semaphore_mem>>) src(%arg8 : memref<128x256xf32, #tpu.memory_space<vmem>>) dst(%dma_wait3A_1317 : memref<128x256xf32, #tpu.memory_space<hbm>>)
    %dma_start3A_1318 = arith.constant 384 : i32
    %dma_start3A_1319 = tpu.memref_slice %arg6[%dma_start3A_1318] : memref<1024xi32, #tpu.memory_space<vmem>> -> memref<128xi32, #tpu.memory_space<vmem>>
    %dma_start3A_1320 = arith.constant 0 : i32
    %dma_start3A_1321 = arith.constant 0 : i32
    %dma_start3A_1322 = tpu.memref_slice %arg4[%dma_start3A_1320, %dma_start3A_1321] : memref<8192x256xf32, #tpu.memory_space<hbm>> -> memref<8192x256xf32, #tpu.memory_space<hbm>>
    tpu.enqueue_indirect_dma source(%dma_start3A_1322 : memref<8192x256xf32, #tpu.memory_space<hbm>>) target(%arg8 : memref<128x256xf32, #tpu.memory_space<vmem>>) offsets(%dma_start3A_1319 : memref<128xi32, #tpu.memory_space<vmem>>) semaphore(%arg11 : memref<!tpu.dma_semaphore, #tpu.memory_space<semaphore_mem>>)
    %dma_wait3A_1323 = arith.constant 256 : i32
    %dma_wait3A_1324 = tpu.memref_slice %arg6[%dma_wait3A_1323] : memref<1024xi32, #tpu.memory_space<vmem>> -> memref<128xi32, #tpu.memory_space<vmem>>
    %dma_wait3A_1325 = arith.constant 0 : i32
    %dma_wait3A_1326 = arith.constant 0 : i32
    %dma_wait3A_1327 = tpu.memref_slice %arg4[%dma_wait3A_1325, %dma_wait3A_1326] : memref<8192x256xf32, #tpu.memory_space<hbm>> -> memref<8192x256xf32, #tpu.memory_space<hbm>>
    tpu.wait_indirect_dma semaphore(%arg13 : memref<!tpu.dma_semaphore, #tpu.memory_space<semaphore_mem>>) src(%dma_wait3A_1327 : memref<8192x256xf32, #tpu.memory_space<hbm>>) dst(%arg10 : memref<128x256xf32, #tpu.memory_space<vmem>>)
    %add3A_1328 = arith.constant 256 : i32
    %add3A_1329 = arith.addi %mul3A_2, %add3A_1328 : i32
    %dma_start3A_1330 = arith.constant 0 : i32
    %dma_start3A_1331 = tpu.memref_slice %arg5[%add3A_1329, %dma_start3A_1330] : memref<32768x256xf32, #tpu.memory_space<hbm>> -> memref<128x256xf32, #tpu.memory_space<hbm>>
    %dma_start3A_1332 = arith.constant 0 : i32
    %dma_start3A_1333 = tpu.memref_slice %arg5[%add3A_1329, %dma_start3A_1332] : memref<32768x256xf32, #tpu.memory_space<hbm>> -> memref<128x256xf32, #tpu.memory_space<hbm>>
    tpu.enqueue_dma source(%arg10 : memref<128x256xf32, #tpu.memory_space<vmem>>) target(%dma_start3A_1333 : memref<128x256xf32, #tpu.memory_space<hbm>>) target_semaphore(%arg16 : memref<!tpu.dma_semaphore, #tpu.memory_space<semaphore_mem>>)
    %dma_wait3A_1334 = arith.constant 0 : i32
    %dma_wait3A_1335 = tpu.memref_slice %arg5[%add3A_1309, %dma_wait3A_1334] : memref<32768x256xf32, #tpu.memory_space<hbm>> -> memref<128x256xf32, #tpu.memory_space<hbm>>
    %dma_wait3A_1336 = arith.constant 0 : i32
    %dma_wait3A_1337 = tpu.memref_slice %arg5[%add3A_1309, %dma_wait3A_1336] : memref<32768x256xf32, #tpu.memory_space<hbm>> -> memref<128x256xf32, #tpu.memory_space<hbm>>
    tpu.wait_dma2 semaphore(%arg15 : memref<!tpu.dma_semaphore, #tpu.memory_space<semaphore_mem>>) src(%arg9 : memref<128x256xf32, #tpu.memory_space<vmem>>) dst(%dma_wait3A_1337 : memref<128x256xf32, #tpu.memory_space<hbm>>)
    %dma_start3A_1338 = arith.constant 512 : i32
    %dma_start3A_1339 = tpu.memref_slice %arg6[%dma_start3A_1338] : memref<1024xi32, #tpu.memory_space<vmem>> -> memref<128xi32, #tpu.memory_space<vmem>>
    %dma_start3A_1340 = arith.constant 0 : i32
    %dma_start3A_1341 = arith.constant 0 : i32
    %dma_start3A_1342 = tpu.memref_slice %arg4[%dma_start3A_1340, %dma_start3A_1341] : memref<8192x256xf32, #tpu.memory_space<hbm>> -> memref<8192x256xf32, #tpu.memory_space<hbm>>
    tpu.enqueue_indirect_dma source(%dma_start3A_1342 : memref<8192x256xf32, #tpu.memory_space<hbm>>) target(%arg9 : memref<128x256xf32, #tpu.memory_space<vmem>>) offsets(%dma_start3A_1339 : memref<128xi32, #tpu.memory_space<vmem>>) semaphore(%arg12 : memref<!tpu.dma_semaphore, #tpu.memory_space<semaphore_mem>>)
    %dma_wait3A_1343 = arith.constant 384 : i32
    %dma_wait3A_1344 = tpu.memref_slice %arg6[%dma_wait3A_1343] : memref<1024xi32, #tpu.memory_space<vmem>> -> memref<128xi32, #tpu.memory_space<vmem>>
    %dma_wait3A_1345 = arith.constant 0 : i32
    %dma_wait3A_1346 = arith.constant 0 : i32
    %dma_wait3A_1347 = tpu.memref_slice %arg4[%dma_wait3A_1345, %dma_wait3A_1346] : memref<8192x256xf32, #tpu.memory_space<hbm>> -> memref<8192x256xf32, #tpu.memory_space<hbm>>
    tpu.wait_indirect_dma semaphore(%arg11 : memref<!tpu.dma_semaphore, #tpu.memory_space<semaphore_mem>>) src(%dma_wait3A_1347 : memref<8192x256xf32, #tpu.memory_space<hbm>>) dst(%arg8 : memref<128x256xf32, #tpu.memory_space<vmem>>)
    %add3A_1348 = arith.constant 384 : i32
    %add3A_1349 = arith.addi %mul3A_2, %add3A_1348 : i32
    %dma_start3A_1350 = arith.constant 0 : i32
    %dma_start3A_1351 = tpu.memref_slice %arg5[%add3A_1349, %dma_start3A_1350] : memref<32768x256xf32, #tpu.memory_space<hbm>> -> memref<128x256xf32, #tpu.memory_space<hbm>>
    %dma_start3A_1352 = arith.constant 0 : i32
    %dma_start3A_1353 = tpu.memref_slice %arg5[%add3A_1349, %dma_start3A_1352] : memref<32768x256xf32, #tpu.memory_space<hbm>> -> memref<128x256xf32, #tpu.memory_space<hbm>>
    tpu.enqueue_dma source(%arg8 : memref<128x256xf32, #tpu.memory_space<vmem>>) target(%dma_start3A_1353 : memref<128x256xf32, #tpu.memory_space<hbm>>) target_semaphore(%arg14 : memref<!tpu.dma_semaphore, #tpu.memory_space<semaphore_mem>>)
    %dma_wait3A_1354 = arith.constant 0 : i32
    %dma_wait3A_1355 = tpu.memref_slice %arg5[%add3A_1329, %dma_wait3A_1354] : memref<32768x256xf32, #tpu.memory_space<hbm>> -> memref<128x256xf32, #tpu.memory_space<hbm>>
    %dma_wait3A_1356 = arith.constant 0 : i32
    %dma_wait3A_1357 = tpu.memref_slice %arg5[%add3A_1329, %dma_wait3A_1356] : memref<32768x256xf32, #tpu.memory_space<hbm>> -> memref<128x256xf32, #tpu.memory_space<hbm>>
    tpu.wait_dma2 semaphore(%arg16 : memref<!tpu.dma_semaphore, #tpu.memory_space<semaphore_mem>>) src(%arg10 : memref<128x256xf32, #tpu.memory_space<vmem>>) dst(%dma_wait3A_1357 : memref<128x256xf32, #tpu.memory_space<hbm>>)
    %dma_start3A_1358 = arith.constant 640 : i32
    %dma_start3A_1359 = tpu.memref_slice %arg6[%dma_start3A_1358] : memref<1024xi32, #tpu.memory_space<vmem>> -> memref<128xi32, #tpu.memory_space<vmem>>
    %dma_start3A_1360 = arith.constant 0 : i32
    %dma_start3A_1361 = arith.constant 0 : i32
    %dma_start3A_1362 = tpu.memref_slice %arg4[%dma_start3A_1360, %dma_start3A_1361] : memref<8192x256xf32, #tpu.memory_space<hbm>> -> memref<8192x256xf32, #tpu.memory_space<hbm>>
    tpu.enqueue_indirect_dma source(%dma_start3A_1362 : memref<8192x256xf32, #tpu.memory_space<hbm>>) target(%arg10 : memref<128x256xf32, #tpu.memory_space<vmem>>) offsets(%dma_start3A_1359 : memref<128xi32, #tpu.memory_space<vmem>>) semaphore(%arg13 : memref<!tpu.dma_semaphore, #tpu.memory_space<semaphore_mem>>)
    %dma_wait3A_1363 = arith.constant 512 : i32
    %dma_wait3A_1364 = tpu.memref_slice %arg6[%dma_wait3A_1363] : memref<1024xi32, #tpu.memory_space<vmem>> -> memref<128xi32, #tpu.memory_space<vmem>>
    %dma_wait3A_1365 = arith.constant 0 : i32
    %dma_wait3A_1366 = arith.constant 0 : i32
    %dma_wait3A_1367 = tpu.memref_slice %arg4[%dma_wait3A_1365, %dma_wait3A_1366] : memref<8192x256xf32, #tpu.memory_space<hbm>> -> memref<8192x256xf32, #tpu.memory_space<hbm>>
    tpu.wait_indirect_dma semaphore(%arg12 : memref<!tpu.dma_semaphore, #tpu.memory_space<semaphore_mem>>) src(%dma_wait3A_1367 : memref<8192x256xf32, #tpu.memory_space<hbm>>) dst(%arg9 : memref<128x256xf32, #tpu.memory_space<vmem>>)
    %add3A_1368 = arith.constant 512 : i32
    %add3A_1369 = arith.addi %mul3A_2, %add3A_1368 : i32
    %dma_start3A_1370 = arith.constant 0 : i32
    %dma_start3A_1371 = tpu.memref_slice %arg5[%add3A_1369, %dma_start3A_1370] : memref<32768x256xf32, #tpu.memory_space<hbm>> -> memref<128x256xf32, #tpu.memory_space<hbm>>
    %dma_start3A_1372 = arith.constant 0 : i32
    %dma_start3A_1373 = tpu.memref_slice %arg5[%add3A_1369, %dma_start3A_1372] : memref<32768x256xf32, #tpu.memory_space<hbm>> -> memref<128x256xf32, #tpu.memory_space<hbm>>
    tpu.enqueue_dma source(%arg9 : memref<128x256xf32, #tpu.memory_space<vmem>>) target(%dma_start3A_1373 : memref<128x256xf32, #tpu.memory_space<hbm>>) target_semaphore(%arg15 : memref<!tpu.dma_semaphore, #tpu.memory_space<semaphore_mem>>)
    %dma_wait3A_1374 = arith.constant 0 : i32
    %dma_wait3A_1375 = tpu.memref_slice %arg5[%add3A_1349, %dma_wait3A_1374] : memref<32768x256xf32, #tpu.memory_space<hbm>> -> memref<128x256xf32, #tpu.memory_space<hbm>>
    %dma_wait3A_1376 = arith.constant 0 : i32
    %dma_wait3A_1377 = tpu.memref_slice %arg5[%add3A_1349, %dma_wait3A_1376] : memref<32768x256xf32, #tpu.memory_space<hbm>> -> memref<128x256xf32, #tpu.memory_space<hbm>>
    tpu.wait_dma2 semaphore(%arg14 : memref<!tpu.dma_semaphore, #tpu.memory_space<semaphore_mem>>) src(%arg8 : memref<128x256xf32, #tpu.memory_space<vmem>>) dst(%dma_wait3A_1377 : memref<128x256xf32, #tpu.memory_space<hbm>>)
    %dma_start3A_1378 = arith.constant 768 : i32
    %dma_start3A_1379 = tpu.memref_slice %arg6[%dma_start3A_1378] : memref<1024xi32, #tpu.memory_space<vmem>> -> memref<128xi32, #tpu.memory_space<vmem>>
    %dma_start3A_1380 = arith.constant 0 : i32
    %dma_start3A_1381 = arith.constant 0 : i32
    %dma_start3A_1382 = tpu.memref_slice %arg4[%dma_start3A_1380, %dma_start3A_1381] : memref<8192x256xf32, #tpu.memory_space<hbm>> -> memref<8192x256xf32, #tpu.memory_space<hbm>>
    tpu.enqueue_indirect_dma source(%dma_start3A_1382 : memref<8192x256xf32, #tpu.memory_space<hbm>>) target(%arg8 : memref<128x256xf32, #tpu.memory_space<vmem>>) offsets(%dma_start3A_1379 : memref<128xi32, #tpu.memory_space<vmem>>) semaphore(%arg11 : memref<!tpu.dma_semaphore, #tpu.memory_space<semaphore_mem>>)
    %dma_wait3A_1383 = arith.constant 640 : i32
    %dma_wait3A_1384 = tpu.memref_slice %arg6[%dma_wait3A_1383] : memref<1024xi32, #tpu.memory_space<vmem>> -> memref<128xi32, #tpu.memory_space<vmem>>
    %dma_wait3A_1385 = arith.constant 0 : i32
    %dma_wait3A_1386 = arith.constant 0 : i32
    %dma_wait3A_1387 = tpu.memref_slice %arg4[%dma_wait3A_1385, %dma_wait3A_1386] : memref<8192x256xf32, #tpu.memory_space<hbm>> -> memref<8192x256xf32, #tpu.memory_space<hbm>>
    tpu.wait_indirect_dma semaphore(%arg13 : memref<!tpu.dma_semaphore, #tpu.memory_space<semaphore_mem>>) src(%dma_wait3A_1387 : memref<8192x256xf32, #tpu.memory_space<hbm>>) dst(%arg10 : memref<128x256xf32, #tpu.memory_space<vmem>>)
    %add3A_1388 = arith.constant 640 : i32
    %add3A_1389 = arith.addi %mul3A_2, %add3A_1388 : i32
    %dma_start3A_1390 = arith.constant 0 : i32
    %dma_start3A_1391 = tpu.memref_slice %arg5[%add3A_1389, %dma_start3A_1390] : memref<32768x256xf32, #tpu.memory_space<hbm>> -> memref<128x256xf32, #tpu.memory_space<hbm>>
    %dma_start3A_1392 = arith.constant 0 : i32
    %dma_start3A_1393 = tpu.memref_slice %arg5[%add3A_1389, %dma_start3A_1392] : memref<32768x256xf32, #tpu.memory_space<hbm>> -> memref<128x256xf32, #tpu.memory_space<hbm>>
    tpu.enqueue_dma source(%arg10 : memref<128x256xf32, #tpu.memory_space<vmem>>) target(%dma_start3A_1393 : memref<128x256xf32, #tpu.memory_space<hbm>>) target_semaphore(%arg16 : memref<!tpu.dma_semaphore, #tpu.memory_space<semaphore_mem>>)
    %dma_wait3A_1394 = arith.constant 0 : i32
    %dma_wait3A_1395 = tpu.memref_slice %arg5[%add3A_1369, %dma_wait3A_1394] : memref<32768x256xf32, #tpu.memory_space<hbm>> -> memref<128x256xf32, #tpu.memory_space<hbm>>
    %dma_wait3A_1396 = arith.constant 0 : i32
    %dma_wait3A_1397 = tpu.memref_slice %arg5[%add3A_1369, %dma_wait3A_1396] : memref<32768x256xf32, #tpu.memory_space<hbm>> -> memref<128x256xf32, #tpu.memory_space<hbm>>
    tpu.wait_dma2 semaphore(%arg15 : memref<!tpu.dma_semaphore, #tpu.memory_space<semaphore_mem>>) src(%arg9 : memref<128x256xf32, #tpu.memory_space<vmem>>) dst(%dma_wait3A_1397 : memref<128x256xf32, #tpu.memory_space<hbm>>)
    %dma_start3A_1398 = arith.constant 896 : i32
    %dma_start3A_1399 = tpu.memref_slice %arg6[%dma_start3A_1398] : memref<1024xi32, #tpu.memory_space<vmem>> -> memref<128xi32, #tpu.memory_space<vmem>>
    %dma_start3A_1400 = arith.constant 0 : i32
    %dma_start3A_1401 = arith.constant 0 : i32
    %dma_start3A_1402 = tpu.memref_slice %arg4[%dma_start3A_1400, %dma_start3A_1401] : memref<8192x256xf32, #tpu.memory_space<hbm>> -> memref<8192x256xf32, #tpu.memory_space<hbm>>
    tpu.enqueue_indirect_dma source(%dma_start3A_1402 : memref<8192x256xf32, #tpu.memory_space<hbm>>) target(%arg9 : memref<128x256xf32, #tpu.memory_space<vmem>>) offsets(%dma_start3A_1399 : memref<128xi32, #tpu.memory_space<vmem>>) semaphore(%arg12 : memref<!tpu.dma_semaphore, #tpu.memory_space<semaphore_mem>>)
    %dma_wait3A_1403 = arith.constant 768 : i32
    %dma_wait3A_1404 = tpu.memref_slice %arg6[%dma_wait3A_1403] : memref<1024xi32, #tpu.memory_space<vmem>> -> memref<128xi32, #tpu.memory_space<vmem>>
    %dma_wait3A_1405 = arith.constant 0 : i32
    %dma_wait3A_1406 = arith.constant 0 : i32
    %dma_wait3A_1407 = tpu.memref_slice %arg4[%dma_wait3A_1405, %dma_wait3A_1406] : memref<8192x256xf32, #tpu.memory_space<hbm>> -> memref<8192x256xf32, #tpu.memory_space<hbm>>
    tpu.wait_indirect_dma semaphore(%arg11 : memref<!tpu.dma_semaphore, #tpu.memory_space<semaphore_mem>>) src(%dma_wait3A_1407 : memref<8192x256xf32, #tpu.memory_space<hbm>>) dst(%arg8 : memref<128x256xf32, #tpu.memory_space<vmem>>)
    %add3A_1408 = arith.constant 768 : i32
    %add3A_1409 = arith.addi %mul3A_2, %add3A_1408 : i32
    %dma_start3A_1410 = arith.constant 0 : i32
    %dma_start3A_1411 = tpu.memref_slice %arg5[%add3A_1409, %dma_start3A_1410] : memref<32768x256xf32, #tpu.memory_space<hbm>> -> memref<128x256xf32, #tpu.memory_space<hbm>>
    %dma_start3A_1412 = arith.constant 0 : i32
    %dma_start3A_1413 = tpu.memref_slice %arg5[%add3A_1409, %dma_start3A_1412] : memref<32768x256xf32, #tpu.memory_space<hbm>> -> memref<128x256xf32, #tpu.memory_space<hbm>>
    tpu.enqueue_dma source(%arg8 : memref<128x256xf32, #tpu.memory_space<vmem>>) target(%dma_start3A_1413 : memref<128x256xf32, #tpu.memory_space<hbm>>) target_semaphore(%arg14 : memref<!tpu.dma_semaphore, #tpu.memory_space<semaphore_mem>>)
    %dma_wait3A_1414 = arith.constant 896 : i32
    %dma_wait3A_1415 = tpu.memref_slice %arg6[%dma_wait3A_1414] : memref<1024xi32, #tpu.memory_space<vmem>> -> memref<128xi32, #tpu.memory_space<vmem>>
    %dma_wait3A_1416 = arith.constant 0 : i32
    %dma_wait3A_1417 = arith.constant 0 : i32
    %dma_wait3A_1418 = tpu.memref_slice %arg4[%dma_wait3A_1416, %dma_wait3A_1417] : memref<8192x256xf32, #tpu.memory_space<hbm>> -> memref<8192x256xf32, #tpu.memory_space<hbm>>
    tpu.wait_indirect_dma semaphore(%arg12 : memref<!tpu.dma_semaphore, #tpu.memory_space<semaphore_mem>>) src(%dma_wait3A_1418 : memref<8192x256xf32, #tpu.memory_space<hbm>>) dst(%arg9 : memref<128x256xf32, #tpu.memory_space<vmem>>)
    %add3A_1419 = arith.constant 896 : i32
    %add3A_1420 = arith.addi %mul3A_2, %add3A_1419 : i32
    %dma_start3A_1421 = arith.constant 0 : i32
    %dma_start3A_1422 = tpu.memref_slice %arg5[%add3A_1420, %dma_start3A_1421] : memref<32768x256xf32, #tpu.memory_space<hbm>> -> memref<128x256xf32, #tpu.memory_space<hbm>>
    %dma_start3A_1423 = arith.constant 0 : i32
    %dma_start3A_1424 = tpu.memref_slice %arg5[%add3A_1420, %dma_start3A_1423] : memref<32768x256xf32, #tpu.memory_space<hbm>> -> memref<128x256xf32, #tpu.memory_space<hbm>>
    tpu.enqueue_dma source(%arg9 : memref<128x256xf32, #tpu.memory_space<vmem>>) target(%dma_start3A_1424 : memref<128x256xf32, #tpu.memory_space<hbm>>) target_semaphore(%arg15 : memref<!tpu.dma_semaphore, #tpu.memory_space<semaphore_mem>>)
    %dma_wait3A_1425 = arith.constant 0 : i32
    %dma_wait3A_1426 = tpu.memref_slice %arg5[%add3A_1389, %dma_wait3A_1425] : memref<32768x256xf32, #tpu.memory_space<hbm>> -> memref<128x256xf32, #tpu.memory_space<hbm>>
    %dma_wait3A_1427 = arith.constant 0 : i32
    %dma_wait3A_1428 = tpu.memref_slice %arg5[%add3A_1389, %dma_wait3A_1427] : memref<32768x256xf32, #tpu.memory_space<hbm>> -> memref<128x256xf32, #tpu.memory_space<hbm>>
    tpu.wait_dma2 semaphore(%arg16 : memref<!tpu.dma_semaphore, #tpu.memory_space<semaphore_mem>>) src(%arg10 : memref<128x256xf32, #tpu.memory_space<vmem>>) dst(%dma_wait3A_1428 : memref<128x256xf32, #tpu.memory_space<hbm>>)
    %dma_wait3A_1429 = arith.constant 0 : i32
    %dma_wait3A_1430 = tpu.memref_slice %arg5[%add3A_1409, %dma_wait3A_1429] : memref<32768x256xf32, #tpu.memory_space<hbm>> -> memref<128x256xf32, #tpu.memory_space<hbm>>
    %dma_wait3A_1431 = arith.constant 0 : i32
    %dma_wait3A_1432 = tpu.memref_slice %arg5[%add3A_1409, %dma_wait3A_1431] : memref<32768x256xf32, #tpu.memory_space<hbm>> -> memref<128x256xf32, #tpu.memory_space<hbm>>
    tpu.wait_dma2 semaphore(%arg14 : memref<!tpu.dma_semaphore, #tpu.memory_space<semaphore_mem>>) src(%arg8 : memref<128x256xf32, #tpu.memory_space<vmem>>) dst(%dma_wait3A_1432 : memref<128x256xf32, #tpu.memory_space<hbm>>)
    %dma_wait3A_1433 = arith.constant 0 : i32
    %dma_wait3A_1434 = tpu.memref_slice %arg5[%add3A_1420, %dma_wait3A_1433] : memref<32768x256xf32, #tpu.memory_space<hbm>> -> memref<128x256xf32, #tpu.memory_space<hbm>>
    %dma_wait3A_1435 = arith.constant 0 : i32
    %dma_wait3A_1436 = tpu.memref_slice %arg5[%add3A_1420, %dma_wait3A_1435] : memref<32768x256xf32, #tpu.memory_space<hbm>> -> memref<128x256xf32, #tpu.memory_space<hbm>>
    tpu.wait_dma2 semaphore(%arg15 : memref<!tpu.dma_semaphore, #tpu.memory_space<semaphore_mem>>) src(%arg9 : memref<128x256xf32, #tpu.memory_space<vmem>>) dst(%dma_wait3A_1436 : memref<128x256xf32, #tpu.memory_space<hbm>>)
    return
  }
}

</mosaic_0001>

<sc_bundles>
// kernel: kernel.3.cloned.1.call-start
scs
__scs_entry_jumppad:
0x0: {  	(pc) =	sbr.rel $0x88, $3  }
0x1: {  	(tag) =	ssettag $0x0;
	lr =	simm.s32 $0x1  }
0x2: {  	[smem:$0x3F9E] =	sst lr;
	_ =	strace $0xD0000000  }
0x3: {  	_ = 	snop  }
0x4: {  	_ = 	snop  }
0x5: {  	_ = 	snop  }
0x6: {  	_ = 	snop  }
0x7: {  	_ = 	snop  }
__scs_overlays_trampoline_lowered:
0x8: {  	[smem:$0x3FAD] =	sst s0  }
0x9: {  	[smem:$0x3FAE] =	sst s1  }
0xa: {  	[smem:$0x3FAF] =	sst s2  }
0xb: {  	[smem:$0x3FB0] =	sst s3  }
0xc: {  	[smem:$0x3FB1] =	sst s4  }
0xd: {  	[smem:$0x3FB2] =	sst s5  }
0xe: {  	[smem:$0x3FB3] =	sst s6  }
0xf: {  	[smem:$0x3FB4] =	sst s7  }
0x10: {  	[smem:$0x3FB5] =	sst s8  }
0x11: {  	[smem:$0x3FB6] =	sst s9;
	s0 =	simm.s32 @!p0 $0x0  }
0x12: {  	s1 =	sld [smem:$0x3F9C];
	s0 =	simm.s32 @p0 $0x1  }
0x13: {  	[smem:$0x3FB7] =	sst s0;
	s0 =	simm.s32 @!p1 $0x0  }
0x14: {  	s2 =	sld [smem:$0x3F9B];
	s0 =	simm.s32 @p1 $0x1  }
0x15: {  	[smem:$0x3FB8] =	sst s0;
	s0 =	simm.s32 @!p2 $0x0  }
0x16: {  	s3 =	sld [smem:$0x3FDB];
	s0 =	simm.s32 @p2 $0x1  }
0x17: {  	s4 =	simm.s32 $0x1BF5;
	[smem:$0x3FBA] =	sst s0  }
0x18: {  	s0 =	sld [smem:$0x3F9D];
	_ =	swait.ge [sflag:s4], $0x0  }
0x19: {  	s7 =	sld [smem:$0x3F9E]  }
0x1a: {  	s8 =	sadd.s32 $0xFFFFE003, lr  }
0x1b: {  	s9 =	sadd.s32 $0xFFFFFEF7, lr;
	s5 =	simm.s32 $0xFFFFFFFF;
	p2 =	slt.u32 s8, $0xFFFFF086  }
0x1c: {  	p1 =	slt.u32 s9, $0xF7A;
	s5 =	simm.s32 @!p2 $0x0  }
0x1d: {  	s5 =	simm.s32 @p1 $0x1;
	p0 =	seq.s32 s7, s2  }
0x1e: {  	s7 =	smul.u32 @!p0 $0xF7A, s2;
	p2 =	seq.s32 @!p0 s5, $0x0  }
0x1f: {  	s9 =	smul.u32 $0xF7A, s1;
	s8 =	simm.s32 @!p0 $0x1BF5;
	p2 =	por !p2, p0  }
0x20: {  	[sflag:s8] =	ssyncset.s32 @!p0 $0xFFFFF086;
	s6 =	sadd.s32 @!p0 s3, s7;
	s7 =	simm.s32 @!p0 $0x108  }
0x21: {  	s3 =	sadd.s32 s3, s9;
	s6 =	sadd.s32 @!p0 $0x88, s6;
	s7 =	simm.s32 @p2 $0x1082  }
0x22: {  	[simem:s7], [sflag:s8] =	dma.local @!p0 [hbm:s6], $0xF7A  }
0x23: {  	s9 =	sor.u32 $0xD0000000, s2;
	s6 =	simm.s32 $0x108;
	_ =	swait.ge @!p0 [sflag:s8], $0x0  }
0x24: {  	s3 =	sadd.s32 $0x88, s3;
	s6 =	simm.s32 @!p1 $0x1082;
	[sflag:s4] =	ssyncset.s32 $0xFFFFF086  }
0x25: {  	[simem:s6], [sflag:s4] =	dma.local [hbm:s3], $0xF7A  }
0x26: {  	[smem:$0x3F9E] =	sst s1;
	(tag) =	ssettag s2;
	_ =	strace s9  }
0x27: {  	s1 =	sld [smem:$0x3FAE]  }
0x28: {  	s2 =	sld [smem:$0x3FAF]  }
0x29: {  	s4 =	sld [smem:$0x3FB1]  }
0x2a: {  	p0 =	seq.s32 s5, $0x0;
	s5 =	sld [smem:$0x3FB2]  }
0x2b: {  	s6 =	sld [smem:$0x3FB3]  }
0x2c: {  	s7 =	sld [smem:$0x3FB4]  }
0x2d: {  	s3 =	simm.s32 $0x108;
	s8 =	sld [smem:$0x3FB5]  }
0x2e: {  	s3 =	simm.s32 @!p0 $0x1082;
	s9 =	sld [smem:$0x3FB6]  }
0x2f: {  	lr =	sadd.s32 s0, s3;
	s0 =	sld [smem:$0x3FAD]  }
0x30: {  	s3 =	sld [smem:$0x3FB0]  }
0x31: {  	[smem:$0x3FB9] =	sst s10  }
0x32: {  	s10 =	sld [smem:$0x3FB7];
	_ =	sdelay $0x3  }
0x33: {  	p0 =	seq.s32 s10, $0x1;
	s10 =	sld [smem:$0x3FB9];
	_ =	sdelay $0x3  }
0x34: {  	[smem:$0x3FB9] =	sst s10  }
0x35: {  	s10 =	sld [smem:$0x3FB8];
	_ =	sdelay $0x3  }
0x36: {  	p1 =	seq.s32 s10, $0x1;
	s10 =	sld [smem:$0x3FB9];
	_ =	sdelay $0x3  }
0x37: {  	[smem:$0x3FB9] =	sst s10  }
0x38: {  	s10 =	sld [smem:$0x3FBA]  }
0x39: {  	_ = 	snop;
	(pc) =	sbr.ind lr, $3  }
0x3a: {  	_ = 	snop  }
0x3b: {  	_ = 	snop  }
0x3c: {  	p2 =	seq.s32 s10, $0x1;
	s10 =	sld [smem:$0x3FB9]  }
0x3d: {  	_ =	shalt  }
0x3e: {  	_ =	shalt  }
0x3f: {  	_ =	shalt  }
0x40: {  	_ =	shalt  }
0x41: {  	_ =	shalt  }
0x42: {  	_ =	shalt  }
0x43: {  	_ =	shalt  }
0x44: {  	_ =	shalt  }
0x45: {  	_ =	shalt  }
0x46: {  	_ =	shalt  }
0x47: {  	_ =	shalt  }
0x48: {  	_ =	shalt  }
0x49: {  	_ =	shalt  }
0x4a: {  	_ =	shalt  }
0x4b: {  	_ =	shalt  }
0x4c: {  	_ =	shalt  }
0x4d: {  	_ =	shalt  }
0x4e: {  	_ =	shalt  }
0x4f: {  	_ =	shalt  }
0x50: {  	_ =	shalt  }
0x51: {  	_ =	shalt  }
0x52: {  	_ =	shalt  }
0x53: {  	_ =	shalt  }
0x54: {  	_ =	shalt  }
0x55: {  	_ =	shalt  }
0x56: {  	_ =	shalt  }
0x57: {  	_ =	shalt  }
0x58: {  	_ =	shalt  }
0x59: {  	_ =	shalt  }
0x5a: {  	_ =	shalt  }
0x5b: {  	_ =	shalt  }
0x5c: {  	_ =	shalt  }
0x5d: {  	_ =	shalt  }
0x5e: {  	_ =	shalt  }
0x5f: {  	_ =	shalt  }
0x60: {  	_ =	shalt  }
0x61: {  	_ =	shalt  }
0x62: {  	_ =	shalt  }
0x63: {  	_ =	shalt  }
0x64: {  	_ =	shalt  }
0x65: {  	_ =	shalt  }
0x66: {  	_ =	shalt  }
0x67: {  	_ =	shalt  }
0x68: {  	_ =	shalt  }
0x69: {  	_ =	shalt  }
0x6a: {  	_ =	shalt  }
0x6b: {  	_ =	shalt  }
0x6c: {  	_ =	shalt  }
0x6d: {  	_ =	shalt  }
0x6e: {  	_ =	shalt  }
0x6f: {  	_ =	shalt  }
0x70: {  	_ =	shalt  }
0x71: {  	_ =	shalt  }
0x72: {  	_ =	shalt  }
0x73: {  	_ =	shalt  }
0x74: {  	_ =	shalt  }
0x75: {  	_ =	shalt  }
0x76: {  	_ =	shalt  }
0x77: {  	_ =	shalt  }
0x78: {  	_ =	shalt  }
0x79: {  	_ =	shalt  }
0x7a: {  	_ =	shalt  }
0x7b: {  	_ =	shalt  }
0x7c: {  	_ =	shalt  }
0x7d: {  	_ =	shalt  }
0x7e: {  	_ =	shalt  }
0x7f: {  	_ =	shalt  }
0x80: {  	_ =	shalt  }
0x81: {  	_ =	shalt  }
0x82: {  	_ =	shalt  }
0x83: {  	_ =	shalt  }
0x84: {  	_ =	shalt  }
0x85: {  	_ =	shalt  }
0x86: {  	_ =	shalt  }
0x87: {  	_ =	shalt  }
.Lfunc_end0:
.L_simem_size_0:
called_computation_lowered:
.L_overlay_start_0:
0x88: {  	s2 =	sld [smem:$0x3FD9]  }
0x89: {  	s3 =	sld [smem:$0x3FFE];
	_ =	sdelay $0x1  }
0x8a: {  	s1 =	srdreg.scid  }
0x8b: {  	s0 =	sand.u32 $0x1, s1  }
0x8c: {  	s17 =	sshll.u32 s0, $0xA;
	s2 =	sadd.s32 s3, s2  }
0x8d: {  	s2 =	sadd.s32 s2, s17  }
0x8e: {  	[smem:$0x3FC5] =	sst s2  }
0x8f: {  	_ = 	snop  }
0x90: {  	s2 =	sld [smem:$0x3FD0];
	(tm) =	ssettm $0x1  }
0x91: {  	s18 =	sld [smem:$0x3FFB];
	_ =	sdelay $0x3  }
0x92: {  	_ =	strace s18  }
0x93: {  	s3 =	sld [smem:$0x3FFC];
	_ =	sdelay $0x3  }
0x94: {  	_ =	strace s3  }
0x95: {  	s3 =	sld [smem:$0x3FFD];
	_ =	sdelay $0x3  }
0x96: {  	_ =	strace s3  }
0x97: {  	_ =	strace $0x8FFFFFFF  }
0x98: {  	s19 =	sld [smem:$0x3FDB];
	_ =	sdelay $0x1  }
0x99: {  	s4 =	simm.s32 $_scs_section_size  }
0x9a: {  	s5 =	simm.s32 $_size__tile_overlayer_lowered;
	s6 =	simm.s32 $_tile_overlayer_lowered  }
0x9b: {  	s22 =	simm.s32 $0x1BFF;
	s21 =	sshll.u32 s6, $0x1;
	s3 =	sadd.s32 s4, s19  }
0x9c: {  	s7 =	simm.s32 $0x0;
	s20 =	sshll.u32 s5, $0x1;
	s5 =	sadd.s32 s21, s3  }
0x9d: {  	[timem:s7], [sflag:s22] =	dma.local [hbm:s5], s20  }
0x9e: {  	_ =	swait.ge [sflag:s22], s20  }
0x9f: {  	s4 =	ssub.s32 $0x0, s20;
	[sflag:s22] =	ssyncset.done $0x0  }
0xa0: {  	[sflag:s22] =	ssyncadd.s32 s4;
	_ =	sdelay $0x1  }
0xa1: {  	s23 =	simm.s32 $0x1B8B  }
0xa2: {  	_ =	swait.ge [sflag:s23], $0x1  }
0xa3: {  	[sflag:s23] =	ssyncset.done $0x0  }
0xa4: {  	s25 =	simm.s32 $0x1B8E;
	s24 =	sld [smem:$0x3FFE];
	[sflag:s23] =	ssyncadd.s32 $0xFFFFFFFF  }
0xa5: {  	s26 =	simm.s32 $execute0_lowered;
	[smem:$0x3FD2] =	sst s25  }
0xa6: {  	s5 =	sshll.u32 s26, $0x1;
	_ =	strace $0x80000046;
	[dreg:$0x1] =	wrdreg $0xFFFFFFFF  }
0xa7: {  	s28 =	simm.s32 $_size_execute0_lowered;
	s3 =	sadd.s32 s3, s5;
	[dreg:$0x0] =	wrdreg $0x0  }
0xa8: {  	s5 =	sshll.u32 s28, $0x1;
	[dreg:$0x2] =	wrdreg s3  }
0xa9: {  	[dreg:$0x3] =	wrdreg s5  }
0xaa: {  	[dreg:$0x4] =	wrdreg $0xC0  }
0xab: {  	_ =	task [dreg:s7], $0x5FFFF  }
0xac: {  	[dreg:$0x1] =	wrdreg $0xFFFFFFFF  }
0xad: {  	[dreg:$0x0] =	wrdreg $0x60  }
0xae: {  	[dreg:$0x2] =	wrdreg s24  }
0xaf: {  	[dreg:$0x3] =	wrdreg s2  }
0xb0: {  	[dreg:$0x4] =	wrdreg $0x9  }
0xb1: {  	_ =	task.clear_ibuf [dreg:s7], $0x5FFFF;
	_ =	strace $0x90000046  }
0xb2: {  	s29 =	simm.s32 $0x9;
	_ =	strace $0x80000048  }
0xb3: {  	_ =	swait.ge [sflag:s29], $0x1  }
0xb4: {  	[sflag:s29] =	ssyncadd.s32 $0xFFFFFFFF  }
0xb5: {  	_ =	strace $0x90000048  }
0xb6: {  	_ =	sfence  }
0xb7: {  	s30 =	sld [smem:$0x0];
	_ =	sdelay $0x2  }
0xb8: {  	s31 =	sshll.u32 s1, $0xD;
	s1 =	sshrl.u32 s1, $0x2  }
0xb9: {  	s3 =	sand.u32 $0x4000, s31;
	s1 =	sadd.s32 s1, s30  }
0xba: {  	s0 =	sor.u32 s3, s0;
	s1 =	sshll.u32 s1, $0x11  }
0xbb: {  	s0 =	sor.u32 s1, s0  }
0xbc: {  	s0 =	sadd.s32 $0x8F2B, s0  }
0xbd: {  	[sflag:s0] =	ssyncadd.remote.s32 $0x1  }
0xbe: {  	_ =	sfence.sel $0xFFFF  }
0xbf: {  	[dreg:$0x0] =	wrdreg $0xFFFFFFFF;
	(pc) =	sbr.abs _section_cstart, $3  }
0xc0: {  	[dreg:$0x1] =	wrdreg $0xFFFFFFFF  }
0xc1: {  	_ =	task.clear_ibuf [dreg:s7], $0x2FFFF;
	_ =	strace $0x9FFFFFFF  }
0xc2: {  	(tm) =	ssettm $0x7FFFFFFF  }
0xc3: {  	_ =	shalt  }
tec
execute0_lowered:
.L_overlay_start_1:
0x0: {  	(tag) =	ssettag $0x1  }
0x1: {  	s1 =	srdreg.scid;
	s2 =	stileid.u32  }
0x2: {  	s1 =	sand.u32 $0x1, s1;
	s3 =	sshll.u32 s2, $0x1  }
0x3: {  	s6 =	sor.u32 s1, s3  }
0x4: {  	s0 =	rddreg [dreg:$0x0];
	s2 =	simm.s32 $0x0;
	s22 =	sshll.u32 s6, $0x8  }
0x5: {  	[smem:$0x7FF] =	sst s2;
	s23 =	sor.u32 $0x8, s22;
	v0 =	vmov s22  }
0x6: {  	s5 =	rddreg [dreg:$0x1];
	_ =	strace $0x80000047;
	s28 =	sor.u32 $0x10, s22;
	[tilespmem:$0x1FE00] =	vst v0;
	v32 =	vmov s23  }
0x7: {  	s19 =	simm.s32 $0x400;
	s25 =	sor.u32 $0x18, s22;
	v33 =	vmov s28;
	[tilespmem:$0x1FE10] =	vst v32  }
0x8: {  	s9 =	ssub.s32 $0x2, s1;
	s3 =	sshll.u32 s6, $0x7;
	s26 =	sor.u32 $0x20, s22;
	v34 =	vmov s25;
	[tilespmem:$0x1FE20] =	vst v33  }
0x9: {  	s7 =	sshrl.u32 s9, $0x1;
	s12 =	sshll.u32 s6, $0xF;
	s29 =	sor.u32 $0x38, s22;
	v35 =	vmov s26;
	[tilespmem:$0x1FE30] =	vst v34  }
0xa: {  	[dreg:$0xc] =	wrdreg s19;
	s4 =	sadd.s32 s3, s0;
	s31 =	sor.u32 $0x40, s22;
	v38 =	vmov s29;
	[tilespmem:$0x1FE40] =	vst v35  }
0xb: {  	s3 =	sadd.s32 $0x2400, s0;
	s7 =	ssub.s32 s9, s7;
	s1 =	sor.u32 $0x48, s22;
	v39 =	vmov s31;
	[tilespmem:$0x1FE70] =	vst v38  }
0xc: {  	s6 =	sadd.s32 s5, s12;
	s0 =	sor.u32 $0x50, s22;
	s8 =	sor.u32 $0x58, s22;
	v40 =	vmov s1;
	[tilespmem:$0x1FE80] =	vst v39  }
0xd: {  	s9 =	sor.u32 $0x60, s22;
	s12 =	sor.u32 $0x78, s22;
	s20 =	sor.u32 $0xC0, s22;
	v41 =	vmov s0;
	[tilespmem:$0x1FE90] =	vst v40  }
0xe: {  	s21 =	sor.u32 $0xC8, s22;
	s24 =	sor.u32 $0xD8, s22;
	s30 =	sor.u32 $0xE0, s22;
	v43 =	vmov s9;
	[tilespmem:$0x1FEA0] =	vst v41  }
0xf: {  	s19 =	sor.u32 $0xE8, s22;
	s10 =	sadd.s32 $0x400, s4;
	s11 =	sadd.s32 $0x1400, s4;
	v46 =	vmov s12;
	[tilespmem:$0x1FEC0] =	vst v43  }
0x10: {  	s4 =	sor.u32 $0x28, s22;
	s5 =	sadd.s32 $0x1000, s6;
	[dreg:$0xe] =	wrdreg s8;
	v58 =	vmov s24;
	[tilespmem:$0x1FEF0] =	vst v46  }
0x11: {  	s13 =	sadd.s32 $0x2000, s6;
	s14 =	sadd.s32 $0x3000, s6;
	[dreg:$0xd] =	wrdreg s6;
	v59 =	vmov s30;
	[tilespmem:$0x1FFB0] =	vst v58  }
0x12: {  	s15 =	sadd.s32 $0x4000, s6;
	s8 =	sor.u32 $0x68, s22;
	[dreg:$0x10] =	wrdreg s20;
	v60 =	vmov s19;
	[tilespmem:$0x1FFC0] =	vst v59  }
0x13: {  	s16 =	sadd.s32 $0x5000, s6;
	s17 =	sadd.s32 $0x6000, s6;
	[dreg:$0x11] =	wrdreg s21;
	v36 =	vmov s4;
	[tilespmem:$0x1FFD0] =	vst v60  }
0x14: {  	s18 =	sadd.s32 $0x7000, s6;
	s6 =	sor.u32 $0x98, s22;
	[dreg:$0x3] =	wrdreg s10;
	v44 =	vmov s8;
	[tilespmem:$0x1FE50] =	vst v36  }
0x15: {  	s21 =	sor.u32 $0xD0, s22;
	[dreg:$0x4] =	wrdreg s11;
	v50 =	vmov s6;
	[tilespmem:$0x1FED0] =	vst v44  }
0x16: {  	s20 =	sor.u32 $0xF0, s22;
	[dreg:$0x5] =	wrdreg s5;
	v57 =	vmov s21;
	[tilespmem:$0x1FF30] =	vst v50  }
0x17: {  	s10 =	sor.u32 $0x30, s22;
	[dreg:$0x6] =	wrdreg s13;
	v61 =	vmov s20;
	[tilespmem:$0x1FFA0] =	vst v57  }
0x18: {  	s29 =	simm.s32 $0x1;
	s30 =	simm.s32 $0x4800;
	s23 =	rddreg [dreg:$0xe];
	v37 =	vmov s10;
	[tilespmem:$0x1FFE0] =	vst v61  }
0x19: {  	s31 =	simm.s32 $0x5000;
	[dreg:$0x7] =	wrdreg s14;
	s13 =	sor.u32 $0x70, s22;
	v42 =	vmov s23;
	[tilespmem:$0x1FE60] =	vst v37  }
0x1a: {  	s9 =	simm.s32 $0x13800;
	[dreg:$0x8] =	wrdreg s15;
	s11 =	sor.u32 $0x80, s22;
	v45 =	vmov s13;
	[tilespmem:$0x1FEB0] =	vst v42  }
0x1b: {  	s12 =	simm.s32 $0x15000;
	[dreg:$0x9] =	wrdreg s16;
	s16 =	sor.u32 $0x88, s22;
	v47 =	vmov s11;
	[tilespmem:$0x1FEE0] =	vst v45  }
0x1c: {  	s19 =	simm.s32 $0x16800;
	[dreg:$0xa] =	wrdreg s17;
	s15 =	sor.u32 $0x90, s22;
	v48 =	vmov s16;
	[tilespmem:$0x1FF00] =	vst v47  }
0x1d: {  	s24 =	simm.s32 $0x17800;
	[dreg:$0xb] =	wrdreg s18;
	s18 =	sor.u32 $0xA0, s22;
	v49 =	vmov s15;
	[tilespmem:$0x1FF10] =	vst v48  }
0x1e: {  	s5 =	smax.u32 s7, $0x1;
	s7 =	sor.u32 $0xA8, s22;
	s26 =	rddreg [dreg:$0x10];
	v51 =	vmov s18;
	[tilespmem:$0x1FF20] =	vst v49  }
0x1f: {  	s17 =	sor.u32 $0xB0, s22;
	s14 =	sor.u32 $0xB8, s22;
	s28 =	rddreg [dreg:$0x11];
	v52 =	vmov s7;
	[tilespmem:$0x1FF40] =	vst v51  }
0x20: {  	s4 =	simm.s32 $0x11800;
	s6 =	simm.s32 $0x12000;
	s8 =	simm.s32 $0x13000;
	v53 =	vmov s17;
	[tilespmem:$0x1FF50] =	vst v52  }
0x21: {  	[dreg:$0xf] =	wrdreg s14;
	s14 =	sor.u32 $0xF8, s22;
	v55 =	vmov s26;
	s15 =	simm.s32 $0x2;
	[tilespmem:$0x1FF60] =	vst v53  }
0x22: {  	v56 =	vmov s28;
	s16 =	simm.s32 $0x4;
	s18 =	simm.s32 $0x5;
	s23 =	simm.s32 $0x800;
	[tilespmem:$0x1FF80] =	vst v55  }
0x23: {  	v62 =	vlaneseq.u32;
	s17 =	simm.s32 $0x8800;
	s7 =	simm.s32 $0x12800;
	s25 =	rddreg [dreg:$0xf];
	[tilespmem:$0x1FF90] =	vst v56;
	v1 =	vmov s14  }
0x24: {  	vm0 =	vmmov $0xffff;
	v63 =	vshrl.u32 v62, $0x3;
	s10 =	simm.s32 $0x14000;
	s11 =	simm.s32 $0x14800;
	s13 =	simm.s32 $0x15800;
	v54 =	vmov s25;
	[tilespmem:$0x1FFF0] =	vst v1  }
0x25: {  	v32 =	vand.u32 $0x7, v62;
	v33 =	vmul.u32 $0x8, v63;
	v34 =	vor.u32 $0x8, v62;
	s22 =	simm.s32 $0x17000;
	s14 =	simm.s32 $0x16000;
	s25 =	simm.s32 $0x18000;
	[tilespmem:$0x1FF70] =	vst v54  }
.LBB2_1:
0x26: {  	s20 =	rddreg [dreg:$0x3];
	s0 =	simm.s32 $0x7  }
0x27: {  	[tilespmem:s2], [sflag:$0x7] =	stream.linear.gather [hbm4b:s20+s2], $0x400, $0x38;
	[tilespmem:$0x18800] =	vst v63  }
0x28: {  	_ =	swait.ge [sflag:s0], $0x400  }
0x29: {  	s1 =	rddreg [dreg:$0x4];
	[sflag:s0] =	ssyncset.done $0x0  }
0x2a: {  	s21 =	rddreg [dreg:$0xc];
	[sflag:s0] =	ssyncadd.s32 $0xFFFFFC00  }
0x2b: {  	[tilespmem:s21], [sflag:$0x7] =	stream.linear.gather [hbm4b:s1+s2], $0x400, $0x38;
	[tilespmem:$0x18800] =	vst v63  }
0x2c: {  	_ =	swait.ge [sflag:s0], $0x400  }
0x2d: {  	[sflag:s0] =	ssyncset.done $0x0  }
0x2e: {  	[sflag:s0] =	ssyncadd.s32 $0xFFFFFC00  }
0x2f: {  	v0 =	vld [tilespmem:$0x0]  }
0x30: {  	v3 =	vld [tilespmem:$0x400]  }
0x31: {  	v36 =	vld [tilespmem:$0x10]  }
0x32: {  	v35 =	vld [tilespmem:$0x410]  }
0x33: {  	v41 =	vld [tilespmem:$0x20]  }
0x34: {  	v39 =	vld [tilespmem:$0x420]  }
0x35: {  	v47 =	vld [tilespmem:$0x30]  }
0x36: {  	v44 =	vld [tilespmem:$0x430]  }
0x37: {  	v48 =	vld [tilespmem:$0x40]  }
0x38: {  	v51 =	vld [tilespmem:$0x440]  }
0x39: {  	v53 =	vld [tilespmem:$0x50]  }
0x3a: {  	v57 =	vld [tilespmem:$0x450]  }
0x3b: {  	v58 =	vld [tilespmem:$0x60]  }
0x3c: {  	v62 =	vld [tilespmem:$0x460]  }
0x3d: {  	v4 =	vld [tilespmem:$0x70]  }
0x3e: {  	v5 =	vld [tilespmem:$0x470]  }
0x3f: {  	v6 =	vld [tilespmem:$0x80]  }
0x40: {  	v7 =	vld [tilespmem:$0x480]  }
0x41: {  	v8 =	vld [tilespmem:$0x90]  }
0x42: {  	v9 =	vld [tilespmem:$0x490]  }
0x43: {  	v10 =	vld [tilespmem:$0xA0]  }
0x44: {  	v11 =	vld [tilespmem:$0x4A0]  }
0x45: {  	v12 =	vld [tilespmem:$0xB0]  }
0x46: {  	v13 =	vld [tilespmem:$0x4B0]  }
0x47: {  	v18 =	vld [tilespmem:$0xC0]  }
0x48: {  	v15 =	vld [tilespmem:$0x4C0]  }
0x49: {  	v21 =	vld [tilespmem:$0xD0]  }
0x4a: {  	v17 =	vld [tilespmem:$0x4D0]  }
0x4b: {  	v23 =	vld [tilespmem:$0xE0]  }
0x4c: {  	v20 =	vld [tilespmem:$0x4E0]  }
0x4d: {  	v25 =	vld [tilespmem:$0xF0]  }
0x4e: {  	v22 =	vld [tilespmem:$0x4F0]  }
0x4f: {  	v27 =	vld [tilespmem:$0x100]  }
0x50: {  	v24 =	vld [tilespmem:$0x500]  }
0x51: {  	v29 =	vld [tilespmem:$0x110]  }
0x52: {  	v26 =	vld [tilespmem:$0x510]  }
0x53: {  	v42 =	vld [tilespmem:$0x120]  }
0x54: {  	v28 =	vld [tilespmem:$0x520]  }
0x55: {  	v45 =	vld [tilespmem:$0x130]  }
0x56: {  	v40 =	vld [tilespmem:$0x530]  }
0x57: {  	v49 =	vld [tilespmem:$0x140]  }
0x58: {  	v43 =	vld [tilespmem:$0x540]  }
0x59: {  	v52 =	vld [tilespmem:$0x150]  }
0x5a: {  	v46 =	vld [tilespmem:$0x550]  }
0x5b: {  	v55 =	vld [tilespmem:$0x160]  }
0x5c: {  	v50 =	vld [tilespmem:$0x560]  }
0x5d: {  	v59 =	vld [tilespmem:$0x170]  }
0x5e: {  	v54 =	vld [tilespmem:$0x570]  }
0x5f: {  	v63 =	vld [tilespmem:$0x180]  }
0x60: {  	v56 =	vld [tilespmem:$0x580]  }
0x61: {  	v1 =	vld [tilespmem:$0x190]  }
0x62: {  	v60 =	vld [tilespmem:$0x590]  }
0x63: {  	v19 =	vld [tilespmem:$0x1A0]  }
0x64: {  	v61 =	vld [tilespmem:$0x5A0]  }
0x65: {  	v30 =	vld [tilespmem:$0x1B0]  }
0x66: {  	v31 =	vld [tilespmem:$0x5B0]  }
0x67: {  	v37 =	vld [tilespmem:$0x1C0]  }
0x68: {  	v38 =	vld [tilespmem:$0x5C0]  }
0x69: {  	v14 =	vld [tilespmem:$0x1D0]  }
0x6a: {  	v16 =	vld [tilespmem:$0x5D0]  }
0x6b: {  	v2 =	vld [tilespmem:$0x620]  }
0x6c: {  	[tilespmem:$0x1FC50] =	vst v19;
	v19 =	vld [tilespmem:$0x1E0]  }
0x6d: {  	[tilespmem:$0x1FC70] =	vst v30;
	v30 =	vld [tilespmem:$0x5E0]  }
0x6e: {  	[tilespmem:$0x1FC60] =	vst v31;
	v31 =	vld [tilespmem:$0x1F0]  }
0x6f: {  	[tilespmem:$0x1FC90] =	vst v37;
	v37 =	vld [tilespmem:$0x5F0]  }
0x70: {  	[tilespmem:$0x1FC80] =	vst v38;
	v38 =	vld [tilespmem:$0x200]  }
0x71: {  	[tilespmem:$0x1FCB0] =	vst v14;
	v14 =	vld [tilespmem:$0x600]  }
0x72: {  	[tilespmem:$0x1FCA0] =	vst v16;
	v16 =	vld [tilespmem:$0x210]  }
0x73: {  	[tilespmem:$0x1FD40] =	vst v2;
	v2 =	vld [tilespmem:$0x1FE00]  }
0x74: {  	vm4 =	veq.s32 v44, $0x0;
	v44 =	vld [tilespmem:$0x630]  }
0x75: {  	vm1 =	veq.s32 v3, $0x0;
	v3 =	vld [tilespmem:$0x660];
	[tilespmem:$0x1FCD0] =	vst v19  }
0x76: {  	[tilespmem:$0x1FCF0] =	vst v31;
	v19 =	vld [tilespmem:$0x610]  }
0x77: {  	[tilespmem:$0x1FD10] =	vst v38;
	v31 =	vld [tilespmem:$0x220]  }
0x78: {  	[tilespmem:$0x1FD30] =	vst v16;
	v16 =	vld [tilespmem:$0x1FE10]  }
0x79: {  	[tilespmem:$0x1FD00] =	vst v14;
	v14 =	vsel vm1, $0x7, v0;
	vm1 =	veq.s32 v51, $0x0;
	v38 =	vld [tilespmem:$0x230]  }
0x7a: {  	vm3 =	veq.s32 v39, $0x0;
	[tilespmem:$0x1FCE0] =	vst v37;
	v51 =	vld [tilespmem:$0x240];
	v37 =	vsel vm1, $0x7, v48;
	vm1 =	veq.s32 v62, $0x0  }
0x7b: {  	[tilespmem:$0x1FDF0] =	vst v14;
	v39 =	vadd.s32 v2, v14;
	v14 =	vld [tilespmem:$0x1FE20];
	v48 =	vsel vm1, $0x7, v58;
	vm1 =	veq.s32 v5, $0x0  }
0x7c: {  	vm2 =	veq.s32 v35, $0x0;
	[tilespmem:$0x1FCC0] =	vst v30;
	v62 =	vsel vm1, $0x7, v4;
	vm1 =	veq.s32 v7, $0x0;
	v7 =	vld [tilespmem:$0x670]  }
0x7d: {  	v30 =	vsel vm2, $0x7, v36;
	[tilespmem:$0x1FD50] =	vst v31;
	v31 =	vld [tilespmem:$0x640]  }
0x7e: {  	v0 =	vadd.s32 v16, v30;
	v30 =	vld [tilespmem:$0x1FE40]  }
0x7f: {  	v35 =	vsel vm3, $0x7, v41;
	[tilespmem:$0x1FD20] =	vst v19;
	v19 =	vld [tilespmem:$0x1FE30]  }
0x80: {  	[tilespmem:$0x10] =	vst v0;
	v41 =	vadd.s32 v14, v35;
	v0 =	vld [tilespmem:$0x270]  }
0x81: {  	[tilespmem:$0x20] =	vst v41;
	v41 =	vld [tilespmem:$0x650]  }
0x82: {  	[tilespmem:$0x1FD80] =	vst v31;
	v31 =	vld [tilespmem:$0x1FE50]  }
0x83: {  	v36 =	vsel vm4, $0x7, v47;
	v58 =	vadd.s32 v30, v37;
	v37 =	vld [tilespmem:$0x250]  }
0x84: {  	v47 =	vadd.s32 v19, v36;
	v36 =	vsel vm1, $0x7, v6;
	vm1 =	veq.s32 v9, $0x0;
	v9 =	vld [tilespmem:$0x1FE60]  }
0x85: {  	[tilespmem:$0x1FDE0] =	vst v39;
	v39 =	vsel vm1, $0x7, v8;
	vm1 =	veq.s32 v11, $0x0;
	v11 =	vld [tilespmem:$0x1FE70]  }
0x86: {  	v8 =	vld [tilespmem:$0x690]  }
0x87: {  	[tilespmem:$0x30] =	vst v47;
	v47 =	vsel vm1, $0x7, v10;
	vm1 =	veq.s32 v13, $0x0;
	v13 =	vld [tilespmem:$0x1FE80]  }
0x88: {  	vm2 =	veq.s32 v57, $0x0;
	[tilespmem:$0x1FDA0] =	vst v41;
	v41 =	vld [tilespmem:$0x1FF20]  }
0x89: {  	v53 =	vsel vm2, $0x7, v53;
	[tilespmem:$0x1FD70] =	vst v38;
	v38 =	vadd.s32 v9, v48;
	v48 =	vld [tilespmem:$0x260]  }
0x8a: {  	v35 =	vadd.s32 v31, v53;
	v53 =	vsel vm1, $0x7, v12;
	v12 =	vld [tilespmem:$0x1FE90]  }
0x8b: {  	[tilespmem:$0x1FC40] =	vst v1;
	vm1 =	veq.s32 v15, $0x0;
	v15 =	vld [tilespmem:$0x1FEA0]  }
0x8c: {  	[tilespmem:$0x1FDB0] =	vst v37;
	v37 =	vld [tilespmem:$0x1FEE0]  }
0x8d: {  	[tilespmem:$0x1FD60] =	vst v44;
	v57 =	vsel vm1, $0x7, v18;
	vm1 =	veq.s32 v17, $0x0;
	v17 =	vld [tilespmem:$0x1FEB0]  }
0x8e: {  	[tilespmem:$0x50] =	vst v35;
	v35 =	vld [tilespmem:$0x1FEC0]  }
0x8f: {  	[tilespmem:$0x60] =	vst v38;
	v44 =	vadd.s32 v11, v62;
	v38 =	vld [tilespmem:$0x1FEF0];
	v62 =	vsel vm1, $0x7, v21;
	vm1 =	veq.s32 v20, $0x0  }
0x90: {  	[tilespmem:$0x1FD90] =	vst v51;
	v21 =	vld [tilespmem:$0x280];
	v20 =	vsel vm1, $0x7, v23;
	vm1 =	veq.s32 v22, $0x0  }
0x91: {  	[tilespmem:$0x40] =	vst v58;
	v51 =	vadd.s32 v13, v36;
	v36 =	vld [tilespmem:$0x1FED0];
	v23 =	vsel vm1, $0x7, v25;
	vm1 =	veq.s32 v24, $0x0  }
0x92: {  	[tilespmem:$0x80] =	vst v51;
	v51 =	vld [tilespmem:$0x6A0];
	v1 =	vadd.s32 v12, v39;
	v27 =	vsel vm1, $0x7, v27;
	vm1 =	veq.s32 v26, $0x0  }
0x93: {  	[tilespmem:$0x70] =	vst v44;
	v58 =	vadd.s32 v15, v47;
	v39 =	vld [tilespmem:$0x1FF00];
	v47 =	vsel vm1, $0x7, v29;
	vm1 =	veq.s32 v28, $0x0  }
0x94: {  	[tilespmem:$0x1FDC0] =	vst v48;
	v44 =	vadd.s32 v37, v20;
	v48 =	vld [tilespmem:$0x2C0];
	v10 =	vsel vm1, $0x7, v42;
	vm1 =	veq.s32 v40, $0x0  }
0x95: {  	v22 =	vadd.s32 v35, v57;
	[tilespmem:$0xE0] =	vst v44;
	v44 =	vld [tilespmem:$0x1FC40];
	v20 =	vsel vm1, $0x7, v45;
	vm1 =	veq.s32 v43, $0x0  }
0x96: {  	[tilespmem:$0xC0] =	vst v22;
	v22 =	vsel vm1, $0x7, v49;
	vm1 =	veq.s32 v46, $0x0;
	v49 =	vld [tilespmem:$0x1FC50]  }
0x97: {  	v24 =	vsel vm1, $0x7, v52;
	vm1 =	veq.s32 v50, $0x0;
	v50 =	vld [tilespmem:$0x1FF30]  }
0x98: {  	v52 =	vld [tilespmem:$0x1FF40]  }
0x99: {  	v26 =	vsel vm1, $0x7, v55;
	vm1 =	veq.s32 v54, $0x0;
	v54 =	vld [tilespmem:$0x1FF50]  }
0x9a: {  	v55 =	vld [tilespmem:$0x1FF60]  }
0x9b: {  	v28 =	vsel vm1, $0x7, v59;
	v59 =	vld [tilespmem:$0x1FC60]  }
0x9c: {  	vm1 =	veq.s32 v56, $0x0;
	v56 =	vld [tilespmem:$0x1FF70]  }
0x9d: {  	v42 =	vsel vm1, $0x7, v63;
	vm1 =	veq.s32 v60, $0x0;
	v63 =	vld [tilespmem:$0x1FC80]  }
0x9e: {  	v5 =	vsel vm1, $0x7, v44;
	vm1 =	veq.s32 v61, $0x0;
	v61 =	vld [tilespmem:$0x1FC70]  }
0x9f: {  	v25 =	vadd.s32 v36, v62;
	v44 =	vld [tilespmem:$0x1FCE0]  }
0xa0: {  	[tilespmem:$0xD0] =	vst v25;
	v25 =	vadd.s32 v50, v20;
	v4 =	vsel vm1, $0x7, v49;
	vm1 =	veq.s32 v59, $0x0;
	v59 =	vld [tilespmem:$0x1FF80]  }
0xa1: {  	[tilespmem:$0x130] =	vst v25;
	v25 =	vld [tilespmem:$0x1FC90]  }
0xa2: {  	v43 =	vadd.s32 v55, v26;
	v26 =	vld [tilespmem:$0x1FCA0]  }
0xa3: {  	v29 =	vadd.s32 v54, v24;
	v45 =	vadd.s32 v56, v28;
	v28 =	vld [tilespmem:$0x1FCB0]  }
0xa4: {  	[tilespmem:$0x150] =	vst v29;
	v29 =	vld [tilespmem:$0x1FCC0]  }
0xa5: {  	[tilespmem:$0x160] =	vst v43;
	v43 =	vld [tilespmem:$0x1FCD0];
	v60 =	vadd.s32 v59, v42  }
0xa6: {  	[tilespmem:$0x180] =	vst v60;
	v60 =	vld [tilespmem:$0x1FF90]  }
0xa7: {  	v6 =	vsel vm1, $0x7, v61;
	v61 =	vld [tilespmem:$0x1FFA0]  }
0xa8: {  	vm1 =	veq.s32 v63, $0x0;
	v63 =	vld [tilespmem:$0x1FFB0]  }
0xa9: {  	[tilespmem:$0xA0] =	vst v58;
	v18 =	vadd.s32 v17, v53;
	v58 =	vld [tilespmem:$0x680]  }
0xaa: {  	v53 =	vadd.s32 v38, v23;
	v57 =	vld [tilespmem:$0x2A0];
	[tilespmem:$0xB0] =	vst v18;
	v18 =	vadd.s32 v39, v27;
	v27 =	vadd.s32 v52, v22  }
0xab: {  	v62 =	vld [tilespmem:$0x290];
	v24 =	vadd.s32 v60, v5;
	v5 =	vsel vm1, $0x7, v25;
	vm1 =	veq.s32 v26, $0x0  }
0xac: {  	v40 =	vld [tilespmem:$0x1FF10];
	[tilespmem:$0x140] =	vst v27;
	v27 =	vadd.s32 v61, v4;
	v4 =	vsel vm1, $0x7, v28;
	vm1 =	veq.s32 v29, $0x0  }
0xad: {  	v42 =	vadd.s32 v63, v6;
	v6 =	vsel vm1, $0x7, v43;
	vm1 =	veq.s32 v44, $0x0;
	v44 =	vld [tilespmem:$0x1FFC0]  }
0xae: {  	[tilespmem:$0xF0] =	vst v53;
	v53 =	vld [tilespmem:$0x2B0]  }
0xaf: {  	[tilespmem:$0x1A0] =	vst v27;
	v27 =	vld [tilespmem:$0x1FCF0]  }
0xb0: {  	[tilespmem:$0x1B0] =	vst v42;
	v42 =	vld [tilespmem:$0x1FD10]  }
0xb1: {  	v28 =	vld [tilespmem:$0x1FD00]  }
0xb2: {  	[tilespmem:$0x170] =	vst v45;
	v43 =	vld [tilespmem:$0x1FD20];
	v45 =	vadd.s32 v44, v5  }
0xb3: {  	[tilespmem:$0x1C0] =	vst v45;
	v45 =	vld [tilespmem:$0x1FFD0]  }
0xb4: {  	v23 =	vadd.s32 v41, v10;
	v10 =	vld [tilespmem:$0x6B0]  }
0xb5: {  	v46 =	vld [tilespmem:$0x6C0]  }
0xb6: {  	[tilespmem:$0x120] =	vst v23;
	v23 =	vld [tilespmem:$0x300]  }
0xb7: {  	[tilespmem:$0x100] =	vst v18;
	v18 =	vld [tilespmem:$0x6D0];
	v5 =	vsel vm1, $0x7, v27;
	vm1 =	veq.s32 v28, $0x0  }
0xb8: {  	v29 =	vadd.s32 v45, v4;
	v4 =	vsel vm1, $0x7, v42;
	vm1 =	veq.s32 v43, $0x0;
	v43 =	vld [tilespmem:$0x1FFE0]  }
0xb9: {  	v42 =	vld [tilespmem:$0x1FD40]  }
0xba: {  	[tilespmem:$0x1D0] =	vst v29;
	v29 =	vld [tilespmem:$0x1FD30]  }
0xbb: {  	[tilespmem:$0x1FDD0] =	vst v21;
	v21 =	vadd.s32 v40, v47;
	v47 =	vld [tilespmem:$0x2D0]  }
0xbc: {  	[tilespmem:$0x110] =	vst v21;
	v21 =	vld [tilespmem:$0x2F0]  }
0xbd: {  	v49 =	vld [tilespmem:$0x2E0]  }
0xbe: {  	v27 =	vld [tilespmem:$0x1FD50]  }
0xbf: {  	v28 =	vadd.s32 v43, v6;
	v6 =	vsel vm1, $0x7, v29;
	vm1 =	veq.s32 v42, $0x0;
	v42 =	vld [tilespmem:$0x1FFF0]  }
0xc0: {  	v20 =	vld [tilespmem:$0x6E0]  }
0xc1: {  	v22 =	vld [tilespmem:$0x6F0]  }
0xc2: {  	v25 =	vld [tilespmem:$0x310]  }
0xc3: {  	v26 =	vld [tilespmem:$0x710]  }
0xc4: {  	[tilespmem:$0x90] =	vst v1;
	v1 =	vadd.s32 v42, v5;
	v5 =	vsel vm1, $0x7, v27;
	v27 =	vld [tilespmem:$0x1FD60]  }
0xc5: {  	[tilespmem:$0x1E0] =	vst v28;
	v28 =	vld [tilespmem:$0x1FD70]  }
0xc6: {  	v29 =	vld [tilespmem:$0x1FD80];
	[tilespmem:$0x1F0] =	vst v1;
	v1 =	vadd.s32 v2, v4  }
0xc7: {  	[tilespmem:$0x200] =	vst v1;
	v1 =	vadd.s32 v16, v6;
	v16 =	vld [tilespmem:$0x1FD90]  }
0xc8: {  	[tilespmem:$0x190] =	vst v24;
	v24 =	vld [tilespmem:$0x700]  }
0xc9: {  	vm1 =	veq.s32 v27, $0x0;
	v27 =	vld [tilespmem:$0x320]  }
0xca: {  	v4 =	vsel vm1, $0x7, v28;
	v28 =	vld [tilespmem:$0x720]  }
0xcb: {  	vm1 =	veq.s32 v29, $0x0;
	v29 =	vld [tilespmem:$0x1FDA0]  }
0xcc: {  	v6 =	vsel vm1, $0x7, v16;
	v16 =	vadd.s32 v14, v5;
	v5 =	vld [tilespmem:$0x1FDB0]  }
0xcd: {  	[tilespmem:$0x220] =	vst v16;
	v16 =	vld [tilespmem:$0x1FDC0]  }
0xce: {  	v14 =	vadd.s32 v19, v4;
	v30 =	vadd.s32 v30, v6;
	v6 =	vld [tilespmem:$0x740]  }
0xcf: {  	[tilespmem:$0x230] =	vst v14;
	v14 =	vld [tilespmem:$0x1FDD0]  }
0xd0: {  	vm1 =	veq.s32 v29, $0x0;
	v29 =	vld [tilespmem:$0x330]  }
0xd1: {  	v5 =	vsel vm1, $0x7, v5;
	vm1 =	veq.s32 v3, $0x0;
	v3 =	vld [tilespmem:$0x730]  }
0xd2: {  	v19 =	vsel vm1, $0x7, v16;
	vm1 =	veq.s32 v7, $0x0;
	v7 =	vld [tilespmem:$0x340]  }
0xd3: {  	v19 =	vadd.s32 v9, v19;
	v9 =	vld [tilespmem:$0x750]  }
0xd4: {  	[tilespmem:$0x210] =	vst v1;
	v0 =	vsel vm1, $0x7, v0;
	vm1 =	veq.s32 v58, $0x0;
	v58 =	vadd.s32 v31, v5;
	v5 =	vld [tilespmem:$0x760]  }
0xd5: {  	[tilespmem:$0x240] =	vst v30;
	v16 =	vsel vm1, $0x7, v14;
	vm1 =	veq.s32 v8, $0x0;
	v8 =	vld [tilespmem:$0x350]  }
0xd6: {  	[tilespmem:$0x250] =	vst v58;
	v0 =	vadd.s32 v11, v0;
	v11 =	vld [tilespmem:$0x370];
	v30 =	vsel vm1, $0x7, v62;
	vm1 =	veq.s32 v51, $0x0  }
0xd7: {  	[tilespmem:$0x260] =	vst v19;
	v51 =	vadd.s32 v13, v16;
	v13 =	vld [tilespmem:$0x380];
	v31 =	vsel vm1, $0x7, v57;
	vm1 =	veq.s32 v10, $0x0  }
0xd8: {  	[tilespmem:$0x270] =	vst v0;
	v10 =	vld [tilespmem:$0x360];
	v53 =	vsel vm1, $0x7, v53;
	vm1 =	veq.s32 v46, $0x0  }
0xd9: {  	[tilespmem:$0x280] =	vst v51;
	v57 =	vadd.s32 v12, v30;
	v12 =	vld [tilespmem:$0x770];
	v58 =	vsel vm1, $0x7, v48;
	vm1 =	veq.s32 v18, $0x0  }
0xda: {  	[tilespmem:$0x290] =	vst v57;
	v62 =	vadd.s32 v15, v31;
	v31 =	vld [tilespmem:$0x790];
	v16 =	vsel vm1, $0x7, v47;
	vm1 =	veq.s32 v20, $0x0  }
0xdb: {  	v46 =	vld [tilespmem:$0x7A0];
	[tilespmem:$0x2A0] =	vst v62;
	v17 =	vadd.s32 v17, v53;
	v18 =	vsel vm1, $0x7, v49;
	vm1 =	veq.s32 v22, $0x0  }
0xdc: {  	v57 =	vld [tilespmem:$0x7B0];
	[tilespmem:$0x2B0] =	vst v17;
	v19 =	vadd.s32 v35, v58;
	v20 =	vsel vm1, $0x7, v21;
	vm1 =	veq.s32 v24, $0x0  }
0xdd: {  	[tilespmem:$0x2C0] =	vst v19;
	v22 =	vadd.s32 v36, v16;
	v49 =	vld [tilespmem:$0x3B0];
	v23 =	vsel vm1, $0x7, v23;
	vm1 =	veq.s32 v26, $0x0  }
0xde: {  	v19 =	vld [tilespmem:$0x7C0];
	[tilespmem:$0x2D0] =	vst v22;
	v35 =	vadd.s32 v38, v20;
	v30 =	vsel vm1, $0x7, v25;
	vm1 =	veq.s32 v28, $0x0  }
0xdf: {  	v26 =	vadd.s32 v37, v18;
	[tilespmem:$0x2F0] =	vst v35;
	v35 =	vld [tilespmem:$0x1FDF0];
	v36 =	vsel vm1, $0x7, v27;
	vm1 =	veq.s32 v3, $0x0  }
0xe0: {  	v21 =	vld [tilespmem:$0x780];
	[tilespmem:$0x2E0] =	vst v26;
	v38 =	vadd.s32 v39, v23;
	v39 =	vsel vm1, $0x7, v29;
	vm1 =	veq.s32 v6, $0x0  }
0xe1: {  	v24 =	vld [tilespmem:$0x390];
	[tilespmem:$0x300] =	vst v38;
	v47 =	vadd.s32 v40, v30;
	v48 =	vsel vm1, $0x7, v7;
	vm1 =	veq.s32 v9, $0x0  }
0xe2: {  	[tilespmem:$0x310] =	vst v47;
	v51 =	vadd.s32 v41, v36;
	v29 =	vld [tilespmem:$0x1FDE0];
	v53 =	vsel vm1, $0x7, v8;
	vm1 =	veq.s32 v5, $0x0  }
0xe3: {  	v37 =	vld [tilespmem:$0x3A0];
	[tilespmem:$0x320] =	vst v51;
	v58 =	vadd.s32 v50, v39;
	v17 =	vadd.s32 v52, v48;
	v62 =	vsel vm1, $0x7, v10  }
0xe4: {  	v22 =	vld [tilespmem:$0x3D0];
	[tilespmem:$0x330] =	vst v58;
	vm1 =	veq.s32 v12, $0x0;
	v20 =	vadd.s32 v54, v53;
	v9 =	vand.u32 $0x7, v35  }
0xe5: {  	v25 =	vld [tilespmem:$0x7D0];
	[tilespmem:$0x340] =	vst v17;
	v18 =	vsel vm1, $0x7, v11;
	vm1 =	veq.s32 v21, $0x0;
	v23 =	vadd.s32 v55, v62  }
0xe6: {  	v12 =	vld [tilespmem:$0x3C0];
	[tilespmem:$0x350] =	vst v20;
	v21 =	vsel vm1, $0x7, v13;
	vm1 =	veq.s32 v31, $0x0;
	v26 =	vadd.s32 v56, v18  }
0xe7: {  	v28 =	vld [tilespmem:$0x7E0];
	[tilespmem:$0x360] =	vst v23;
	v11 =	vshll.u32 v29, $0x1;
	v24 =	vsel vm1, $0x7, v24;
	vm1 =	veq.s32 v46, $0x0  }
0xe8: {  	v30 =	vld [tilespmem:$0x3E0];
	[tilespmem:$0x0] =	vst v29;
	v4 =	vadd.s32 v59, v21;
	v11 =	vand.u32 $0xFFFFFFF0, v11;
	v27 =	vsel vm1, $0x7, v37  }
0xe9: {  	v31 =	vld [tilespmem:$0x7F0];
	[tilespmem:$0x370] =	vst v26;
	vm1 =	veq.s32 v57, $0x0;
	v1 =	vadd.s32 v60, v24;
	v36 =	vor.u32 v9, v11  }
0xea: {  	[tilespmem:$0x380] =	vst v4;
	v37 =	vld [tilespmem:$0x3F0];
	v5 =	vsel vm1, $0x7, v49;
	vm1 =	veq.s32 v19, $0x0;
	v2 =	vadd.s32 v61, v27  }
0xeb: {  	[tilespmem:$0x390] =	vst v1;
	v39 =	vperm.xlane v36, v32;
	v38 =	vsel vm1, $0x7, v12;
	vm1 =	veq.s32 v25, $0x0  }
0xec: {  	v4 =	vperm.xlane v36, v34;
	[tilespmem:$0x3A0] =	vst v2;
	v41 =	vadd.s32 v63, v5;
	v40 =	vsel vm1, $0x7, v22  }
0xed: {  	vm1 =	veq.s32 v28, $0x0;
	[tilespmem:$0x3B0] =	vst v41;
	v1 =	vadd.s32 v44, v38;
	v46 =	vadd.s32 v33, v39  }
0xee: {  	[tilespmem:$0x3C0] =	vst v1;
	v47 =	vsel vm1, $0x7, v30;
	vm1 =	veq.s32 v31, $0x0;
	v48 =	vadd.s32 v45, v40  }
0xef: {  	v50 =	vadd.s32 v33, v4;
	[tilespmem:$0x3D0] =	vst v48;
	v49 =	vsel vm1, $0x7, v37;
	v1 =	vadd.s32 v43, v47  }
0xf0: {  	[tilespmem:$0x3E0] =	vst v1;
	v0 =	vadd.s32 v42, v49  }
0xf1: {  	[tilespmem:$0x3F0] =	vst v0  }
0xf2: {  	[tilespmem:s23], [sflag:$0x1] =	stream.indirect_vreg.gather [hbm4b:s3+s2], $0x80, v46, vm0, $0xb8;
	[tilespmem:$0x18800] =	vst v63  }
0xf3: {  	s21 =	simm.s32 $0x1000  }
0xf4: {  	[tilespmem:s21], [sflag:$0x1] =	stream.indirect_vreg.gather [hbm4b:s3+s2], $0x80, v50, vm0, $0xb8;
	[tilespmem:$0x18800] =	vst v63  }
0xf5: {  	v51 =	vld [tilespmem:$0x10];
	_ =	sdelay $0x4  }
0xf6: {  	v52 =	vshll.u32 v51, $0x1  }
0xf7: {  	v0 =	vand.u32 $0x7, v51;
	v1 =	vand.u32 $0xFFFFFFF0, v52  }
0xf8: {  	v0 =	vor.u32 v0, v1  }
0xf9: {  	v1 =	vperm.xlane v0, v32;
	_ =	sdelay $0x1  }
0xfa: {  	v0 =	vperm.xlane v0, v34;
	v1 =	vadd.s32 v33, v1;
	_ =	sdelay $0x1  }
0xfb: {  	v0 =	vadd.s32 v33, v0;
	_ =	sdelay $0x1  }
0xfc: {  	s20 =	simm.s32 $0x1800  }
0xfd: {  	[tilespmem:s20], [sflag:$0x1] =	stream.indirect_vreg.gather [hbm4b:s3+s2], $0x80, v1, vm0, $0xb8;
	[tilespmem:$0x18800] =	vst v63  }
0xfe: {  	s26 =	simm.s32 $0x2000  }
0xff: {  	[tilespmem:s26], [sflag:$0x1] =	stream.indirect_vreg.gather [hbm4b:s3+s2], $0x80, v0, vm0, $0xb8;
	[tilespmem:$0x18800] =	vst v63  }
0x100: {  	v0 =	vld [tilespmem:$0x20];
	_ =	sdelay $0x4  }
0x101: {  	v53 =	vshll.u32 v0, $0x1  }
0x102: {  	v0 =	vand.u32 $0x7, v0;
	v1 =	vand.u32 $0xFFFFFFF0, v53  }
0x103: {  	v0 =	vor.u32 v0, v1  }
0x104: {  	v1 =	vperm.xlane v0, v32;
	_ =	sdelay $0x1  }
0x105: {  	v0 =	vperm.xlane v0, v34;
	v1 =	vadd.s32 v33, v1;
	_ =	sdelay $0x1  }
0x106: {  	v0 =	vadd.s32 v33, v0;
	_ =	sdelay $0x1  }
0x107: {  	s28 =	simm.s32 $0x2800  }
0x108: {  	[tilespmem:s28], [sflag:$0x1] =	stream.indirect_vreg.gather [hbm4b:s3+s2], $0x80, v1, vm0, $0xb8;
	[tilespmem:$0x18800] =	vst v63  }
0x109: {  	s1 =	simm.s32 $0x3000  }
0x10a: {  	[tilespmem:s1], [sflag:$0x1] =	stream.indirect_vreg.gather [hbm4b:s3+s2], $0x80, v0, vm0, $0xb8;
	[tilespmem:$0x18800] =	vst v63  }
0x10b: {  	v0 =	vld [tilespmem:$0x30];
	_ =	sdelay $0x4  }
0x10c: {  	v54 =	vshll.u32 v0, $0x1  }
0x10d: {  	v0 =	vand.u32 $0x7, v0;
	v1 =	vand.u32 $0xFFFFFFF0, v54  }
0x10e: {  	v0 =	vor.u32 v0, v1  }
0x10f: {  	v1 =	vperm.xlane v0, v32;
	_ =	sdelay $0x1  }
0x110: {  	v0 =	vperm.xlane v0, v34;
	v1 =	vadd.s32 v33, v1;
	_ =	sdelay $0x1  }
0x111: {  	v0 =	vadd.s32 v33, v0;
	_ =	sdelay $0x1  }
0x112: {  	s20 =	simm.s32 $0x3800  }
0x113: {  	[tilespmem:s20], [sflag:$0x1] =	stream.indirect_vreg.gather [hbm4b:s3+s2], $0x80, v1, vm0, $0xb8;
	[tilespmem:$0x18800] =	vst v63  }
0x114: {  	s1 =	simm.s32 $0x4000  }
0x115: {  	[tilespmem:s1], [sflag:$0x1] =	stream.indirect_vreg.gather [hbm4b:s3+s2], $0x80, v0, vm0, $0xb8;
	[tilespmem:$0x18800] =	vst v63  }
0x116: {  	v0 =	vld [tilespmem:$0x40];
	_ =	sdelay $0x4  }
0x117: {  	v55 =	vshll.u32 v0, $0x1  }
0x118: {  	v0 =	vand.u32 $0x7, v0;
	v1 =	vand.u32 $0xFFFFFFF0, v55  }
0x119: {  	v0 =	vor.u32 v0, v1  }
0x11a: {  	v1 =	vperm.xlane v0, v32;
	_ =	sdelay $0x1  }
0x11b: {  	v0 =	vperm.xlane v0, v34;
	v1 =	vadd.s32 v33, v1;
	_ =	sdelay $0x1  }
0x11c: {  	v0 =	vadd.s32 v33, v0;
	_ =	sdelay $0x2  }
0x11d: {  	[tilespmem:s30], [sflag:$0x1] =	stream.indirect_vreg.gather [hbm4b:s3+s2], $0x80, v1, vm0, $0xb8;
	[tilespmem:$0x18800] =	vst v63  }
0x11e: {  	_ = 	snop  }
0x11f: {  	[tilespmem:s31], [sflag:$0x1] =	stream.indirect_vreg.gather [hbm4b:s3+s2], $0x80, v0, vm0, $0xb8;
	[tilespmem:$0x18800] =	vst v63  }
0x120: {  	v0 =	vld [tilespmem:$0x50];
	_ =	sdelay $0x4  }
0x121: {  	v56 =	vshll.u32 v0, $0x1  }
0x122: {  	v0 =	vand.u32 $0x7, v0;
	v1 =	vand.u32 $0xFFFFFFF0, v56  }
0x123: {  	v0 =	vor.u32 v0, v1  }
0x124: {  	v1 =	vperm.xlane v0, v32;
	_ =	sdelay $0x1  }
0x125: {  	v0 =	vperm.xlane v0, v34;
	v1 =	vadd.s32 v33, v1;
	_ =	sdelay $0x1  }
0x126: {  	v0 =	vadd.s32 v33, v0;
	_ =	sdelay $0x1  }
0x127: {  	s20 =	simm.s32 $0x5800  }
0x128: {  	[tilespmem:s20], [sflag:$0x1] =	stream.indirect_vreg.gather [hbm4b:s3+s2], $0x80, v1, vm0, $0xb8;
	[tilespmem:$0x18800] =	vst v63  }
0x129: {  	s1 =	simm.s32 $0x6000  }
0x12a: {  	[tilespmem:s1], [sflag:$0x1] =	stream.indirect_vreg.gather [hbm4b:s3+s2], $0x80, v0, vm0, $0xb8;
	[tilespmem:$0x18800] =	vst v63  }
0x12b: {  	v0 =	vld [tilespmem:$0x60];
	_ =	sdelay $0x4  }
0x12c: {  	v57 =	vshll.u32 v0, $0x1  }
0x12d: {  	v0 =	vand.u32 $0x7, v0;
	v1 =	vand.u32 $0xFFFFFFF0, v57  }
0x12e: {  	v0 =	vor.u32 v0, v1  }
0x12f: {  	v1 =	vperm.xlane v0, v32;
	_ =	sdelay $0x1  }
0x130: {  	v0 =	vperm.xlane v0, v34;
	v1 =	vadd.s32 v33, v1;
	_ =	sdelay $0x1  }
0x131: {  	v0 =	vadd.s32 v33, v0;
	_ =	sdelay $0x1  }
0x132: {  	s20 =	simm.s32 $0x6800  }
0x133: {  	[tilespmem:s20], [sflag:$0x1] =	stream.indirect_vreg.gather [hbm4b:s3+s2], $0x80, v1, vm0, $0xb8;
	[tilespmem:$0x18800] =	vst v63  }
0x134: {  	s1 =	simm.s32 $0x7000  }
0x135: {  	[tilespmem:s1], [sflag:$0x1] =	stream.indirect_vreg.gather [hbm4b:s3+s2], $0x80, v0, vm0, $0xb8;
	[tilespmem:$0x18800] =	vst v63  }
0x136: {  	v0 =	vld [tilespmem:$0x70];
	_ =	sdelay $0x4  }
0x137: {  	v58 =	vshll.u32 v0, $0x1  }
0x138: {  	v0 =	vand.u32 $0x7, v0;
	v1 =	vand.u32 $0xFFFFFFF0, v58  }
0x139: {  	v0 =	vor.u32 v0, v1  }
0x13a: {  	v1 =	vperm.xlane v0, v32;
	_ =	sdelay $0x1  }
0x13b: {  	v0 =	vperm.xlane v0, v34;
	v1 =	vadd.s32 v33, v1;
	_ =	sdelay $0x1  }
0x13c: {  	v0 =	vadd.s32 v33, v0;
	_ =	sdelay $0x1  }
0x13d: {  	s20 =	simm.s32 $0x7800  }
0x13e: {  	[tilespmem:s20], [sflag:$0x1] =	stream.indirect_vreg.gather [hbm4b:s3+s2], $0x80, v1, vm0, $0xb8;
	[tilespmem:$0x18800] =	vst v63  }
0x13f: {  	s1 =	simm.s32 $0x8000  }
0x140: {  	[tilespmem:s1], [sflag:$0x1] =	stream.indirect_vreg.gather [hbm4b:s3+s2], $0x80, v0, vm0, $0xb8;
	[tilespmem:$0x18800] =	vst v63  }
0x141: {  	v0 =	vld [tilespmem:$0x80];
	_ =	sdelay $0x4  }
0x142: {  	v59 =	vshll.u32 v0, $0x1  }
0x143: {  	v0 =	vand.u32 $0x7, v0;
	v1 =	vand.u32 $0xFFFFFFF0, v59  }
0x144: {  	v0 =	vor.u32 v0, v1  }
0x145: {  	v1 =	vperm.xlane v0, v32;
	_ =	sdelay $0x1  }
0x146: {  	v0 =	vperm.xlane v0, v34;
	v1 =	vadd.s32 v33, v1;
	_ =	sdelay $0x1  }
0x147: {  	v0 =	vadd.s32 v33, v0;
	_ =	sdelay $0x2  }
0x148: {  	[tilespmem:s17], [sflag:$0x2] =	stream.indirect_vreg.gather [hbm4b:s3+s2], $0x80, v1, vm0, $0xb8;
	[tilespmem:$0x18800] =	vst v63  }
0x149: {  	s20 =	simm.s32 $0x9000  }
0x14a: {  	[tilespmem:s20], [sflag:$0x2] =	stream.indirect_vreg.gather [hbm4b:s3+s2], $0x80, v0, vm0, $0xb8;
	[tilespmem:$0x18800] =	vst v63  }
0x14b: {  	v0 =	vld [tilespmem:$0x90];
	_ =	sdelay $0x4  }
0x14c: {  	v60 =	vshll.u32 v0, $0x1  }
0x14d: {  	v0 =	vand.u32 $0x7, v0;
	v1 =	vand.u32 $0xFFFFFFF0, v60  }
0x14e: {  	v0 =	vor.u32 v0, v1  }
0x14f: {  	v1 =	vperm.xlane v0, v32;
	_ =	sdelay $0x1  }
0x150: {  	v0 =	vperm.xlane v0, v34;
	v1 =	vadd.s32 v33, v1;
	_ =	sdelay $0x1  }
0x151: {  	v0 =	vadd.s32 v33, v0;
	_ =	sdelay $0x1  }
0x152: {  	s1 =	simm.s32 $0x9800  }
0x153: {  	[tilespmem:s1], [sflag:$0x2] =	stream.indirect_vreg.gather [hbm4b:s3+s2], $0x80, v1, vm0, $0xb8;
	[tilespmem:$0x18800] =	vst v63  }
0x154: {  	s20 =	simm.s32 $0xA000  }
0x155: {  	[tilespmem:s20], [sflag:$0x2] =	stream.indirect_vreg.gather [hbm4b:s3+s2], $0x80, v0, vm0, $0xb8;
	[tilespmem:$0x18800] =	vst v63  }
0x156: {  	v0 =	vld [tilespmem:$0xA0];
	_ =	sdelay $0x4  }
0x157: {  	v61 =	vshll.u32 v0, $0x1  }
0x158: {  	v0 =	vand.u32 $0x7, v0;
	v1 =	vand.u32 $0xFFFFFFF0, v61  }
0x159: {  	v0 =	vor.u32 v0, v1  }
0x15a: {  	v1 =	vperm.xlane v0, v32;
	_ =	sdelay $0x1  }
0x15b: {  	v0 =	vperm.xlane v0, v34;
	v1 =	vadd.s32 v33, v1;
	_ =	sdelay $0x1  }
0x15c: {  	v0 =	vadd.s32 v33, v0;
	_ =	sdelay $0x1  }
0x15d: {  	s1 =	simm.s32 $0xA800  }
0x15e: {  	[tilespmem:s1], [sflag:$0x2] =	stream.indirect_vreg.gather [hbm4b:s3+s2], $0x80, v1, vm0, $0xb8;
	[tilespmem:$0x18800] =	vst v63  }
0x15f: {  	s20 =	simm.s32 $0xB000  }
0x160: {  	[tilespmem:s20], [sflag:$0x2] =	stream.indirect_vreg.gather [hbm4b:s3+s2], $0x80, v0, vm0, $0xb8;
	[tilespmem:$0x18800] =	vst v63  }
0x161: {  	v0 =	vld [tilespmem:$0xB0];
	_ =	sdelay $0x4  }
0x162: {  	v62 =	vshll.u32 v0, $0x1  }
0x163: {  	v0 =	vand.u32 $0x7, v0;
	v1 =	vand.u32 $0xFFFFFFF0, v62  }
0x164: {  	v0 =	vor.u32 v0, v1  }
0x165: {  	v1 =	vperm.xlane v0, v32;
	_ =	sdelay $0x1  }
0x166: {  	v0 =	vperm.xlane v0, v34;
	v1 =	vadd.s32 v33, v1;
	_ =	sdelay $0x1  }
0x167: {  	v0 =	vadd.s32 v33, v0;
	_ =	sdelay $0x1  }
0x168: {  	s1 =	simm.s32 $0xB800  }
0x169: {  	[tilespmem:s1], [sflag:$0x2] =	stream.indirect_vreg.gather [hbm4b:s3+s2], $0x80, v1, vm0, $0xb8;
	[tilespmem:$0x18800] =	vst v63  }
0x16a: {  	s20 =	simm.s32 $0xC000  }
0x16b: {  	[tilespmem:s20], [sflag:$0x2] =	stream.indirect_vreg.gather [hbm4b:s3+s2], $0x80, v0, vm0, $0xb8;
	[tilespmem:$0x18800] =	vst v63  }
0x16c: {  	v0 =	vld [tilespmem:$0xC0];
	_ =	sdelay $0x4  }
0x16d: {  	v63 =	vshll.u32 v0, $0x1  }
0x16e: {  	v0 =	vand.u32 $0x7, v0;
	v1 =	vand.u32 $0xFFFFFFF0, v63  }
0x16f: {  	v0 =	vor.u32 v0, v1  }
0x170: {  	v1 =	vperm.xlane v0, v32;
	_ =	sdelay $0x1  }
0x171: {  	v0 =	vperm.xlane v0, v34;
	v1 =	vadd.s32 v33, v1;
	_ =	sdelay $0x1  }
0x172: {  	v0 =	vadd.s32 v33, v0;
	_ =	sdelay $0x1  }
0x173: {  	s1 =	simm.s32 $0xC800  }
0x174: {  	[tilespmem:s1], [sflag:$0x2] =	stream.indirect_vreg.gather [hbm4b:s3+s2], $0x80, v1, vm0, $0xb8;
	[tilespmem:$0x18800] =	vst v63  }
0x175: {  	s20 =	simm.s32 $0xD000  }
0x176: {  	[tilespmem:s20], [sflag:$0x2] =	stream.indirect_vreg.gather [hbm4b:s3+s2], $0x80, v0, vm0, $0xb8;
	[tilespmem:$0x18800] =	vst v63  }
0x177: {  	v0 =	vld [tilespmem:$0xD0];
	_ =	sdelay $0x4  }
0x178: {  	v4 =	vshll.u32 v0, $0x1  }
0x179: {  	v0 =	vand.u32 $0x7, v0;
	v1 =	vand.u32 $0xFFFFFFF0, v4  }
0x17a: {  	v0 =	vor.u32 v0, v1  }
0x17b: {  	v1 =	vperm.xlane v0, v32;
	_ =	sdelay $0x1  }
0x17c: {  	v0 =	vperm.xlane v0, v34;
	v1 =	vadd.s32 v33, v1;
	_ =	sdelay $0x1  }
0x17d: {  	v0 =	vadd.s32 v33, v0;
	_ =	sdelay $0x1  }
0x17e: {  	s1 =	simm.s32 $0xD800  }
0x17f: {  	[tilespmem:s1], [sflag:$0x2] =	stream.indirect_vreg.gather [hbm4b:s3+s2], $0x80, v1, vm0, $0xb8;
	[tilespmem:$0x18800] =	vst v63  }
0x180: {  	s20 =	simm.s32 $0xE000  }
0x181: {  	[tilespmem:s20], [sflag:$0x2] =	stream.indirect_vreg.gather [hbm4b:s3+s2], $0x80, v0, vm0, $0xb8;
	[tilespmem:$0x18800] =	vst v63  }
0x182: {  	v0 =	vld [tilespmem:$0xE0];
	_ =	sdelay $0x4  }
0x183: {  	v5 =	vshll.u32 v0, $0x1  }
0x184: {  	v0 =	vand.u32 $0x7, v0;
	v1 =	vand.u32 $0xFFFFFFF0, v5  }
0x185: {  	v0 =	vor.u32 v0, v1  }
0x186: {  	v1 =	vperm.xlane v0, v32;
	_ =	sdelay $0x1  }
0x187: {  	v0 =	vperm.xlane v0, v34;
	v1 =	vadd.s32 v33, v1;
	_ =	sdelay $0x1  }
0x188: {  	v0 =	vadd.s32 v33, v0;
	_ =	sdelay $0x1  }
0x189: {  	s1 =	simm.s32 $0xE800  }
0x18a: {  	[tilespmem:s1], [sflag:$0x2] =	stream.indirect_vreg.gather [hbm4b:s3+s2], $0x80, v1, vm0, $0xb8;
	[tilespmem:$0x18800] =	vst v63  }
0x18b: {  	s20 =	simm.s32 $0xF000  }
0x18c: {  	[tilespmem:s20], [sflag:$0x2] =	stream.indirect_vreg.gather [hbm4b:s3+s2], $0x80, v0, vm0, $0xb8;
	[tilespmem:$0x18800] =	vst v63  }
0x18d: {  	v0 =	vld [tilespmem:$0xF0];
	_ =	sdelay $0x4  }
0x18e: {  	v6 =	vshll.u32 v0, $0x1  }
0x18f: {  	v0 =	vand.u32 $0x7, v0;
	v1 =	vand.u32 $0xFFFFFFF0, v6  }
0x190: {  	v0 =	vor.u32 v0, v1  }
0x191: {  	v1 =	vperm.xlane v0, v32;
	_ =	sdelay $0x1  }
0x192: {  	v0 =	vperm.xlane v0, v34;
	v1 =	vadd.s32 v33, v1;
	_ =	sdelay $0x1  }
0x193: {  	v0 =	vadd.s32 v33, v0;
	_ =	sdelay $0x1  }
0x194: {  	s1 =	simm.s32 $0xF800  }
0x195: {  	[tilespmem:s1], [sflag:$0x2] =	stream.indirect_vreg.gather [hbm4b:s3+s2], $0x80, v1, vm0, $0xb8;
	[tilespmem:$0x18800] =	vst v63  }
0x196: {  	s20 =	simm.s32 $0x10000  }
0x197: {  	[tilespmem:s20], [sflag:$0x2] =	stream.indirect_vreg.gather [hbm4b:s3+s2], $0x80, v0, vm0, $0xb8;
	[tilespmem:$0x18800] =	vst v63  }
0x198: {  	_ =	swait.ge [sflag:s29], $0x8000  }
0x199: {  	[sflag:s29] =	ssyncset.done $0x0  }
0x19a: {  	s1 =	rddreg [dreg:$0xd];
	[sflag:s29] =	ssyncadd.s32 $0xFFFF8000  }
0x19b: {  	[hbm4b:s1+s2] =	stream.linear.scatter [tilespmem:s23], [sflag:$0x4], $0x8000, $0x38;
	[tilespmem:$0x18800] =	vst v63  }
0x19c: {  	v7 =	vld [tilespmem:$0x100];
	_ =	sdelay $0x4  }
0x19d: {  	v8 =	vshll.u32 v7, $0x1  }
0x19e: {  	v0 =	vand.u32 $0x7, v7;
	v1 =	vand.u32 $0xFFFFFFF0, v8  }
0x19f: {  	v0 =	vor.u32 v0, v1  }
0x1a0: {  	v1 =	vperm.xlane v0, v32;
	_ =	sdelay $0x1  }
0x1a1: {  	v0 =	vperm.xlane v0, v34;
	v1 =	vadd.s32 v33, v1;
	_ =	sdelay $0x1  }
0x1a2: {  	v0 =	vadd.s32 v33, v0;
	_ =	sdelay $0x1  }
0x1a3: {  	s0 =	simm.s32 $0x10800  }
0x1a4: {  	[tilespmem:s0], [sflag:$0x3] =	stream.indirect_vreg.gather [hbm4b:s3+s2], $0x80, v1, vm0, $0xb8;
	[tilespmem:$0x18800] =	vst v63  }
0x1a5: {  	s1 =	simm.s32 $0x11000  }
0x1a6: {  	[tilespmem:s1], [sflag:$0x3] =	stream.indirect_vreg.gather [hbm4b:s3+s2], $0x80, v0, vm0, $0xb8;
	[tilespmem:$0x18800] =	vst v63  }
0x1a7: {  	v0 =	vld [tilespmem:$0x110];
	_ =	sdelay $0x4  }
0x1a8: {  	v9 =	vshll.u32 v0, $0x1  }
0x1a9: {  	v0 =	vand.u32 $0x7, v0;
	v1 =	vand.u32 $0xFFFFFFF0, v9  }
0x1aa: {  	v0 =	vor.u32 v0, v1  }
0x1ab: {  	v1 =	vperm.xlane v0, v32;
	_ =	sdelay $0x1  }
0x1ac: {  	v0 =	vperm.xlane v0, v34;
	v1 =	vadd.s32 v33, v1;
	_ =	sdelay $0x1  }
0x1ad: {  	v0 =	vadd.s32 v33, v0;
	_ =	sdelay $0x2  }
0x1ae: {  	[tilespmem:s4], [sflag:$0x3] =	stream.indirect_vreg.gather [hbm4b:s3+s2], $0x80, v1, vm0, $0xb8;
	[tilespmem:$0x18800] =	vst v63  }
0x1af: {  	_ = 	snop  }
0x1b0: {  	[tilespmem:s6], [sflag:$0x3] =	stream.indirect_vreg.gather [hbm4b:s3+s2], $0x80, v0, vm0, $0xb8;
	[tilespmem:$0x18800] =	vst v63  }
0x1b1: {  	v0 =	vld [tilespmem:$0x120];
	_ =	sdelay $0x4  }
0x1b2: {  	v10 =	vshll.u32 v0, $0x1  }
0x1b3: {  	v0 =	vand.u32 $0x7, v0;
	v1 =	vand.u32 $0xFFFFFFF0, v10  }
0x1b4: {  	v0 =	vor.u32 v0, v1  }
0x1b5: {  	v1 =	vperm.xlane v0, v32;
	_ =	sdelay $0x1  }
0x1b6: {  	v0 =	vperm.xlane v0, v34;
	v1 =	vadd.s32 v33, v1;
	_ =	sdelay $0x1  }
0x1b7: {  	v0 =	vadd.s32 v33, v0;
	_ =	sdelay $0x2  }
0x1b8: {  	[tilespmem:s7], [sflag:$0x3] =	stream.indirect_vreg.gather [hbm4b:s3+s2], $0x80, v1, vm0, $0xb8;
	[tilespmem:$0x18800] =	vst v63  }
0x1b9: {  	_ = 	snop  }
0x1ba: {  	[tilespmem:s8], [sflag:$0x3] =	stream.indirect_vreg.gather [hbm4b:s3+s2], $0x80, v0, vm0, $0xb8;
	[tilespmem:$0x18800] =	vst v63  }
0x1bb: {  	v0 =	vld [tilespmem:$0x130];
	_ =	sdelay $0x4  }
0x1bc: {  	v11 =	vshll.u32 v0, $0x1  }
0x1bd: {  	v0 =	vand.u32 $0x7, v0;
	v1 =	vand.u32 $0xFFFFFFF0, v11  }
0x1be: {  	v0 =	vor.u32 v0, v1  }
0x1bf: {  	v1 =	vperm.xlane v0, v32;
	_ =	sdelay $0x1  }
0x1c0: {  	v0 =	vperm.xlane v0, v34;
	v1 =	vadd.s32 v33, v1;
	_ =	sdelay $0x1  }
0x1c1: {  	v0 =	vadd.s32 v33, v0;
	_ =	sdelay $0x2  }
0x1c2: {  	[tilespmem:s9], [sflag:$0x3] =	stream.indirect_vreg.gather [hbm4b:s3+s2], $0x80, v1, vm0, $0xb8;
	[tilespmem:$0x18800] =	vst v63  }
0x1c3: {  	_ = 	snop  }
0x1c4: {  	[tilespmem:s10], [sflag:$0x3] =	stream.indirect_vreg.gather [hbm4b:s3+s2], $0x80, v0, vm0, $0xb8;
	[tilespmem:$0x18800] =	vst v63  }
0x1c5: {  	v0 =	vld [tilespmem:$0x140];
	_ =	sdelay $0x4  }
0x1c6: {  	v12 =	vshll.u32 v0, $0x1  }
0x1c7: {  	v0 =	vand.u32 $0x7, v0;
	v1 =	vand.u32 $0xFFFFFFF0, v12  }
0x1c8: {  	v0 =	vor.u32 v0, v1  }
0x1c9: {  	v1 =	vperm.xlane v0, v32;
	_ =	sdelay $0x1  }
0x1ca: {  	v0 =	vperm.xlane v0, v34;
	v1 =	vadd.s32 v33, v1;
	_ =	sdelay $0x1  }
0x1cb: {  	v0 =	vadd.s32 v33, v0;
	_ =	sdelay $0x2  }
0x1cc: {  	[tilespmem:s11], [sflag:$0x3] =	stream.indirect_vreg.gather [hbm4b:s3+s2], $0x80, v1, vm0, $0xb8;
	[tilespmem:$0x18800] =	vst v63  }
0x1cd: {  	_ = 	snop  }
0x1ce: {  	[tilespmem:s12], [sflag:$0x3] =	stream.indirect_vreg.gather [hbm4b:s3+s2], $0x80, v0, vm0, $0xb8;
	[tilespmem:$0x18800] =	vst v63  }
0x1cf: {  	v0 =	vld [tilespmem:$0x150];
	_ =	sdelay $0x4  }
0x1d0: {  	v13 =	vshll.u32 v0, $0x1  }
0x1d1: {  	v0 =	vand.u32 $0x7, v0;
	v1 =	vand.u32 $0xFFFFFFF0, v13  }
0x1d2: {  	v0 =	vor.u32 v0, v1  }
0x1d3: {  	v1 =	vperm.xlane v0, v32;
	_ =	sdelay $0x1  }
0x1d4: {  	v0 =	vperm.xlane v0, v34;
	v1 =	vadd.s32 v33, v1;
	_ =	sdelay $0x1  }
0x1d5: {  	v0 =	vadd.s32 v33, v0;
	_ =	sdelay $0x2  }
0x1d6: {  	[tilespmem:s13], [sflag:$0x3] =	stream.indirect_vreg.gather [hbm4b:s3+s2], $0x80, v1, vm0, $0xb8;
	[tilespmem:$0x18800] =	vst v63  }
0x1d7: {  	_ = 	snop  }
0x1d8: {  	[tilespmem:s14], [sflag:$0x3] =	stream.indirect_vreg.gather [hbm4b:s3+s2], $0x80, v0, vm0, $0xb8;
	[tilespmem:$0x18800] =	vst v63  }
0x1d9: {  	v0 =	vld [tilespmem:$0x160];
	_ =	sdelay $0x4  }
0x1da: {  	v14 =	vshll.u32 v0, $0x1  }
0x1db: {  	v0 =	vand.u32 $0x7, v0;
	v1 =	vand.u32 $0xFFFFFFF0, v14  }
0x1dc: {  	v0 =	vor.u32 v0, v1  }
0x1dd: {  	v1 =	vperm.xlane v0, v32;
	_ =	sdelay $0x1  }
0x1de: {  	v0 =	vperm.xlane v0, v34;
	v1 =	vadd.s32 v33, v1;
	_ =	sdelay $0x1  }
0x1df: {  	v0 =	vadd.s32 v33, v0;
	_ =	sdelay $0x2  }
0x1e0: {  	[tilespmem:s19], [sflag:$0x3] =	stream.indirect_vreg.gather [hbm4b:s3+s2], $0x80, v1, vm0, $0xb8;
	[tilespmem:$0x18800] =	vst v63  }
0x1e1: {  	_ = 	snop  }
0x1e2: {  	[tilespmem:s22], [sflag:$0x3] =	stream.indirect_vreg.gather [hbm4b:s3+s2], $0x80, v0, vm0, $0xb8;
	[tilespmem:$0x18800] =	vst v63  }
0x1e3: {  	v0 =	vld [tilespmem:$0x170];
	_ =	sdelay $0x4  }
0x1e4: {  	v15 =	vshll.u32 v0, $0x1  }
0x1e5: {  	v0 =	vand.u32 $0x7, v0;
	v1 =	vand.u32 $0xFFFFFFF0, v15  }
0x1e6: {  	v0 =	vor.u32 v0, v1  }
0x1e7: {  	v1 =	vperm.xlane v0, v32;
	_ =	sdelay $0x1  }
0x1e8: {  	v0 =	vperm.xlane v0, v34;
	v1 =	vadd.s32 v33, v1;
	_ =	sdelay $0x1  }
0x1e9: {  	v0 =	vadd.s32 v33, v0;
	_ =	sdelay $0x2  }
0x1ea: {  	[tilespmem:s24], [sflag:$0x3] =	stream.indirect_vreg.gather [hbm4b:s3+s2], $0x80, v1, vm0, $0xb8;
	[tilespmem:$0x18800] =	vst v63  }
0x1eb: {  	_ = 	snop  }
0x1ec: {  	[tilespmem:s25], [sflag:$0x3] =	stream.indirect_vreg.gather [hbm4b:s3+s2], $0x80, v0, vm0, $0xb8;
	[tilespmem:$0x18800] =	vst v63  }
0x1ed: {  	_ =	swait.ge [sflag:s15], $0x8000  }
0x1ee: {  	[sflag:s15] =	ssyncset.done $0x0  }
0x1ef: {  	s20 =	rddreg [dreg:$0x5];
	[sflag:s15] =	ssyncadd.s32 $0xFFFF8000  }
0x1f0: {  	[hbm4b:s20+s2] =	stream.linear.scatter [tilespmem:s17], [sflag:$0x5], $0x8000, $0x38;
	[tilespmem:$0x18800] =	vst v63  }
0x1f1: {  	_ =	swait.ge [sflag:s16], $0x8000  }
0x1f2: {  	[sflag:s16] =	ssyncset.done $0x0  }
0x1f3: {  	[sflag:s16] =	ssyncadd.s32 $0xFFFF8000  }
0x1f4: {  	v16 =	vld [tilespmem:$0x180];
	_ =	sdelay $0x4  }
0x1f5: {  	v17 =	vshll.u32 v16, $0x1  }
0x1f6: {  	v0 =	vand.u32 $0x7, v16;
	v1 =	vand.u32 $0xFFFFFFF0, v17  }
0x1f7: {  	v0 =	vor.u32 v0, v1  }
0x1f8: {  	v1 =	vperm.xlane v0, v32;
	_ =	sdelay $0x1  }
0x1f9: {  	v0 =	vperm.xlane v0, v34;
	v1 =	vadd.s32 v33, v1;
	_ =	sdelay $0x1  }
0x1fa: {  	v0 =	vadd.s32 v33, v0;
	_ =	sdelay $0x2  }
0x1fb: {  	[tilespmem:s23], [sflag:$0x1] =	stream.indirect_vreg.gather [hbm4b:s3+s2], $0x80, v1, vm0, $0xb8;
	[tilespmem:$0x18800] =	vst v63  }
0x1fc: {  	_ = 	snop  }
0x1fd: {  	[tilespmem:s21], [sflag:$0x1] =	stream.indirect_vreg.gather [hbm4b:s3+s2], $0x80, v0, vm0, $0xb8;
	[tilespmem:$0x18800] =	vst v63  }
0x1fe: {  	v0 =	vld [tilespmem:$0x190];
	_ =	sdelay $0x4  }
0x1ff: {  	v18 =	vshll.u32 v0, $0x1  }
0x200: {  	v0 =	vand.u32 $0x7, v0;
	v1 =	vand.u32 $0xFFFFFFF0, v18  }
0x201: {  	v0 =	vor.u32 v0, v1  }
0x202: {  	v1 =	vperm.xlane v0, v32;
	_ =	sdelay $0x1  }
0x203: {  	v0 =	vperm.xlane v0, v34;
	v1 =	vadd.s32 v33, v1;
	_ =	sdelay $0x1  }
0x204: {  	v0 =	vadd.s32 v33, v0;
	_ =	sdelay $0x1  }
0x205: {  	s20 =	simm.s32 $0x1800  }
0x206: {  	[tilespmem:s20], [sflag:$0x1] =	stream.indirect_vreg.gather [hbm4b:s3+s2], $0x80, v1, vm0, $0xb8;
	[tilespmem:$0x18800] =	vst v63  }
0x207: {  	s26 =	simm.s32 $0x2000  }
0x208: {  	[tilespmem:s26], [sflag:$0x1] =	stream.indirect_vreg.gather [hbm4b:s3+s2], $0x80, v0, vm0, $0xb8;
	[tilespmem:$0x18800] =	vst v63  }
0x209: {  	v0 =	vld [tilespmem:$0x1A0];
	_ =	sdelay $0x4  }
0x20a: {  	v19 =	vshll.u32 v0, $0x1  }
0x20b: {  	v0 =	vand.u32 $0x7, v0;
	v1 =	vand.u32 $0xFFFFFFF0, v19  }
0x20c: {  	v0 =	vor.u32 v0, v1  }
0x20d: {  	v1 =	vperm.xlane v0, v32;
	_ =	sdelay $0x1  }
0x20e: {  	v0 =	vperm.xlane v0, v34;
	v1 =	vadd.s32 v33, v1;
	_ =	sdelay $0x1  }
0x20f: {  	v0 =	vadd.s32 v33, v0;
	_ =	sdelay $0x1  }
0x210: {  	s26 =	simm.s32 $0x2800  }
0x211: {  	[tilespmem:s26], [sflag:$0x1] =	stream.indirect_vreg.gather [hbm4b:s3+s2], $0x80, v1, vm0, $0xb8;
	[tilespmem:$0x18800] =	vst v63  }
0x212: {  	s28 =	simm.s32 $0x3000  }
0x213: {  	[tilespmem:s28], [sflag:$0x1] =	stream.indirect_vreg.gather [hbm4b:s3+s2], $0x80, v0, vm0, $0xb8;
	[tilespmem:$0x18800] =	vst v63  }
0x214: {  	v0 =	vld [tilespmem:$0x1B0];
	_ =	sdelay $0x4  }
0x215: {  	v20 =	vshll.u32 v0, $0x1  }
0x216: {  	v0 =	vand.u32 $0x7, v0;
	v1 =	vand.u32 $0xFFFFFFF0, v20  }
0x217: {  	v0 =	vor.u32 v0, v1  }
0x218: {  	v1 =	vperm.xlane v0, v32;
	_ =	sdelay $0x1  }
0x219: {  	v0 =	vperm.xlane v0, v34;
	v1 =	vadd.s32 v33, v1;
	_ =	sdelay $0x1  }
0x21a: {  	v0 =	vadd.s32 v33, v0;
	_ =	sdelay $0x1  }
0x21b: {  	s28 =	simm.s32 $0x3800  }
0x21c: {  	[tilespmem:s28], [sflag:$0x1] =	stream.indirect_vreg.gather [hbm4b:s3+s2], $0x80, v1, vm0, $0xb8;
	[tilespmem:$0x18800] =	vst v63  }
0x21d: {  	s26 =	simm.s32 $0x4000  }
0x21e: {  	[tilespmem:s26], [sflag:$0x1] =	stream.indirect_vreg.gather [hbm4b:s3+s2], $0x80, v0, vm0, $0xb8;
	[tilespmem:$0x18800] =	vst v63  }
0x21f: {  	v0 =	vld [tilespmem:$0x1C0];
	_ =	sdelay $0x4  }
0x220: {  	v21 =	vshll.u32 v0, $0x1  }
0x221: {  	v0 =	vand.u32 $0x7, v0;
	v1 =	vand.u32 $0xFFFFFFF0, v21  }
0x222: {  	v0 =	vor.u32 v0, v1  }
0x223: {  	v1 =	vperm.xlane v0, v32;
	_ =	sdelay $0x1  }
0x224: {  	v0 =	vperm.xlane v0, v34;
	v1 =	vadd.s32 v33, v1;
	_ =	sdelay $0x1  }
0x225: {  	v0 =	vadd.s32 v33, v0;
	_ =	sdelay $0x2  }
0x226: {  	[tilespmem:s30], [sflag:$0x1] =	stream.indirect_vreg.gather [hbm4b:s3+s2], $0x80, v1, vm0, $0xb8;
	[tilespmem:$0x18800] =	vst v63  }
0x227: {  	_ = 	snop  }
0x228: {  	[tilespmem:s31], [sflag:$0x1] =	stream.indirect_vreg.gather [hbm4b:s3+s2], $0x80, v0, vm0, $0xb8;
	[tilespmem:$0x18800] =	vst v63  }
0x229: {  	v0 =	vld [tilespmem:$0x1D0];
	_ =	sdelay $0x4  }
0x22a: {  	v22 =	vshll.u32 v0, $0x1  }
0x22b: {  	v0 =	vand.u32 $0x7, v0;
	v1 =	vand.u32 $0xFFFFFFF0, v22  }
0x22c: {  	v0 =	vor.u32 v0, v1  }
0x22d: {  	v1 =	vperm.xlane v0, v32;
	_ =	sdelay $0x1  }
0x22e: {  	v0 =	vperm.xlane v0, v34;
	v1 =	vadd.s32 v33, v1;
	_ =	sdelay $0x1  }
0x22f: {  	v0 =	vadd.s32 v33, v0;
	_ =	sdelay $0x1  }
0x230: {  	s28 =	simm.s32 $0x5800  }
0x231: {  	[tilespmem:s28], [sflag:$0x1] =	stream.indirect_vreg.gather [hbm4b:s3+s2], $0x80, v1, vm0, $0xb8;
	[tilespmem:$0x18800] =	vst v63  }
0x232: {  	s26 =	simm.s32 $0x6000  }
0x233: {  	[tilespmem:s26], [sflag:$0x1] =	stream.indirect_vreg.gather [hbm4b:s3+s2], $0x80, v0, vm0, $0xb8;
	[tilespmem:$0x18800] =	vst v63  }
0x234: {  	v0 =	vld [tilespmem:$0x1E0];
	_ =	sdelay $0x4  }
0x235: {  	v23 =	vshll.u32 v0, $0x1  }
0x236: {  	v0 =	vand.u32 $0x7, v0;
	v1 =	vand.u32 $0xFFFFFFF0, v23  }
0x237: {  	v0 =	vor.u32 v0, v1  }
0x238: {  	v1 =	vperm.xlane v0, v32;
	_ =	sdelay $0x1  }
0x239: {  	v0 =	vperm.xlane v0, v34;
	v1 =	vadd.s32 v33, v1;
	_ =	sdelay $0x1  }
0x23a: {  	v0 =	vadd.s32 v33, v0;
	_ =	sdelay $0x1  }
0x23b: {  	s28 =	simm.s32 $0x6800  }
0x23c: {  	[tilespmem:s28], [sflag:$0x1] =	stream.indirect_vreg.gather [hbm4b:s3+s2], $0x80, v1, vm0, $0xb8;
	[tilespmem:$0x18800] =	vst v63  }
0x23d: {  	s26 =	simm.s32 $0x7000  }
0x23e: {  	[tilespmem:s26], [sflag:$0x1] =	stream.indirect_vreg.gather [hbm4b:s3+s2], $0x80, v0, vm0, $0xb8;
	[tilespmem:$0x18800] =	vst v63  }
0x23f: {  	v0 =	vld [tilespmem:$0x1F0];
	_ =	sdelay $0x4  }
0x240: {  	v24 =	vshll.u32 v0, $0x1  }
0x241: {  	v0 =	vand.u32 $0x7, v0;
	v1 =	vand.u32 $0xFFFFFFF0, v24  }
0x242: {  	v0 =	vor.u32 v0, v1  }
0x243: {  	v1 =	vperm.xlane v0, v32;
	_ =	sdelay $0x1  }
0x244: {  	v0 =	vperm.xlane v0, v34;
	v1 =	vadd.s32 v33, v1;
	_ =	sdelay $0x1  }
0x245: {  	v0 =	vadd.s32 v33, v0;
	_ =	sdelay $0x1  }
0x246: {  	s28 =	simm.s32 $0x7800  }
0x247: {  	[tilespmem:s28], [sflag:$0x1] =	stream.indirect_vreg.gather [hbm4b:s3+s2], $0x80, v1, vm0, $0xb8;
	[tilespmem:$0x18800] =	vst v63  }
0x248: {  	s26 =	simm.s32 $0x8000  }
0x249: {  	[tilespmem:s26], [sflag:$0x1] =	stream.indirect_vreg.gather [hbm4b:s3+s2], $0x80, v0, vm0, $0xb8;
	[tilespmem:$0x18800] =	vst v63  }
0x24a: {  	s26 =	simm.s32 $0x3  }
0x24b: {  	_ =	swait.ge [sflag:s26], $0x8000  }
0x24c: {  	[sflag:s26] =	ssyncset.done $0x0  }
0x24d: {  	s28 =	rddreg [dreg:$0x6];
	[sflag:s26] =	ssyncadd.s32 $0xFFFF8000  }
0x24e: {  	[hbm4b:s28+s2] =	stream.linear.scatter [tilespmem:s0], [sflag:$0x6], $0x8000, $0x38;
	[tilespmem:$0x18800] =	vst v63  }
0x24f: {  	_ =	swait.ge [sflag:s18], $0x8000  }
0x250: {  	[sflag:s18] =	ssyncset.done $0x0  }
0x251: {  	[sflag:s18] =	ssyncadd.s32 $0xFFFF8000  }
0x252: {  	v25 =	vld [tilespmem:$0x200];
	_ =	sdelay $0x4  }
0x253: {  	v26 =	vshll.u32 v25, $0x1  }
0x254: {  	v0 =	vand.u32 $0x7, v25;
	v1 =	vand.u32 $0xFFFFFFF0, v26  }
0x255: {  	v0 =	vor.u32 v0, v1  }
0x256: {  	v1 =	vperm.xlane v0, v32;
	_ =	sdelay $0x1  }
0x257: {  	v0 =	vperm.xlane v0, v34;
	v1 =	vadd.s32 v33, v1;
	_ =	sdelay $0x1  }
0x258: {  	v0 =	vadd.s32 v33, v0;
	_ =	sdelay $0x2  }
0x259: {  	[tilespmem:s17], [sflag:$0x2] =	stream.indirect_vreg.gather [hbm4b:s3+s2], $0x80, v1, vm0, $0xb8;
	[tilespmem:$0x18800] =	vst v63  }
0x25a: {  	s28 =	simm.s32 $0x9000  }
0x25b: {  	[tilespmem:s28], [sflag:$0x2] =	stream.indirect_vreg.gather [hbm4b:s3+s2], $0x80, v0, vm0, $0xb8;
	[tilespmem:$0x18800] =	vst v63  }
0x25c: {  	v0 =	vld [tilespmem:$0x210];
	_ =	sdelay $0x4  }
0x25d: {  	v27 =	vshll.u32 v0, $0x1  }
0x25e: {  	v0 =	vand.u32 $0x7, v0;
	v1 =	vand.u32 $0xFFFFFFF0, v27  }
0x25f: {  	v0 =	vor.u32 v0, v1  }
0x260: {  	v1 =	vperm.xlane v0, v32;
	_ =	sdelay $0x1  }
0x261: {  	v0 =	vperm.xlane v0, v34;
	v1 =	vadd.s32 v33, v1;
	_ =	sdelay $0x1  }
0x262: {  	v0 =	vadd.s32 v33, v0;
	_ =	sdelay $0x1  }
0x263: {  	s28 =	simm.s32 $0x9800  }
0x264: {  	[tilespmem:s28], [sflag:$0x2] =	stream.indirect_vreg.gather [hbm4b:s3+s2], $0x80, v1, vm0, $0xb8;
	[tilespmem:$0x18800] =	vst v63  }
0x265: {  	s28 =	simm.s32 $0xA000  }
0x266: {  	[tilespmem:s28], [sflag:$0x2] =	stream.indirect_vreg.gather [hbm4b:s3+s2], $0x80, v0, vm0, $0xb8;
	[tilespmem:$0x18800] =	vst v63  }
0x267: {  	v0 =	vld [tilespmem:$0x220];
	_ =	sdelay $0x4  }
0x268: {  	v28 =	vshll.u32 v0, $0x1  }
0x269: {  	v0 =	vand.u32 $0x7, v0;
	v1 =	vand.u32 $0xFFFFFFF0, v28  }
0x26a: {  	v0 =	vor.u32 v0, v1  }
0x26b: {  	v1 =	vperm.xlane v0, v32;
	_ =	sdelay $0x1  }
0x26c: {  	v0 =	vperm.xlane v0, v34;
	v1 =	vadd.s32 v33, v1;
	_ =	sdelay $0x1  }
0x26d: {  	v0 =	vadd.s32 v33, v0;
	_ =	sdelay $0x1  }
0x26e: {  	s28 =	simm.s32 $0xA800  }
0x26f: {  	[tilespmem:s28], [sflag:$0x2] =	stream.indirect_vreg.gather [hbm4b:s3+s2], $0x80, v1, vm0, $0xb8;
	[tilespmem:$0x18800] =	vst v63  }
0x270: {  	s28 =	simm.s32 $0xB000  }
0x271: {  	[tilespmem:s28], [sflag:$0x2] =	stream.indirect_vreg.gather [hbm4b:s3+s2], $0x80, v0, vm0, $0xb8;
	[tilespmem:$0x18800] =	vst v63  }
0x272: {  	v0 =	vld [tilespmem:$0x230];
	_ =	sdelay $0x4  }
0x273: {  	v29 =	vshll.u32 v0, $0x1  }
0x274: {  	v0 =	vand.u32 $0x7, v0;
	v1 =	vand.u32 $0xFFFFFFF0, v29  }
0x275: {  	v0 =	vor.u32 v0, v1  }
0x276: {  	v1 =	vperm.xlane v0, v32;
	_ =	sdelay $0x1  }
0x277: {  	v0 =	vperm.xlane v0, v34;
	v1 =	vadd.s32 v33, v1;
	_ =	sdelay $0x1  }
0x278: {  	v0 =	vadd.s32 v33, v0;
	_ =	sdelay $0x1  }
0x279: {  	s28 =	simm.s32 $0xB800  }
0x27a: {  	[tilespmem:s28], [sflag:$0x2] =	stream.indirect_vreg.gather [hbm4b:s3+s2], $0x80, v1, vm0, $0xb8;
	[tilespmem:$0x18800] =	vst v63  }
0x27b: {  	s28 =	simm.s32 $0xC000  }
0x27c: {  	[tilespmem:s28], [sflag:$0x2] =	stream.indirect_vreg.gather [hbm4b:s3+s2], $0x80, v0, vm0, $0xb8;
	[tilespmem:$0x18800] =	vst v63  }
0x27d: {  	v0 =	vld [tilespmem:$0x240];
	_ =	sdelay $0x4  }
0x27e: {  	v30 =	vshll.u32 v0, $0x1  }
0x27f: {  	v0 =	vand.u32 $0x7, v0;
	v1 =	vand.u32 $0xFFFFFFF0, v30  }
0x280: {  	v0 =	vor.u32 v0, v1  }
0x281: {  	v1 =	vperm.xlane v0, v32;
	_ =	sdelay $0x1  }
0x282: {  	v0 =	vperm.xlane v0, v34;
	v1 =	vadd.s32 v33, v1;
	_ =	sdelay $0x1  }
0x283: {  	v0 =	vadd.s32 v33, v0;
	_ =	sdelay $0x1  }
0x284: {  	s28 =	simm.s32 $0xC800  }
0x285: {  	[tilespmem:s28], [sflag:$0x2] =	stream.indirect_vreg.gather [hbm4b:s3+s2], $0x80, v1, vm0, $0xb8;
	[tilespmem:$0x18800] =	vst v63  }
0x286: {  	s28 =	simm.s32 $0xD000  }
0x287: {  	[tilespmem:s28], [sflag:$0x2] =	stream.indirect_vreg.gather [hbm4b:s3+s2], $0x80, v0, vm0, $0xb8;
	[tilespmem:$0x18800] =	vst v63  }
0x288: {  	v0 =	vld [tilespmem:$0x250];
	_ =	sdelay $0x4  }
0x289: {  	v31 =	vshll.u32 v0, $0x1  }
0x28a: {  	v0 =	vand.u32 $0x7, v0;
	v1 =	vand.u32 $0xFFFFFFF0, v31  }
0x28b: {  	v0 =	vor.u32 v0, v1  }
0x28c: {  	v1 =	vperm.xlane v0, v32;
	_ =	sdelay $0x1  }
0x28d: {  	v0 =	vperm.xlane v0, v34;
	v1 =	vadd.s32 v33, v1;
	_ =	sdelay $0x1  }
0x28e: {  	v0 =	vadd.s32 v33, v0;
	_ =	sdelay $0x1  }
0x28f: {  	s28 =	simm.s32 $0xD800  }
0x290: {  	[tilespmem:s28], [sflag:$0x2] =	stream.indirect_vreg.gather [hbm4b:s3+s2], $0x80, v1, vm0, $0xb8;
	[tilespmem:$0x18800] =	vst v63  }
0x291: {  	s28 =	simm.s32 $0xE000  }
0x292: {  	[tilespmem:s28], [sflag:$0x2] =	stream.indirect_vreg.gather [hbm4b:s3+s2], $0x80, v0, vm0, $0xb8;
	[tilespmem:$0x18800] =	vst v63  }
0x293: {  	v0 =	vld [tilespmem:$0x260];
	_ =	sdelay $0x4  }
0x294: {  	v35 =	vshll.u32 v0, $0x1  }
0x295: {  	v0 =	vand.u32 $0x7, v0;
	v1 =	vand.u32 $0xFFFFFFF0, v35  }
0x296: {  	v0 =	vor.u32 v0, v1  }
0x297: {  	v1 =	vperm.xlane v0, v32;
	_ =	sdelay $0x1  }
0x298: {  	v0 =	vperm.xlane v0, v34;
	v1 =	vadd.s32 v33, v1;
	_ =	sdelay $0x1  }
0x299: {  	v0 =	vadd.s32 v33, v0;
	_ =	sdelay $0x1  }
0x29a: {  	s28 =	simm.s32 $0xE800  }
0x29b: {  	[tilespmem:s28], [sflag:$0x2] =	stream.indirect_vreg.gather [hbm4b:s3+s2], $0x80, v1, vm0, $0xb8;
	[tilespmem:$0x18800] =	vst v63  }
0x29c: {  	s28 =	simm.s32 $0xF000  }
0x29d: {  	[tilespmem:s28], [sflag:$0x2] =	stream.indirect_vreg.gather [hbm4b:s3+s2], $0x80, v0, vm0, $0xb8;
	[tilespmem:$0x18800] =	vst v63  }
0x29e: {  	v0 =	vld [tilespmem:$0x270];
	_ =	sdelay $0x4  }
0x29f: {  	v36 =	vshll.u32 v0, $0x1  }
0x2a0: {  	v0 =	vand.u32 $0x7, v0;
	v1 =	vand.u32 $0xFFFFFFF0, v36  }
0x2a1: {  	v0 =	vor.u32 v0, v1  }
0x2a2: {  	v1 =	vperm.xlane v0, v32;
	_ =	sdelay $0x1  }
0x2a3: {  	v0 =	vperm.xlane v0, v34;
	v1 =	vadd.s32 v33, v1;
	_ =	sdelay $0x1  }
0x2a4: {  	v0 =	vadd.s32 v33, v0;
	_ =	sdelay $0x1  }
0x2a5: {  	s28 =	simm.s32 $0xF800  }
0x2a6: {  	[tilespmem:s28], [sflag:$0x2] =	stream.indirect_vreg.gather [hbm4b:s3+s2], $0x80, v1, vm0, $0xb8;
	[tilespmem:$0x18800] =	vst v63  }
0x2a7: {  	s28 =	simm.s32 $0x10000  }
0x2a8: {  	[tilespmem:s28], [sflag:$0x2] =	stream.indirect_vreg.gather [hbm4b:s3+s2], $0x80, v0, vm0, $0xb8;
	[tilespmem:$0x18800] =	vst v63  }
0x2a9: {  	_ =	swait.ge [sflag:s29], $0x8000  }
0x2aa: {  	[sflag:s29] =	ssyncset.done $0x0  }
0x2ab: {  	s28 =	rddreg [dreg:$0x7];
	[sflag:s29] =	ssyncadd.s32 $0xFFFF8000  }
0x2ac: {  	[hbm4b:s28+s2] =	stream.linear.scatter [tilespmem:s23], [sflag:$0x4], $0x8000, $0x38;
	[tilespmem:$0x18800] =	vst v63  }
0x2ad: {  	s28 =	simm.s32 $0x6  }
0x2ae: {  	_ =	swait.ge [sflag:s28], $0x8000  }
0x2af: {  	[sflag:s28] =	ssyncset.done $0x0  }
0x2b0: {  	[sflag:s28] =	ssyncadd.s32 $0xFFFF8000  }
0x2b1: {  	v37 =	vld [tilespmem:$0x280];
	_ =	sdelay $0x4  }
0x2b2: {  	v38 =	vshll.u32 v37, $0x1  }
0x2b3: {  	v0 =	vand.u32 $0x7, v37;
	v1 =	vand.u32 $0xFFFFFFF0, v38  }
0x2b4: {  	v0 =	vor.u32 v0, v1  }
0x2b5: {  	v1 =	vperm.xlane v0, v32;
	_ =	sdelay $0x1  }
0x2b6: {  	v0 =	vperm.xlane v0, v34;
	v1 =	vadd.s32 v33, v1;
	_ =	sdelay $0x1  }
0x2b7: {  	v0 =	vadd.s32 v33, v0;
	_ =	sdelay $0x2  }
0x2b8: {  	[tilespmem:s0], [sflag:$0x3] =	stream.indirect_vreg.gather [hbm4b:s3+s2], $0x80, v1, vm0, $0xb8;
	[tilespmem:$0x18800] =	vst v63  }
0x2b9: {  	_ = 	snop  }
0x2ba: {  	[tilespmem:s1], [sflag:$0x3] =	stream.indirect_vreg.gather [hbm4b:s3+s2], $0x80, v0, vm0, $0xb8;
	[tilespmem:$0x18800] =	vst v63  }
0x2bb: {  	v0 =	vld [tilespmem:$0x290];
	_ =	sdelay $0x4  }
0x2bc: {  	v39 =	vshll.u32 v0, $0x1  }
0x2bd: {  	v0 =	vand.u32 $0x7, v0;
	v1 =	vand.u32 $0xFFFFFFF0, v39  }
0x2be: {  	v0 =	vor.u32 v0, v1  }
0x2bf: {  	v1 =	vperm.xlane v0, v32;
	_ =	sdelay $0x1  }
0x2c0: {  	v0 =	vperm.xlane v0, v34;
	v1 =	vadd.s32 v33, v1;
	_ =	sdelay $0x1  }
0x2c1: {  	v0 =	vadd.s32 v33, v0;
	_ =	sdelay $0x2  }
0x2c2: {  	[tilespmem:s4], [sflag:$0x3] =	stream.indirect_vreg.gather [hbm4b:s3+s2], $0x80, v1, vm0, $0xb8;
	[tilespmem:$0x18800] =	vst v63  }
0x2c3: {  	_ = 	snop  }
0x2c4: {  	[tilespmem:s6], [sflag:$0x3] =	stream.indirect_vreg.gather [hbm4b:s3+s2], $0x80, v0, vm0, $0xb8;
	[tilespmem:$0x18800] =	vst v63  }
0x2c5: {  	v0 =	vld [tilespmem:$0x2A0];
	_ =	sdelay $0x4  }
0x2c6: {  	v40 =	vshll.u32 v0, $0x1  }
0x2c7: {  	v0 =	vand.u32 $0x7, v0;
	v1 =	vand.u32 $0xFFFFFFF0, v40  }
0x2c8: {  	v0 =	vor.u32 v0, v1  }
0x2c9: {  	v1 =	vperm.xlane v0, v32;
	_ =	sdelay $0x1  }
0x2ca: {  	v0 =	vperm.xlane v0, v34;
	v1 =	vadd.s32 v33, v1;
	_ =	sdelay $0x1  }
0x2cb: {  	v0 =	vadd.s32 v33, v0;
	_ =	sdelay $0x2  }
0x2cc: {  	[tilespmem:s7], [sflag:$0x3] =	stream.indirect_vreg.gather [hbm4b:s3+s2], $0x80, v1, vm0, $0xb8;
	[tilespmem:$0x18800] =	vst v63  }
0x2cd: {  	_ = 	snop  }
0x2ce: {  	[tilespmem:s8], [sflag:$0x3] =	stream.indirect_vreg.gather [hbm4b:s3+s2], $0x80, v0, vm0, $0xb8;
	[tilespmem:$0x18800] =	vst v63  }
0x2cf: {  	v0 =	vld [tilespmem:$0x2B0];
	_ =	sdelay $0x4  }
0x2d0: {  	v41 =	vshll.u32 v0, $0x1  }
0x2d1: {  	v0 =	vand.u32 $0x7, v0;
	v1 =	vand.u32 $0xFFFFFFF0, v41  }
0x2d2: {  	v0 =	vor.u32 v0, v1  }
0x2d3: {  	v1 =	vperm.xlane v0, v32;
	_ =	sdelay $0x1  }
0x2d4: {  	v0 =	vperm.xlane v0, v34;
	v1 =	vadd.s32 v33, v1;
	_ =	sdelay $0x1  }
0x2d5: {  	v0 =	vadd.s32 v33, v0;
	_ =	sdelay $0x2  }
0x2d6: {  	[tilespmem:s9], [sflag:$0x3] =	stream.indirect_vreg.gather [hbm4b:s3+s2], $0x80, v1, vm0, $0xb8;
	[tilespmem:$0x18800] =	vst v63  }
0x2d7: {  	_ = 	snop  }
0x2d8: {  	[tilespmem:s10], [sflag:$0x3] =	stream.indirect_vreg.gather [hbm4b:s3+s2], $0x80, v0, vm0, $0xb8;
	[tilespmem:$0x18800] =	vst v63  }
0x2d9: {  	v0 =	vld [tilespmem:$0x2C0];
	_ =	sdelay $0x4  }
0x2da: {  	v42 =	vshll.u32 v0, $0x1  }
0x2db: {  	v0 =	vand.u32 $0x7, v0;
	v1 =	vand.u32 $0xFFFFFFF0, v42  }
0x2dc: {  	v0 =	vor.u32 v0, v1  }
0x2dd: {  	v1 =	vperm.xlane v0, v32;
	_ =	sdelay $0x1  }
0x2de: {  	v0 =	vperm.xlane v0, v34;
	v1 =	vadd.s32 v33, v1;
	_ =	sdelay $0x1  }
0x2df: {  	v0 =	vadd.s32 v33, v0;
	_ =	sdelay $0x2  }
0x2e0: {  	[tilespmem:s11], [sflag:$0x3] =	stream.indirect_vreg.gather [hbm4b:s3+s2], $0x80, v1, vm0, $0xb8;
	[tilespmem:$0x18800] =	vst v63  }
0x2e1: {  	_ = 	snop  }
0x2e2: {  	[tilespmem:s12], [sflag:$0x3] =	stream.indirect_vreg.gather [hbm4b:s3+s2], $0x80, v0, vm0, $0xb8;
	[tilespmem:$0x18800] =	vst v63  }
0x2e3: {  	v0 =	vld [tilespmem:$0x2D0];
	_ =	sdelay $0x4  }
0x2e4: {  	v43 =	vshll.u32 v0, $0x1  }
0x2e5: {  	v0 =	vand.u32 $0x7, v0;
	v1 =	vand.u32 $0xFFFFFFF0, v43  }
0x2e6: {  	v0 =	vor.u32 v0, v1  }
0x2e7: {  	v1 =	vperm.xlane v0, v32;
	_ =	sdelay $0x1  }
0x2e8: {  	v0 =	vperm.xlane v0, v34;
	v1 =	vadd.s32 v33, v1;
	_ =	sdelay $0x1  }
0x2e9: {  	v0 =	vadd.s32 v33, v0;
	_ =	sdelay $0x2  }
0x2ea: {  	[tilespmem:s13], [sflag:$0x3] =	stream.indirect_vreg.gather [hbm4b:s3+s2], $0x80, v1, vm0, $0xb8;
	[tilespmem:$0x18800] =	vst v63  }
0x2eb: {  	_ = 	snop  }
0x2ec: {  	[tilespmem:s14], [sflag:$0x3] =	stream.indirect_vreg.gather [hbm4b:s3+s2], $0x80, v0, vm0, $0xb8;
	[tilespmem:$0x18800] =	vst v63  }
0x2ed: {  	v0 =	vld [tilespmem:$0x2E0];
	_ =	sdelay $0x4  }
0x2ee: {  	v44 =	vshll.u32 v0, $0x1  }
0x2ef: {  	v0 =	vand.u32 $0x7, v0;
	v1 =	vand.u32 $0xFFFFFFF0, v44  }
0x2f0: {  	v0 =	vor.u32 v0, v1  }
0x2f1: {  	v1 =	vperm.xlane v0, v32;
	_ =	sdelay $0x1  }
0x2f2: {  	v0 =	vperm.xlane v0, v34;
	v1 =	vadd.s32 v33, v1;
	_ =	sdelay $0x1  }
0x2f3: {  	v0 =	vadd.s32 v33, v0;
	_ =	sdelay $0x2  }
0x2f4: {  	[tilespmem:s19], [sflag:$0x3] =	stream.indirect_vreg.gather [hbm4b:s3+s2], $0x80, v1, vm0, $0xb8;
	[tilespmem:$0x18800] =	vst v63  }
0x2f5: {  	_ = 	snop  }
0x2f6: {  	[tilespmem:s22], [sflag:$0x3] =	stream.indirect_vreg.gather [hbm4b:s3+s2], $0x80, v0, vm0, $0xb8;
	[tilespmem:$0x18800] =	vst v63  }
0x2f7: {  	v0 =	vld [tilespmem:$0x2F0];
	_ =	sdelay $0x4  }
0x2f8: {  	v45 =	vshll.u32 v0, $0x1  }
0x2f9: {  	v0 =	vand.u32 $0x7, v0;
	v1 =	vand.u32 $0xFFFFFFF0, v45  }
0x2fa: {  	v0 =	vor.u32 v0, v1  }
0x2fb: {  	v1 =	vperm.xlane v0, v32;
	_ =	sdelay $0x1  }
0x2fc: {  	v0 =	vperm.xlane v0, v34;
	v1 =	vadd.s32 v33, v1;
	_ =	sdelay $0x1  }
0x2fd: {  	v0 =	vadd.s32 v33, v0;
	_ =	sdelay $0x2  }
0x2fe: {  	[tilespmem:s24], [sflag:$0x3] =	stream.indirect_vreg.gather [hbm4b:s3+s2], $0x80, v1, vm0, $0xb8;
	[tilespmem:$0x18800] =	vst v63  }
0x2ff: {  	_ = 	snop  }
0x300: {  	[tilespmem:s25], [sflag:$0x3] =	stream.indirect_vreg.gather [hbm4b:s3+s2], $0x80, v0, vm0, $0xb8;
	[tilespmem:$0x18800] =	vst v63  }
0x301: {  	_ =	swait.ge [sflag:s15], $0x8000  }
0x302: {  	[sflag:s15] =	ssyncset.done $0x0  }
0x303: {  	s1 =	rddreg [dreg:$0x8];
	[sflag:s15] =	ssyncadd.s32 $0xFFFF8000  }
0x304: {  	[hbm4b:s1+s2] =	stream.linear.scatter [tilespmem:s17], [sflag:$0x5], $0x8000, $0x38;
	[tilespmem:$0x18800] =	vst v63  }
0x305: {  	_ =	swait.ge [sflag:s16], $0x8000  }
0x306: {  	[sflag:s16] =	ssyncset.done $0x0  }
0x307: {  	[sflag:s16] =	ssyncadd.s32 $0xFFFF8000  }
0x308: {  	v46 =	vld [tilespmem:$0x300];
	_ =	sdelay $0x4  }
0x309: {  	v47 =	vshll.u32 v46, $0x1  }
0x30a: {  	v0 =	vand.u32 $0x7, v46;
	v1 =	vand.u32 $0xFFFFFFF0, v47  }
0x30b: {  	v0 =	vor.u32 v0, v1  }
0x30c: {  	v1 =	vperm.xlane v0, v32;
	_ =	sdelay $0x1  }
0x30d: {  	v0 =	vperm.xlane v0, v34;
	v1 =	vadd.s32 v33, v1;
	_ =	sdelay $0x1  }
0x30e: {  	v0 =	vadd.s32 v33, v0;
	_ =	sdelay $0x2  }
0x30f: {  	[tilespmem:s23], [sflag:$0x1] =	stream.indirect_vreg.gather [hbm4b:s3+s2], $0x80, v1, vm0, $0xb8;
	[tilespmem:$0x18800] =	vst v63  }
0x310: {  	_ = 	snop  }
0x311: {  	[tilespmem:s21], [sflag:$0x1] =	stream.indirect_vreg.gather [hbm4b:s3+s2], $0x80, v0, vm0, $0xb8;
	[tilespmem:$0x18800] =	vst v63  }
0x312: {  	v0 =	vld [tilespmem:$0x310];
	_ =	sdelay $0x4  }
0x313: {  	v48 =	vshll.u32 v0, $0x1  }
0x314: {  	v0 =	vand.u32 $0x7, v0;
	v1 =	vand.u32 $0xFFFFFFF0, v48  }
0x315: {  	v0 =	vor.u32 v0, v1  }
0x316: {  	v1 =	vperm.xlane v0, v32;
	_ =	sdelay $0x1  }
0x317: {  	v0 =	vperm.xlane v0, v34;
	v1 =	vadd.s32 v33, v1;
	_ =	sdelay $0x1  }
0x318: {  	v0 =	vadd.s32 v33, v0;
	_ =	sdelay $0x1  }
0x319: {  	s21 =	simm.s32 $0x1800  }
0x31a: {  	[tilespmem:s21], [sflag:$0x1] =	stream.indirect_vreg.gather [hbm4b:s3+s2], $0x80, v1, vm0, $0xb8;
	[tilespmem:$0x18800] =	vst v63  }
0x31b: {  	s20 =	simm.s32 $0x2000  }
0x31c: {  	[tilespmem:s20], [sflag:$0x1] =	stream.indirect_vreg.gather [hbm4b:s3+s2], $0x80, v0, vm0, $0xb8;
	[tilespmem:$0x18800] =	vst v63  }
0x31d: {  	v0 =	vld [tilespmem:$0x320];
	_ =	sdelay $0x4  }
0x31e: {  	v49 =	vshll.u32 v0, $0x1  }
0x31f: {  	v0 =	vand.u32 $0x7, v0;
	v1 =	vand.u32 $0xFFFFFFF0, v49  }
0x320: {  	v0 =	vor.u32 v0, v1  }
0x321: {  	v1 =	vperm.xlane v0, v32;
	_ =	sdelay $0x1  }
0x322: {  	v0 =	vperm.xlane v0, v34;
	v1 =	vadd.s32 v33, v1;
	_ =	sdelay $0x1  }
0x323: {  	v0 =	vadd.s32 v33, v0;
	_ =	sdelay $0x1  }
0x324: {  	s21 =	simm.s32 $0x2800  }
0x325: {  	[tilespmem:s21], [sflag:$0x1] =	stream.indirect_vreg.gather [hbm4b:s3+s2], $0x80, v1, vm0, $0xb8;
	[tilespmem:$0x18800] =	vst v63  }
0x326: {  	s20 =	simm.s32 $0x3000  }
0x327: {  	[tilespmem:s20], [sflag:$0x1] =	stream.indirect_vreg.gather [hbm4b:s3+s2], $0x80, v0, vm0, $0xb8;
	[tilespmem:$0x18800] =	vst v63  }
0x328: {  	v0 =	vld [tilespmem:$0x330];
	_ =	sdelay $0x4  }
0x329: {  	v50 =	vshll.u32 v0, $0x1  }
0x32a: {  	v0 =	vand.u32 $0x7, v0;
	v1 =	vand.u32 $0xFFFFFFF0, v50  }
0x32b: {  	v0 =	vor.u32 v0, v1  }
0x32c: {  	v1 =	vperm.xlane v0, v32;
	_ =	sdelay $0x1  }
0x32d: {  	v0 =	vperm.xlane v0, v34;
	v1 =	vadd.s32 v33, v1;
	_ =	sdelay $0x1  }
0x32e: {  	v0 =	vadd.s32 v33, v0;
	_ =	sdelay $0x1  }
0x32f: {  	s21 =	simm.s32 $0x3800  }
0x330: {  	[tilespmem:s21], [sflag:$0x1] =	stream.indirect_vreg.gather [hbm4b:s3+s2], $0x80, v1, vm0, $0xb8;
	[tilespmem:$0x18800] =	vst v63  }
0x331: {  	s20 =	simm.s32 $0x4000  }
0x332: {  	[tilespmem:s20], [sflag:$0x1] =	stream.indirect_vreg.gather [hbm4b:s3+s2], $0x80, v0, vm0, $0xb8;
	[tilespmem:$0x18800] =	vst v63  }
0x333: {  	v0 =	vld [tilespmem:$0x340];
	_ =	sdelay $0x4  }
0x334: {  	v51 =	vshll.u32 v0, $0x1  }
0x335: {  	v0 =	vand.u32 $0x7, v0;
	v1 =	vand.u32 $0xFFFFFFF0, v51  }
0x336: {  	v0 =	vor.u32 v0, v1  }
0x337: {  	v1 =	vperm.xlane v0, v32;
	_ =	sdelay $0x1  }
0x338: {  	v0 =	vperm.xlane v0, v34;
	v1 =	vadd.s32 v33, v1;
	_ =	sdelay $0x1  }
0x339: {  	v0 =	vadd.s32 v33, v0;
	_ =	sdelay $0x2  }
0x33a: {  	[tilespmem:s30], [sflag:$0x1] =	stream.indirect_vreg.gather [hbm4b:s3+s2], $0x80, v1, vm0, $0xb8;
	[tilespmem:$0x18800] =	vst v63  }
0x33b: {  	_ = 	snop  }
0x33c: {  	[tilespmem:s31], [sflag:$0x1] =	stream.indirect_vreg.gather [hbm4b:s3+s2], $0x80, v0, vm0, $0xb8;
	[tilespmem:$0x18800] =	vst v63  }
0x33d: {  	v0 =	vld [tilespmem:$0x350];
	_ =	sdelay $0x4  }
0x33e: {  	v52 =	vshll.u32 v0, $0x1  }
0x33f: {  	v0 =	vand.u32 $0x7, v0;
	v1 =	vand.u32 $0xFFFFFFF0, v52  }
0x340: {  	v0 =	vor.u32 v0, v1  }
0x341: {  	v1 =	vperm.xlane v0, v32;
	_ =	sdelay $0x1  }
0x342: {  	v0 =	vperm.xlane v0, v34;
	v1 =	vadd.s32 v33, v1;
	_ =	sdelay $0x1  }
0x343: {  	v0 =	vadd.s32 v33, v0;
	_ =	sdelay $0x1  }
0x344: {  	s21 =	simm.s32 $0x5800  }
0x345: {  	[tilespmem:s21], [sflag:$0x1] =	stream.indirect_vreg.gather [hbm4b:s3+s2], $0x80, v1, vm0, $0xb8;
	[tilespmem:$0x18800] =	vst v63  }
0x346: {  	s20 =	simm.s32 $0x6000  }
0x347: {  	[tilespmem:s20], [sflag:$0x1] =	stream.indirect_vreg.gather [hbm4b:s3+s2], $0x80, v0, vm0, $0xb8;
	[tilespmem:$0x18800] =	vst v63  }
0x348: {  	v0 =	vld [tilespmem:$0x360];
	_ =	sdelay $0x4  }
0x349: {  	v53 =	vshll.u32 v0, $0x1  }
0x34a: {  	v0 =	vand.u32 $0x7, v0;
	v1 =	vand.u32 $0xFFFFFFF0, v53  }
0x34b: {  	v0 =	vor.u32 v0, v1  }
0x34c: {  	v1 =	vperm.xlane v0, v32;
	_ =	sdelay $0x1  }
0x34d: {  	v0 =	vperm.xlane v0, v34;
	v1 =	vadd.s32 v33, v1;
	_ =	sdelay $0x1  }
0x34e: {  	v0 =	vadd.s32 v33, v0;
	_ =	sdelay $0x1  }
0x34f: {  	s21 =	simm.s32 $0x6800  }
0x350: {  	[tilespmem:s21], [sflag:$0x1] =	stream.indirect_vreg.gather [hbm4b:s3+s2], $0x80, v1, vm0, $0xb8;
	[tilespmem:$0x18800] =	vst v63  }
0x351: {  	s20 =	simm.s32 $0x7000  }
0x352: {  	[tilespmem:s20], [sflag:$0x1] =	stream.indirect_vreg.gather [hbm4b:s3+s2], $0x80, v0, vm0, $0xb8;
	[tilespmem:$0x18800] =	vst v63  }
0x353: {  	v0 =	vld [tilespmem:$0x370];
	_ =	sdelay $0x4  }
0x354: {  	v54 =	vshll.u32 v0, $0x1  }
0x355: {  	v0 =	vand.u32 $0x7, v0;
	v1 =	vand.u32 $0xFFFFFFF0, v54  }
0x356: {  	v0 =	vor.u32 v0, v1  }
0x357: {  	v1 =	vperm.xlane v0, v32;
	_ =	sdelay $0x1  }
0x358: {  	v0 =	vperm.xlane v0, v34;
	v1 =	vadd.s32 v33, v1;
	_ =	sdelay $0x1  }
0x359: {  	v0 =	vadd.s32 v33, v0;
	_ =	sdelay $0x1  }
0x35a: {  	s21 =	simm.s32 $0x7800  }
0x35b: {  	[tilespmem:s21], [sflag:$0x1] =	stream.indirect_vreg.gather [hbm4b:s3+s2], $0x80, v1, vm0, $0xb8;
	[tilespmem:$0x18800] =	vst v63  }
0x35c: {  	s20 =	simm.s32 $0x8000  }
0x35d: {  	[tilespmem:s20], [sflag:$0x1] =	stream.indirect_vreg.gather [hbm4b:s3+s2], $0x80, v0, vm0, $0xb8;
	[tilespmem:$0x18800] =	vst v63  }
0x35e: {  	_ =	swait.ge [sflag:s26], $0x8000  }
0x35f: {  	[sflag:s26] =	ssyncset.done $0x0  }
0x360: {  	s21 =	rddreg [dreg:$0x9];
	[sflag:s26] =	ssyncadd.s32 $0xFFFF8000  }
0x361: {  	[hbm4b:s21+s2] =	stream.linear.scatter [tilespmem:s0], [sflag:$0x6], $0x8000, $0x38;
	[tilespmem:$0x18800] =	vst v63  }
0x362: {  	_ =	swait.ge [sflag:s18], $0x8000  }
0x363: {  	[sflag:s18] =	ssyncset.done $0x0  }
0x364: {  	[sflag:s18] =	ssyncadd.s32 $0xFFFF8000  }
0x365: {  	v55 =	vld [tilespmem:$0x380];
	_ =	sdelay $0x4  }
0x366: {  	v56 =	vshll.u32 v55, $0x1  }
0x367: {  	v0 =	vand.u32 $0x7, v55;
	v1 =	vand.u32 $0xFFFFFFF0, v56  }
0x368: {  	v0 =	vor.u32 v0, v1  }
0x369: {  	v1 =	vperm.xlane v0, v32;
	_ =	sdelay $0x1  }
0x36a: {  	v0 =	vperm.xlane v0, v34;
	v1 =	vadd.s32 v33, v1;
	_ =	sdelay $0x1  }
0x36b: {  	v0 =	vadd.s32 v33, v0;
	_ =	sdelay $0x2  }
0x36c: {  	[tilespmem:s17], [sflag:$0x2] =	stream.indirect_vreg.gather [hbm4b:s3+s2], $0x80, v1, vm0, $0xb8;
	[tilespmem:$0x18800] =	vst v63  }
0x36d: {  	s26 =	simm.s32 $0x9000  }
0x36e: {  	[tilespmem:s26], [sflag:$0x2] =	stream.indirect_vreg.gather [hbm4b:s3+s2], $0x80, v0, vm0, $0xb8;
	[tilespmem:$0x18800] =	vst v63  }
0x36f: {  	v0 =	vld [tilespmem:$0x390];
	_ =	sdelay $0x4  }
0x370: {  	v57 =	vshll.u32 v0, $0x1  }
0x371: {  	v0 =	vand.u32 $0x7, v0;
	v1 =	vand.u32 $0xFFFFFFF0, v57  }
0x372: {  	v0 =	vor.u32 v0, v1  }
0x373: {  	v1 =	vperm.xlane v0, v32;
	_ =	sdelay $0x1  }
0x374: {  	v0 =	vperm.xlane v0, v34;
	v1 =	vadd.s32 v33, v1;
	_ =	sdelay $0x1  }
0x375: {  	v0 =	vadd.s32 v33, v0;
	_ =	sdelay $0x1  }
0x376: {  	s1 =	simm.s32 $0x9800  }
0x377: {  	[tilespmem:s1], [sflag:$0x2] =	stream.indirect_vreg.gather [hbm4b:s3+s2], $0x80, v1, vm0, $0xb8;
	[tilespmem:$0x18800] =	vst v63  }
0x378: {  	s20 =	simm.s32 $0xA000  }
0x379: {  	[tilespmem:s20], [sflag:$0x2] =	stream.indirect_vreg.gather [hbm4b:s3+s2], $0x80, v0, vm0, $0xb8;
	[tilespmem:$0x18800] =	vst v63  }
0x37a: {  	v0 =	vld [tilespmem:$0x3A0];
	_ =	sdelay $0x4  }
0x37b: {  	v58 =	vshll.u32 v0, $0x1  }
0x37c: {  	v0 =	vand.u32 $0x7, v0;
	v1 =	vand.u32 $0xFFFFFFF0, v58  }
0x37d: {  	v0 =	vor.u32 v0, v1  }
0x37e: {  	v1 =	vperm.xlane v0, v32;
	_ =	sdelay $0x1  }
0x37f: {  	v0 =	vperm.xlane v0, v34;
	v1 =	vadd.s32 v33, v1;
	_ =	sdelay $0x1  }
0x380: {  	v0 =	vadd.s32 v33, v0;
	_ =	sdelay $0x1  }
0x381: {  	s21 =	simm.s32 $0xA800  }
0x382: {  	[tilespmem:s21], [sflag:$0x2] =	stream.indirect_vreg.gather [hbm4b:s3+s2], $0x80, v1, vm0, $0xb8;
	[tilespmem:$0x18800] =	vst v63  }
0x383: {  	s26 =	simm.s32 $0xB000  }
0x384: {  	[tilespmem:s26], [sflag:$0x2] =	stream.indirect_vreg.gather [hbm4b:s3+s2], $0x80, v0, vm0, $0xb8;
	[tilespmem:$0x18800] =	vst v63  }
0x385: {  	v0 =	vld [tilespmem:$0x3B0];
	_ =	sdelay $0x4  }
0x386: {  	v59 =	vshll.u32 v0, $0x1  }
0x387: {  	v0 =	vand.u32 $0x7, v0;
	v1 =	vand.u32 $0xFFFFFFF0, v59  }
0x388: {  	v0 =	vor.u32 v0, v1  }
0x389: {  	v1 =	vperm.xlane v0, v32;
	_ =	sdelay $0x1  }
0x38a: {  	v0 =	vperm.xlane v0, v34;
	v1 =	vadd.s32 v33, v1;
	_ =	sdelay $0x1  }
0x38b: {  	v0 =	vadd.s32 v33, v0;
	_ =	sdelay $0x1  }
0x38c: {  	s1 =	simm.s32 $0xB800  }
0x38d: {  	[tilespmem:s1], [sflag:$0x2] =	stream.indirect_vreg.gather [hbm4b:s3+s2], $0x80, v1, vm0, $0xb8;
	[tilespmem:$0x18800] =	vst v63  }
0x38e: {  	s20 =	simm.s32 $0xC000  }
0x38f: {  	[tilespmem:s20], [sflag:$0x2] =	stream.indirect_vreg.gather [hbm4b:s3+s2], $0x80, v0, vm0, $0xb8;
	[tilespmem:$0x18800] =	vst v63  }
0x390: {  	v0 =	vld [tilespmem:$0x3C0];
	_ =	sdelay $0x4  }
0x391: {  	v60 =	vshll.u32 v0, $0x1  }
0x392: {  	v0 =	vand.u32 $0x7, v0;
	v1 =	vand.u32 $0xFFFFFFF0, v60  }
0x393: {  	v0 =	vor.u32 v0, v1  }
0x394: {  	v1 =	vperm.xlane v0, v32;
	_ =	sdelay $0x1  }
0x395: {  	v0 =	vperm.xlane v0, v34;
	v1 =	vadd.s32 v33, v1;
	_ =	sdelay $0x1  }
0x396: {  	v0 =	vadd.s32 v33, v0;
	_ =	sdelay $0x1  }
0x397: {  	s21 =	simm.s32 $0xC800  }
0x398: {  	[tilespmem:s21], [sflag:$0x2] =	stream.indirect_vreg.gather [hbm4b:s3+s2], $0x80, v1, vm0, $0xb8;
	[tilespmem:$0x18800] =	vst v63  }
0x399: {  	s26 =	simm.s32 $0xD000  }
0x39a: {  	[tilespmem:s26], [sflag:$0x2] =	stream.indirect_vreg.gather [hbm4b:s3+s2], $0x80, v0, vm0, $0xb8;
	[tilespmem:$0x18800] =	vst v63  }
0x39b: {  	v0 =	vld [tilespmem:$0x3D0];
	_ =	sdelay $0x4  }
0x39c: {  	v61 =	vshll.u32 v0, $0x1  }
0x39d: {  	v0 =	vand.u32 $0x7, v0;
	v1 =	vand.u32 $0xFFFFFFF0, v61  }
0x39e: {  	v0 =	vor.u32 v0, v1  }
0x39f: {  	v1 =	vperm.xlane v0, v32;
	_ =	sdelay $0x1  }
0x3a0: {  	v0 =	vperm.xlane v0, v34;
	v1 =	vadd.s32 v33, v1;
	_ =	sdelay $0x1  }
0x3a1: {  	v0 =	vadd.s32 v33, v0;
	_ =	sdelay $0x1  }
0x3a2: {  	s1 =	simm.s32 $0xD800  }
0x3a3: {  	[tilespmem:s1], [sflag:$0x2] =	stream.indirect_vreg.gather [hbm4b:s3+s2], $0x80, v1, vm0, $0xb8;
	[tilespmem:$0x18800] =	vst v63  }
0x3a4: {  	s20 =	simm.s32 $0xE000  }
0x3a5: {  	[tilespmem:s20], [sflag:$0x2] =	stream.indirect_vreg.gather [hbm4b:s3+s2], $0x80, v0, vm0, $0xb8;
	[tilespmem:$0x18800] =	vst v63  }
0x3a6: {  	v0 =	vld [tilespmem:$0x3E0];
	_ =	sdelay $0x4  }
0x3a7: {  	v62 =	vshll.u32 v0, $0x1  }
0x3a8: {  	v0 =	vand.u32 $0x7, v0;
	v1 =	vand.u32 $0xFFFFFFF0, v62  }
0x3a9: {  	v0 =	vor.u32 v0, v1  }
0x3aa: {  	v1 =	vperm.xlane v0, v32;
	_ =	sdelay $0x1  }
0x3ab: {  	v0 =	vperm.xlane v0, v34;
	v1 =	vadd.s32 v33, v1;
	_ =	sdelay $0x1  }
0x3ac: {  	v0 =	vadd.s32 v33, v0;
	_ =	sdelay $0x1  }
0x3ad: {  	s21 =	simm.s32 $0xE800  }
0x3ae: {  	[tilespmem:s21], [sflag:$0x2] =	stream.indirect_vreg.gather [hbm4b:s3+s2], $0x80, v1, vm0, $0xb8;
	[tilespmem:$0x18800] =	vst v63  }
0x3af: {  	s26 =	simm.s32 $0xF000  }
0x3b0: {  	[tilespmem:s26], [sflag:$0x2] =	stream.indirect_vreg.gather [hbm4b:s3+s2], $0x80, v0, vm0, $0xb8;
	[tilespmem:$0x18800] =	vst v63  }
0x3b1: {  	v0 =	vld [tilespmem:$0x3F0];
	_ =	sdelay $0x4  }
0x3b2: {  	v63 =	vshll.u32 v0, $0x1  }
0x3b3: {  	v0 =	vand.u32 $0x7, v0;
	v1 =	vand.u32 $0xFFFFFFF0, v63  }
0x3b4: {  	v0 =	vor.u32 v0, v1  }
0x3b5: {  	v1 =	vperm.xlane v0, v32;
	_ =	sdelay $0x1  }
0x3b6: {  	v0 =	vperm.xlane v0, v34;
	v1 =	vadd.s32 v33, v1;
	_ =	sdelay $0x1  }
0x3b7: {  	v0 =	vadd.s32 v33, v0;
	_ =	sdelay $0x1  }
0x3b8: {  	s1 =	simm.s32 $0xF800  }
0x3b9: {  	[tilespmem:s1], [sflag:$0x2] =	stream.indirect_vreg.gather [hbm4b:s3+s2], $0x80, v1, vm0, $0xb8;
	[tilespmem:$0x18800] =	vst v63  }
0x3ba: {  	s20 =	simm.s32 $0x10000  }
0x3bb: {  	[tilespmem:s20], [sflag:$0x2] =	stream.indirect_vreg.gather [hbm4b:s3+s2], $0x80, v0, vm0, $0xb8;
	[tilespmem:$0x18800] =	vst v63  }
0x3bc: {  	_ =	swait.ge [sflag:s29], $0x8000  }
0x3bd: {  	[sflag:s29] =	ssyncset.done $0x0  }
0x3be: {  	s21 =	rddreg [dreg:$0xa];
	[sflag:s29] =	ssyncadd.s32 $0xFFFF8000  }
0x3bf: {  	[hbm4b:s21+s2] =	stream.linear.scatter [tilespmem:s23], [sflag:$0x4], $0x8000, $0x38;
	[tilespmem:$0x18800] =	vst v63  }
0x3c0: {  	_ =	swait.ge [sflag:s15], $0x8000  }
0x3c1: {  	[sflag:s15] =	ssyncset.done $0x0  }
0x3c2: {  	s26 =	rddreg [dreg:$0xb];
	[sflag:s15] =	ssyncadd.s32 $0xFFFF8000  }
0x3c3: {  	[hbm4b:s26+s2] =	stream.linear.scatter [tilespmem:s17], [sflag:$0x5], $0x8000, $0x38;
	[tilespmem:$0x18800] =	vst v63  }
0x3c4: {  	_ =	swait.ge [sflag:s28], $0x8000  }
0x3c5: {  	[sflag:s28] =	ssyncset.done $0x0  }
0x3c6: {  	[sflag:s28] =	ssyncadd.s32 $0xFFFF8000  }
0x3c7: {  	p0 =	sne.s32 s5, $0x1;
	_ =	swait.ge [sflag:s16], $0x8000  }
.Ltmp0:
0x3c8: {  	[sflag:s16] =	ssyncset.done $0x0;
	(pc) =	sbr.rel @p0 .LBB2_1-.Ltmp0, $4  }
0x3c9: {  	[sflag:s16] =	ssyncadd.s32 $0xFFFF8000  }
0x3ca: {  	_ =	swait.ge [sflag:s18], $0x8000  }
0x3cb: {  	[sflag:s18] =	ssyncset.done $0x0  }
0x3cc: {  	s5 =	sadd.s32 $0xFFFFFFFF, s5;
	[sflag:s18] =	ssyncadd.s32 $0xFFFF8000  }
0x3cd: {  	_ =	sfence.sel $0x180000  }
0x3ce: {  	[bflag:$0x0] =	sbarrier.arrive $0xFFFF  }
0x3cf: {  	_ =	strace $0x90000047  }
0x3d0: {  	s0 =	stileid.u32;
	[bflag:$0x2] =	sbarrier.arrive $0xFFFF  }
0x3d1: {  	p0 =	sne.s32 s0, $0x0;
	s0 =	rddreg [dreg:$0x2]  }
0x3d2: {  	s0 =	sadd.s32 @!p0 $0x100000, s0  }
0x3d3: {  	[sflag:s0] =	ssyncadd.tile.s32 @!p0 $0x1;
	_ =	shalt  }
.Lfunc_end2:
_tile_overlayer_lowered:
.L_overlay_start_2:
0x3d4: {  	(tag) =	ssettag $0x2  }
0x3d5: {  	s0 =	rddreg [dreg:$0x0];
	s2 =	stileid.u32  }
0x3d6: {  	s1 =	rddreg [dreg:$0x1];
	p0 =	sne.s32 s2, $0x0  }
0x3d7: {  	s3 =	rddreg [dreg:$0x2];
	[bflag:$0x3] =	sbarrier.arrive $0xFFFF;
	s2 =	simm.s32 @!p0 $0x1C07  }
0x3d8: {  	[timem:s3], [sflag:s2] =	dma.local @!p0 [hbm:s0], s1  }
0x3d9: {  	s0 =	simm.s32 @!p0 $0x7  }
0x3da: {  	_ =	swait.ge @!p0 [sflag:s0], s1  }
0x3db: {  	s1 =	ssub.s32 @!p0 $0x0, s1;
	[sflag:s0] =	ssyncset.done @!p0 $0x0  }
0x3dc: {  	[sflag:s0] =	ssyncadd.s32 @!p0 s1  }
0x3dd: {  	[bflag:$0x3] =	sbarrier.arrive $0xFFFF  }
0x3de: {  	_ =	shalt  }

</sc_bundles>
